<compile_context>
chip_gen: v7x
topology: tpu7x:2x2x1
jax: 0.10.2.dev20260603
libtpu: 0.0.44.dev20260713+nightly
codegen_flags: <defaults>
</compile_context>

<pallas_src>
import functools

import jax
import jax.numpy as jnp
from jax import lax
from jax.experimental import pallas as pl
from jax.experimental.pallas import tpu as pltpu
from jax.experimental.pallas import tpu_sc as plsc

N = 10000
D_IN = 128
D_HID = 64
D_OUT2 = 8
E = 320000

NC = 2
NS = 16
CH = 128
CPT_SUM = 157
NCHT = NS * CPT_SUM
E_PAD = NCHT * CH
NPAD = 10240
ROWS_PT = NPAD // NS

SPLIT_DEG = (79, 78)
SPLIT1 = (110, 47)
SPLIT2 = (88, 69)

BN = 1000
NB = N // BN

_MESH = plsc.VectorSubcoreMesh(core_axis_name="c", subcore_axis_name="s")
_SC_PARAMS = pltpu.CompilerParams(use_tc_tiling_on_sc=False)



def _sc_degree(dst2, ones_h, zeros_h):
    cpt_max = max(SPLIT_DEG)

    @functools.partial(
        pl.kernel,
        out_type=jax.ShapeDtypeStruct((NC, NPAD, 1), jnp.float32),
        mesh=_MESH,
        scratch_types=[
            pltpu.VMEM((cpt_max, CH), jnp.int32),
            pltpu.VMEM((CH, 1), jnp.float32),
            pltpu.VMEM_SHARED((NPAD, 1), jnp.float32),
        ],
        compiler_params=_SC_PARAMS,
    )
    def k(dst_h, ones_hbm, zeros_hbm, parts, didx, ones_v, dacc):
        c = lax.axis_index("c")
        s = lax.axis_index("s")
        pltpu.sync_copy(zeros_hbm, dacc.at[pl.ds(s * ROWS_PT, ROWS_PT)])
        pltpu.sync_copy(ones_hbm, ones_v)

        for ci in range(NC):
            cpt = SPLIT_DEG[ci]
            base = 0 if ci == 0 else NS * SPLIT_DEG[0]

            @pl.when(c == ci)
            def _(cpt=cpt, base=base):
                start = base + s * cpt
                pltpu.sync_copy(dst_h.at[pl.ds(start, cpt)],
                                didx.at[pl.ds(0, cpt)])
                plsc.subcore_barrier()

                @pl.loop(0, cpt)
                def _(j):
                    pltpu.sync_copy(ones_v, dacc.at[didx.at[j]], add=True)

        plsc.subcore_barrier()
        pltpu.sync_copy(
            dacc.at[pl.ds(s * ROWS_PT, ROWS_PT)],
            parts.at[c, pl.ds(s * ROWS_PT, ROWS_PT)],
        )

    return k(dst2, ones_h, zeros_h)


def _sc_aggregate(table, src2, dst2, zeros_h, width, split):
    cpt_max = max(split)

    @functools.partial(
        pl.kernel,
        out_type=jax.ShapeDtypeStruct((NC, NPAD, width), jnp.float32),
        mesh=_MESH,
        scratch_types=[
            pltpu.VMEM((cpt_max, CH), jnp.int32),
            pltpu.VMEM((cpt_max, CH), jnp.int32),
            [pltpu.VMEM((CH, width), jnp.float32) for _ in range(4)],
            pltpu.VMEM_SHARED((NPAD, width), jnp.float32),
            [pltpu.SemaphoreType.DMA for _ in range(4)],
        ],
        compiler_params=_SC_PARAMS,
    )
    def k(tab_h, src_h, dst_h, zeros_hbm, parts,
          sidx, didx, rows, acc, sems):
        c = lax.axis_index("c")
        s = lax.axis_index("s")

        @pl.loop(0, ROWS_PT // CH)
        def _(kk):
            pltpu.sync_copy(zeros_hbm, acc.at[pl.ds(s * ROWS_PT + kk * CH, CH)])

        for ci in range(NC):
            cpt = split[ci]
            base = 0 if ci == 0 else NS * split[0]

            @pl.when(c == ci)
            def _(cpt=cpt, base=base):
                start = base + s * cpt
                pltpu.sync_copy(src_h.at[pl.ds(start, cpt)],
                                sidx.at[pl.ds(0, cpt)])
                pltpu.sync_copy(dst_h.at[pl.ds(start, cpt)],
                                didx.at[pl.ds(0, cpt)])
                plsc.subcore_barrier()

                for j in range(3):
                    pltpu.make_async_copy(
                        tab_h.at[sidx.at[j]], rows[j], sems[j]).start()

                @pl.loop(0, (cpt + 3) // 4)
                def _(i):
                    for b in range(4):
                        j = 4 * i + b
                        nxt = j + 3
                        bn = (b + 3) % 4

                        @pl.when(nxt < cpt)
                        def _():
                            pltpu.make_async_copy(
                                tab_h.at[sidx.at[nxt]], rows[bn], sems[bn]
                            ).start()

                        @pl.when(j < cpt)
                        def _():
                            pltpu.make_async_copy(
                                tab_h.at[sidx.at[j]], rows[b], sems[b]
                            ).wait()
                            pltpu.sync_copy(rows[b], acc.at[didx.at[j]],
                                            add=True)

        plsc.subcore_barrier()

        @pl.loop(0, ROWS_PT // CH)
        def _(kk):
            r = s * ROWS_PT + kk * CH
            pltpu.sync_copy(acc.at[pl.ds(r, CH)], parts.at[c, pl.ds(r, CH)])

    return k(table, src2, dst2, zeros_h)



def _tc_matmul1(x, W1):
    def body(x_ref, w_ref, o_ref):
        o_ref[...] = jnp.dot(x_ref[...], w_ref[...],
                             preferred_element_type=jnp.float32)

    return pl.pallas_call(
        body, out_shape=jax.ShapeDtypeStruct((N, D_HID), jnp.float32)
    )(x, W1)


def _tc_scale(h1, deg_parts):

    def body(h_ref, dp_ref, g_ref, dinv_ref):
        deg = dp_ref[0, :N] + dp_ref[1, :N] + 1.0
        dinv = lax.rsqrt(deg)
        dinv_ref[...] = dinv
        g_ref[...] = h_ref[...] * dinv

    return pl.pallas_call(
        body,
        out_shape=[
            jax.ShapeDtypeStruct((N, D_HID), jnp.float32),
            jax.ShapeDtypeStruct((N, 1), jnp.float32),
        ],
    )(h1, deg_parts)


def _tc_layer2_in(parts1, g1, dinv, b1r, w2p):

    def body(p_ref, g1_ref, dinv_ref, b1_ref, w2_ref, g2_ref):
        s1 = p_ref[0, :N] + p_ref[1, :N] + g1_ref[...]
        a1 = jnp.maximum(s1 * dinv_ref[...] + b1_ref[...], 0.0)
        h2 = jnp.dot(a1, w2_ref[...], preferred_element_type=jnp.float32)
        g2_ref[...] = h2 * dinv_ref[...]

    return pl.pallas_call(
        body, out_shape=jax.ShapeDtypeStruct((N, D_OUT2), jnp.float32)
    )(parts1, g1, dinv, b1r, w2p)


def _tc_final(parts2, g2, dinv, b2r):
    def body(p_ref, g2_ref, dinv_ref, b2_ref, o_ref):
        res = ((p_ref[0, :N] + p_ref[1, :N] + g2_ref[...])
               * dinv_ref[...] + b2_ref[...])
        o_ref[...] = res[:, :2]

    return pl.pallas_call(
        body, out_shape=jax.ShapeDtypeStruct((N, 2), jnp.float32)
    )(parts2, g2, dinv, b2r)



def kernel(x, edge_index, W1, b1, W2, b2):
    pad = E_PAD - E
    src2 = jnp.concatenate(
        [edge_index[0], jnp.zeros((pad,), jnp.int32)]).reshape(NCHT, CH)
    dst2 = jnp.concatenate(
        [edge_index[1], jnp.full((pad,), N, jnp.int32)]).reshape(NCHT, CH)

    ones_h = jnp.ones((CH, 1), jnp.float32)
    zeros_deg = jnp.zeros((ROWS_PT, 1), jnp.float32)
    zeros64 = jnp.zeros((CH, D_HID), jnp.float32)
    zeros8 = jnp.zeros((CH, D_OUT2), jnp.float32)
    b1r = b1.reshape(1, D_HID)
    b2r = jnp.pad(b2, (0, D_OUT2 - b2.shape[0])).reshape(1, D_OUT2)
    w2p = jnp.pad(W2, ((0, 0), (0, D_OUT2 - W2.shape[1])))

    deg_parts = _sc_degree(dst2, ones_h, zeros_deg)
    h1 = _tc_matmul1(x, W1)

    g1, dinv = _tc_scale(h1, deg_parts)

    parts1 = _sc_aggregate(g1, src2, dst2, zeros64, D_HID, SPLIT1)
    g2 = _tc_layer2_in(parts1, g1, dinv, b1r, w2p)

    parts2 = _sc_aggregate(g2, src2, dst2, zeros8, D_OUT2, SPLIT2)
    return _tc_final(parts2, g2, dinv, b2r)

# --- scband reference (transcript-rebuilt; emitter-appended) ---
"""Pipeline reference for scband-gcnclassifier-23648089931784 (READ-ONLY COPY).

The authoritative reference and input builder live on the scoring server;
editing this copy changes nothing except your own understanding.
"""

import jax, jax.numpy as jnp
import numpy as np

N = 10000
E = 320000
D_IN = 128
D_HID = 64
N_CLS = 2

def setup_inputs(seed: int = 0) -> dict:
    key = jax.random.key(seed)
    k1, k2, k3, k4 = jax.random.split(key, 4)
    x = jax.random.normal(k1, (N, D_IN), dtype=jnp.float32)
    edge_index = jax.random.randint(k2, (2, E), 0, N, dtype=jnp.int32)
    W1 = jax.random.normal(k3, (D_IN, D_HID), dtype=jnp.float32) * (1.0 / np.sqrt(D_IN))
    b1 = jnp.zeros((D_HID,), dtype=jnp.float32)
    W2 = jax.random.normal(k4, (D_HID, N_CLS), dtype=jnp.float32) * (1.0 / np.sqrt(D_HID))
    b2 = jnp.zeros((N_CLS,), dtype=jnp.float32)
    return {"x": x, "edge_index": edge_index, "W1": W1, "b1": b1, "W2": W2, "b2": b2}

def _gcn_conv(x, src, dst, W, b):
    # GCNConv: D^{-1/2} (A + I) D^{-1/2} X W + b  (self-loops already appended to src/dst)
    n = x.shape[0]
    deg = jnp.zeros((n,), dtype=x.dtype).at[dst].add(1.0)
    dinv = jnp.where(deg > 0, 1.0 / jnp.sqrt(deg), 0.0)
    norm = dinv[src] * dinv[dst]
    h = x @ W
    msg = h[src] * norm[:, None]
    out = jnp.zeros((n, W.shape[1]), dtype=x.dtype).at[dst].add(msg)
    return out + b

def reference(x, edge_index, W1, b1, W2, b2):
    n = x.shape[0]
    loop = jnp.arange(n, dtype=edge_index.dtype)
    src = jnp.concatenate([edge_index[0], loop])
    dst = jnp.concatenate([edge_index[1], loop])
    h = jax.nn.relu(_gcn_conv(x, src, dst, W1, b1))
    # F.dropout with training=False is identity in eval mode
    out = _gcn_conv(h, src, dst, W2, b2)
    return out

if __name__ == "__main__":
    import jax
    _d = setup_inputs()
    print(jax.jit(kernel)(*tuple(_d.values())))

</pallas_src>

<mosaic_0001>
#map = affine_map<(d0, d1) -> (0, 0)>
#map1 = affine_map<(d0, d1) -> (0, 0, 0)>
module attributes {stable_mosaic.version = 14 : i64} {
  func.func @k(%arg0: i32, %arg1: i32, %arg2: memref<2512x128xi32, #tpu.memory_space<hbm>>, %arg3: memref<128x1xf32, #tpu.memory_space<hbm>>, %arg4: memref<640x1xf32, #tpu.memory_space<hbm>>, %arg5: memref<2x10240x1xf32, #tpu.memory_space<hbm>>, %arg6: memref<79x128xi32, #tpu.memory_space<vmem>>, %arg7: memref<128x1xf32, #tpu.memory_space<vmem>>, %arg8: memref<10240x1xf32, #tpu.memory_space<vmem_shared>>) attributes {dimension_semantics = [#tpu.dimension_semantics<core_parallel>, #tpu.dimension_semantics<subcore_parallel>], iteration_bounds = array<i64: 2, 16>, scalar_prefetch = 0 : i64, scratch_operands = 3 : i64, tpu.core_type = #tpu.core_type<sc_vector_subcore>, window_params = [{transform_indices = #map}, {transform_indices = #map}, {transform_indices = #map}, {transform_indices = #map1}]} {
    %mul3A = arith.constant 640 : i32
    %mul3A_0 = arith.muli %arg1, %mul3A : i32
    "tpu.region"() ({
      %run_scoped3A = tpu.sem_alloc : memref<!tpu.dma_semaphore, #tpu.memory_space<semaphore_mem>>
      %dma_start3A = arith.constant 0 : i32
      %dma_start3A_12 = tpu.memref_slice %arg8[%mul3A_0, %dma_start3A] : memref<10240x1xf32, #tpu.memory_space<vmem_shared>> -> memref<640x1xf32, #tpu.memory_space<vmem_shared>>
      tpu.enqueue_dma source(%arg4 : memref<640x1xf32, #tpu.memory_space<hbm>>) target(%dma_start3A_12 : memref<640x1xf32, #tpu.memory_space<vmem_shared>>) target_semaphore(%run_scoped3A : memref<!tpu.dma_semaphore, #tpu.memory_space<semaphore_mem>>)
      %dma_wait3A = arith.constant 0 : i32
      %dma_wait3A_13 = tpu.memref_slice %arg8[%mul3A_0, %dma_wait3A] : memref<10240x1xf32, #tpu.memory_space<vmem_shared>> -> memref<640x1xf32, #tpu.memory_space<vmem_shared>>
      tpu.wait_dma2 semaphore(%run_scoped3A : memref<!tpu.dma_semaphore, #tpu.memory_space<semaphore_mem>>) src(%arg4 : memref<640x1xf32, #tpu.memory_space<hbm>>) dst(%dma_wait3A_13 : memref<640x1xf32, #tpu.memory_space<vmem_shared>>)
      tpu.yield
    }) : () -> ()
    "tpu.region"() ({
      %run_scoped3A = tpu.sem_alloc : memref<!tpu.dma_semaphore, #tpu.memory_space<semaphore_mem>>
      tpu.enqueue_dma source(%arg3 : memref<128x1xf32, #tpu.memory_space<hbm>>) target(%arg7 : memref<128x1xf32, #tpu.memory_space<vmem>>) target_semaphore(%run_scoped3A : memref<!tpu.dma_semaphore, #tpu.memory_space<semaphore_mem>>)
      tpu.wait_dma2 semaphore(%run_scoped3A : memref<!tpu.dma_semaphore, #tpu.memory_space<semaphore_mem>>) src(%arg3 : memref<128x1xf32, #tpu.memory_space<hbm>>) dst(%arg7 : memref<128x1xf32, #tpu.memory_space<vmem>>)
      tpu.yield
    }) : () -> ()
    %eq3A = arith.constant 0 : i32
    %eq3A_1 = arith.cmpi eq, %arg0, %eq3A : i32
    %convert_element_type3A = arith.extui %eq3A_1 : i1 to i32
    %cond3A = arith.constant 0 : i32
    %cond3A_2 = arith.cmpi ne, %convert_element_type3A, %cond3A : i32
    scf.if %cond3A_2 {
      %mul3A_12 = arith.constant 79 : i32
      %mul3A_13 = arith.muli %arg1, %mul3A_12 : i32
      %add3A = arith.constant 0 : i32
      %add3A_14 = arith.addi %add3A, %mul3A_13 : i32
      "tpu.region"() ({
        %run_scoped3A = tpu.sem_alloc : memref<!tpu.dma_semaphore, #tpu.memory_space<semaphore_mem>>
        %dma_start3A = arith.constant 0 : i32
        %dma_start3A_20 = arith.constant 0 : i32
        %dma_start3A_21 = tpu.memref_slice %arg6[%dma_start3A, %dma_start3A_20] : memref<79x128xi32, #tpu.memory_space<vmem>> -> memref<79x128xi32, #tpu.memory_space<vmem>>
        %dma_start3A_22 = arith.constant 0 : i32
        %dma_start3A_23 = tpu.memref_slice %arg2[%add3A_14, %dma_start3A_22] : memref<2512x128xi32, #tpu.memory_space<hbm>> -> memref<79x128xi32, #tpu.memory_space<hbm>>
        %dma_start3A_24 = arith.constant 0 : i32
        %dma_start3A_25 = arith.constant 0 : i32
        %dma_start3A_26 = tpu.memref_slice %arg6[%dma_start3A_24, %dma_start3A_25] : memref<79x128xi32, #tpu.memory_space<vmem>> -> memref<79x128xi32, #tpu.memory_space<vmem>>
        %dma_start3A_27 = arith.constant 0 : i32
        %dma_start3A_28 = tpu.memref_slice %arg2[%add3A_14, %dma_start3A_27] : memref<2512x128xi32, #tpu.memory_space<hbm>> -> memref<79x128xi32, #tpu.memory_space<hbm>>
        tpu.enqueue_dma source(%dma_start3A_28 : memref<79x128xi32, #tpu.memory_space<hbm>>) target(%dma_start3A_26 : memref<79x128xi32, #tpu.memory_space<vmem>>) target_semaphore(%run_scoped3A : memref<!tpu.dma_semaphore, #tpu.memory_space<semaphore_mem>>)
        %dma_wait3A = arith.constant 0 : i32
        %dma_wait3A_29 = arith.constant 0 : i32
        %dma_wait3A_30 = tpu.memref_slice %arg6[%dma_wait3A, %dma_wait3A_29] : memref<79x128xi32, #tpu.memory_space<vmem>> -> memref<79x128xi32, #tpu.memory_space<vmem>>
        %dma_wait3A_31 = arith.constant 0 : i32
        %dma_wait3A_32 = tpu.memref_slice %arg2[%add3A_14, %dma_wait3A_31] : memref<2512x128xi32, #tpu.memory_space<hbm>> -> memref<79x128xi32, #tpu.memory_space<hbm>>
        %dma_wait3A_33 = arith.constant 0 : i32
        %dma_wait3A_34 = arith.constant 0 : i32
        %dma_wait3A_35 = tpu.memref_slice %arg6[%dma_wait3A_33, %dma_wait3A_34] : memref<79x128xi32, #tpu.memory_space<vmem>> -> memref<79x128xi32, #tpu.memory_space<vmem>>
        %dma_wait3A_36 = arith.constant 0 : i32
        %dma_wait3A_37 = tpu.memref_slice %arg2[%add3A_14, %dma_wait3A_36] : memref<2512x128xi32, #tpu.memory_space<hbm>> -> memref<79x128xi32, #tpu.memory_space<hbm>>
        tpu.wait_dma2 semaphore(%run_scoped3A : memref<!tpu.dma_semaphore, #tpu.memory_space<semaphore_mem>>) src(%dma_wait3A_37 : memref<79x128xi32, #tpu.memory_space<hbm>>) dst(%dma_wait3A_35 : memref<79x128xi32, #tpu.memory_space<vmem>>)
        tpu.yield
      }) : () -> ()
      %barrier3A_15 = arith.constant 0 : index
      tpu.barrier barrier_id(%barrier3A_15)
      %scan3A = arith.constant 0 : i32
      %scan3A_16 = arith.constant 79 : i32
      %scan3A_17 = arith.addi %scan3A, %scan3A_16 : i32
      %scan3A_18 = arith.constant 1 : i32
      scf.for %scan3A_20 = %scan3A to %scan3A_17 step %scan3A_18  : i32 {
        %mul3A_21 = arith.constant 1 : i32
        %mul3A_22 = arith.muli %scan3A_20, %mul3A_21 : i32
        %add3A_23 = arith.constant 0 : i32
        %add3A_24 = arith.addi %add3A_23, %mul3A_22 : i32
        "tpu.region"() ({
          %run_scoped3A = tpu.sem_alloc : memref<!tpu.dma_semaphore, #tpu.memory_space<semaphore_mem>>
          %dma_start3A = arith.constant 0 : i32
          %dma_start3A_25 = tpu.memref_slice %arg6[%add3A_24, %dma_start3A] : memref<79x128xi32, #tpu.memory_space<vmem>> -> memref<1x128xi32, #tpu.memory_space<vmem>>
          %dma_start3A_26 = tpu.memref_squeeze %dma_start3A_25 : memref<1x128xi32, #tpu.memory_space<vmem>> -> memref<128xi32, #tpu.memory_space<vmem>>
          %dma_start3A_27 = arith.constant 0 : i32
          %dma_start3A_28 = arith.constant 0 : i32
          %dma_start3A_29 = tpu.memref_slice %arg8[%dma_start3A_27, %dma_start3A_28] : memref<10240x1xf32, #tpu.memory_space<vmem_shared>> -> memref<10240x1xf32, #tpu.memory_space<vmem_shared>>
          tpu.enqueue_indirect_dma source(%arg7 : memref<128x1xf32, #tpu.memory_space<vmem>>) target(%dma_start3A_29 : memref<10240x1xf32, #tpu.memory_space<vmem_shared>>) offsets(%dma_start3A_26 : memref<128xi32, #tpu.memory_space<vmem>>) semaphore(%run_scoped3A : memref<!tpu.dma_semaphore, #tpu.memory_space<semaphore_mem>>) {add = true}
          %dma_wait3A = arith.constant 0 : i32
          %dma_wait3A_30 = tpu.memref_slice %arg6[%add3A_24, %dma_wait3A] : memref<79x128xi32, #tpu.memory_space<vmem>> -> memref<1x128xi32, #tpu.memory_space<vmem>>
          %dma_wait3A_31 = tpu.memref_squeeze %dma_wait3A_30 : memref<1x128xi32, #tpu.memory_space<vmem>> -> memref<128xi32, #tpu.memory_space<vmem>>
          %dma_wait3A_32 = arith.constant 0 : i32
          %dma_wait3A_33 = arith.constant 0 : i32
          %dma_wait3A_34 = tpu.memref_slice %arg8[%dma_wait3A_32, %dma_wait3A_33] : memref<10240x1xf32, #tpu.memory_space<vmem_shared>> -> memref<10240x1xf32, #tpu.memory_space<vmem_shared>>
          tpu.wait_indirect_dma semaphore(%run_scoped3A : memref<!tpu.dma_semaphore, #tpu.memory_space<semaphore_mem>>) src(%arg7 : memref<128x1xf32, #tpu.memory_space<vmem>>) dst(%dma_wait3A_34 : memref<10240x1xf32, #tpu.memory_space<vmem_shared>>)
          tpu.yield
        }) : () -> ()
      }
      %scan3A_19 = arith.constant 79 : i32
    } else {
    }
    %eq3A_3 = arith.constant 1 : i32
    %eq3A_4 = arith.cmpi eq, %arg0, %eq3A_3 : i32
    %convert_element_type3A_5 = arith.extui %eq3A_4 : i1 to i32
    %cond3A_6 = arith.constant 0 : i32
    %cond3A_7 = arith.cmpi ne, %convert_element_type3A_5, %cond3A_6 : i32
    scf.if %cond3A_7 {
      %mul3A_12 = arith.constant 78 : i32
      %mul3A_13 = arith.muli %arg1, %mul3A_12 : i32
      %add3A = arith.constant 1264 : i32
      %add3A_14 = arith.addi %add3A, %mul3A_13 : i32
      "tpu.region"() ({
        %run_scoped3A = tpu.sem_alloc : memref<!tpu.dma_semaphore, #tpu.memory_space<semaphore_mem>>
        %dma_start3A = arith.constant 0 : i32
        %dma_start3A_20 = arith.constant 0 : i32
        %dma_start3A_21 = tpu.memref_slice %arg6[%dma_start3A, %dma_start3A_20] : memref<79x128xi32, #tpu.memory_space<vmem>> -> memref<78x128xi32, #tpu.memory_space<vmem>>
        %dma_start3A_22 = arith.constant 0 : i32
        %dma_start3A_23 = tpu.memref_slice %arg2[%add3A_14, %dma_start3A_22] : memref<2512x128xi32, #tpu.memory_space<hbm>> -> memref<78x128xi32, #tpu.memory_space<hbm>>
        %dma_start3A_24 = arith.constant 0 : i32
        %dma_start3A_25 = arith.constant 0 : i32
        %dma_start3A_26 = tpu.memref_slice %arg6[%dma_start3A_24, %dma_start3A_25] : memref<79x128xi32, #tpu.memory_space<vmem>> -> memref<78x128xi32, #tpu.memory_space<vmem>>
        %dma_start3A_27 = arith.constant 0 : i32
        %dma_start3A_28 = tpu.memref_slice %arg2[%add3A_14, %dma_start3A_27] : memref<2512x128xi32, #tpu.memory_space<hbm>> -> memref<78x128xi32, #tpu.memory_space<hbm>>
        tpu.enqueue_dma source(%dma_start3A_28 : memref<78x128xi32, #tpu.memory_space<hbm>>) target(%dma_start3A_26 : memref<78x128xi32, #tpu.memory_space<vmem>>) target_semaphore(%run_scoped3A : memref<!tpu.dma_semaphore, #tpu.memory_space<semaphore_mem>>)
        %dma_wait3A = arith.constant 0 : i32
        %dma_wait3A_29 = arith.constant 0 : i32
        %dma_wait3A_30 = tpu.memref_slice %arg6[%dma_wait3A, %dma_wait3A_29] : memref<79x128xi32, #tpu.memory_space<vmem>> -> memref<78x128xi32, #tpu.memory_space<vmem>>
        %dma_wait3A_31 = arith.constant 0 : i32
        %dma_wait3A_32 = tpu.memref_slice %arg2[%add3A_14, %dma_wait3A_31] : memref<2512x128xi32, #tpu.memory_space<hbm>> -> memref<78x128xi32, #tpu.memory_space<hbm>>
        %dma_wait3A_33 = arith.constant 0 : i32
        %dma_wait3A_34 = arith.constant 0 : i32
        %dma_wait3A_35 = tpu.memref_slice %arg6[%dma_wait3A_33, %dma_wait3A_34] : memref<79x128xi32, #tpu.memory_space<vmem>> -> memref<78x128xi32, #tpu.memory_space<vmem>>
        %dma_wait3A_36 = arith.constant 0 : i32
        %dma_wait3A_37 = tpu.memref_slice %arg2[%add3A_14, %dma_wait3A_36] : memref<2512x128xi32, #tpu.memory_space<hbm>> -> memref<78x128xi32, #tpu.memory_space<hbm>>
        tpu.wait_dma2 semaphore(%run_scoped3A : memref<!tpu.dma_semaphore, #tpu.memory_space<semaphore_mem>>) src(%dma_wait3A_37 : memref<78x128xi32, #tpu.memory_space<hbm>>) dst(%dma_wait3A_35 : memref<78x128xi32, #tpu.memory_space<vmem>>)
        tpu.yield
      }) : () -> ()
      %barrier3A_15 = arith.constant 0 : index
      tpu.barrier barrier_id(%barrier3A_15)
      %scan3A = arith.constant 0 : i32
      %scan3A_16 = arith.constant 78 : i32
      %scan3A_17 = arith.addi %scan3A, %scan3A_16 : i32
      %scan3A_18 = arith.constant 1 : i32
      scf.for %scan3A_20 = %scan3A to %scan3A_17 step %scan3A_18  : i32 {
        %mul3A_21 = arith.constant 1 : i32
        %mul3A_22 = arith.muli %scan3A_20, %mul3A_21 : i32
        %add3A_23 = arith.constant 0 : i32
        %add3A_24 = arith.addi %add3A_23, %mul3A_22 : i32
        "tpu.region"() ({
          %run_scoped3A = tpu.sem_alloc : memref<!tpu.dma_semaphore, #tpu.memory_space<semaphore_mem>>
          %dma_start3A = arith.constant 0 : i32
          %dma_start3A_25 = tpu.memref_slice %arg6[%add3A_24, %dma_start3A] : memref<79x128xi32, #tpu.memory_space<vmem>> -> memref<1x128xi32, #tpu.memory_space<vmem>>
          %dma_start3A_26 = tpu.memref_squeeze %dma_start3A_25 : memref<1x128xi32, #tpu.memory_space<vmem>> -> memref<128xi32, #tpu.memory_space<vmem>>
          %dma_start3A_27 = arith.constant 0 : i32
          %dma_start3A_28 = arith.constant 0 : i32
          %dma_start3A_29 = tpu.memref_slice %arg8[%dma_start3A_27, %dma_start3A_28] : memref<10240x1xf32, #tpu.memory_space<vmem_shared>> -> memref<10240x1xf32, #tpu.memory_space<vmem_shared>>
          tpu.enqueue_indirect_dma source(%arg7 : memref<128x1xf32, #tpu.memory_space<vmem>>) target(%dma_start3A_29 : memref<10240x1xf32, #tpu.memory_space<vmem_shared>>) offsets(%dma_start3A_26 : memref<128xi32, #tpu.memory_space<vmem>>) semaphore(%run_scoped3A : memref<!tpu.dma_semaphore, #tpu.memory_space<semaphore_mem>>) {add = true}
          %dma_wait3A = arith.constant 0 : i32
          %dma_wait3A_30 = tpu.memref_slice %arg6[%add3A_24, %dma_wait3A] : memref<79x128xi32, #tpu.memory_space<vmem>> -> memref<1x128xi32, #tpu.memory_space<vmem>>
          %dma_wait3A_31 = tpu.memref_squeeze %dma_wait3A_30 : memref<1x128xi32, #tpu.memory_space<vmem>> -> memref<128xi32, #tpu.memory_space<vmem>>
          %dma_wait3A_32 = arith.constant 0 : i32
          %dma_wait3A_33 = arith.constant 0 : i32
          %dma_wait3A_34 = tpu.memref_slice %arg8[%dma_wait3A_32, %dma_wait3A_33] : memref<10240x1xf32, #tpu.memory_space<vmem_shared>> -> memref<10240x1xf32, #tpu.memory_space<vmem_shared>>
          tpu.wait_indirect_dma semaphore(%run_scoped3A : memref<!tpu.dma_semaphore, #tpu.memory_space<semaphore_mem>>) src(%arg7 : memref<128x1xf32, #tpu.memory_space<vmem>>) dst(%dma_wait3A_34 : memref<10240x1xf32, #tpu.memory_space<vmem_shared>>)
          tpu.yield
        }) : () -> ()
      }
      %scan3A_19 = arith.constant 78 : i32
    } else {
    }
    %barrier3A = arith.constant 0 : index
    tpu.barrier barrier_id(%barrier3A)
    %mul3A_8 = arith.constant 640 : i32
    %mul3A_9 = arith.muli %arg1, %mul3A_8 : i32
    %mul3A_10 = arith.constant 640 : i32
    %mul3A_11 = arith.muli %arg1, %mul3A_10 : i32
    "tpu.region"() ({
      %run_scoped3A = tpu.sem_alloc : memref<!tpu.dma_semaphore, #tpu.memory_space<semaphore_mem>>
      %dma_start3A = arith.constant 0 : i32
      %dma_start3A_12 = tpu.memref_slice %arg5[%arg0, %mul3A_11, %dma_start3A] : memref<2x10240x1xf32, #tpu.memory_space<hbm>> -> memref<1x640x1xf32, #tpu.memory_space<hbm>>
      %dma_start3A_13 = tpu.memref_squeeze %dma_start3A_12 : memref<1x640x1xf32, #tpu.memory_space<hbm>> -> memref<640x1xf32, #tpu.memory_space<hbm>>
      %dma_start3A_14 = arith.constant 0 : i32
      %dma_start3A_15 = tpu.memref_slice %arg8[%mul3A_9, %dma_start3A_14] : memref<10240x1xf32, #tpu.memory_space<vmem_shared>> -> memref<640x1xf32, #tpu.memory_space<vmem_shared>>
      tpu.enqueue_dma source(%dma_start3A_15 : memref<640x1xf32, #tpu.memory_space<vmem_shared>>) target(%dma_start3A_13 : memref<640x1xf32, #tpu.memory_space<hbm>>) target_semaphore(%run_scoped3A : memref<!tpu.dma_semaphore, #tpu.memory_space<semaphore_mem>>)
      %dma_wait3A = arith.constant 0 : i32
      %dma_wait3A_16 = tpu.memref_slice %arg5[%arg0, %mul3A_11, %dma_wait3A] : memref<2x10240x1xf32, #tpu.memory_space<hbm>> -> memref<1x640x1xf32, #tpu.memory_space<hbm>>
      %dma_wait3A_17 = tpu.memref_squeeze %dma_wait3A_16 : memref<1x640x1xf32, #tpu.memory_space<hbm>> -> memref<640x1xf32, #tpu.memory_space<hbm>>
      %dma_wait3A_18 = arith.constant 0 : i32
      %dma_wait3A_19 = tpu.memref_slice %arg8[%mul3A_9, %dma_wait3A_18] : memref<10240x1xf32, #tpu.memory_space<vmem_shared>> -> memref<640x1xf32, #tpu.memory_space<vmem_shared>>
      tpu.wait_dma2 semaphore(%run_scoped3A : memref<!tpu.dma_semaphore, #tpu.memory_space<semaphore_mem>>) src(%dma_wait3A_19 : memref<640x1xf32, #tpu.memory_space<vmem_shared>>) dst(%dma_wait3A_17 : memref<640x1xf32, #tpu.memory_space<hbm>>)
      tpu.yield
    }) : () -> ()
    return
  }
}

#map = affine_map<(d0, d1) -> (0, 0)>
#map1 = affine_map<(d0, d1) -> (0, 0, 0)>
module attributes {stable_mosaic.version = 14 : i64} {
  func.func @k(%arg0: i32, %arg1: i32, %arg2: memref<10000x64xf32, #tpu.memory_space<hbm>>, %arg3: memref<2512x128xi32, #tpu.memory_space<hbm>>, %arg4: memref<2512x128xi32, #tpu.memory_space<hbm>>, %arg5: memref<128x64xf32, #tpu.memory_space<hbm>>, %arg6: memref<2x10240x64xf32, #tpu.memory_space<hbm>>, %arg7: memref<110x128xi32, #tpu.memory_space<vmem>>, %arg8: memref<110x128xi32, #tpu.memory_space<vmem>>, %arg9: memref<128x64xf32, #tpu.memory_space<vmem>>, %arg10: memref<128x64xf32, #tpu.memory_space<vmem>>, %arg11: memref<128x64xf32, #tpu.memory_space<vmem>>, %arg12: memref<128x64xf32, #tpu.memory_space<vmem>>, %arg13: memref<10240x64xf32, #tpu.memory_space<vmem_shared>>, %arg14: memref<!tpu.dma_semaphore, #tpu.memory_space<semaphore_mem>>, %arg15: memref<!tpu.dma_semaphore, #tpu.memory_space<semaphore_mem>>, %arg16: memref<!tpu.dma_semaphore, #tpu.memory_space<semaphore_mem>>, %arg17: memref<!tpu.dma_semaphore, #tpu.memory_space<semaphore_mem>>) attributes {dimension_semantics = [#tpu.dimension_semantics<core_parallel>, #tpu.dimension_semantics<subcore_parallel>], iteration_bounds = array<i64: 2, 16>, scalar_prefetch = 0 : i64, scratch_operands = 11 : i64, tpu.core_type = #tpu.core_type<sc_vector_subcore>, window_params = [{transform_indices = #map}, {transform_indices = #map}, {transform_indices = #map}, {transform_indices = #map}, {transform_indices = #map1}]} {
    %scan3A = arith.constant 0 : i32
    %scan3A_0 = arith.constant 5 : i32
    %scan3A_1 = arith.addi %scan3A, %scan3A_0 : i32
    %scan3A_2 = arith.constant 1 : i32
    scf.for %scan3A_16 = %scan3A to %scan3A_1 step %scan3A_2  : i32 {
      %mul3A = arith.constant 1 : i32
      %mul3A_17 = arith.muli %scan3A_16, %mul3A : i32
      %add3A = arith.constant 0 : i32
      %add3A_18 = arith.addi %add3A, %mul3A_17 : i32
      %mul3A_19 = arith.constant 640 : i32
      %mul3A_20 = arith.muli %arg1, %mul3A_19 : i32
      %mul3A_21 = arith.constant 128 : i32
      %mul3A_22 = arith.muli %add3A_18, %mul3A_21 : i32
      %add3A_23 = arith.addi %mul3A_20, %mul3A_22 : i32
      "tpu.region"() ({
        %run_scoped3A = tpu.sem_alloc : memref<!tpu.dma_semaphore, #tpu.memory_space<semaphore_mem>>
        %dma_start3A = arith.constant 0 : i32
        %dma_start3A_24 = tpu.memref_slice %arg13[%add3A_23, %dma_start3A] : memref<10240x64xf32, #tpu.memory_space<vmem_shared>> -> memref<128x64xf32, #tpu.memory_space<vmem_shared>>
        tpu.enqueue_dma source(%arg5 : memref<128x64xf32, #tpu.memory_space<hbm>>) target(%dma_start3A_24 : memref<128x64xf32, #tpu.memory_space<vmem_shared>>) target_semaphore(%run_scoped3A : memref<!tpu.dma_semaphore, #tpu.memory_space<semaphore_mem>>)
        %dma_wait3A = arith.constant 0 : i32
        %dma_wait3A_25 = tpu.memref_slice %arg13[%add3A_23, %dma_wait3A] : memref<10240x64xf32, #tpu.memory_space<vmem_shared>> -> memref<128x64xf32, #tpu.memory_space<vmem_shared>>
        tpu.wait_dma2 semaphore(%run_scoped3A : memref<!tpu.dma_semaphore, #tpu.memory_space<semaphore_mem>>) src(%arg5 : memref<128x64xf32, #tpu.memory_space<hbm>>) dst(%dma_wait3A_25 : memref<128x64xf32, #tpu.memory_space<vmem_shared>>)
        tpu.yield
      }) : () -> ()
    }
    %scan3A_3 = arith.constant 5 : i32
    %eq3A = arith.constant 0 : i32
    %eq3A_4 = arith.cmpi eq, %arg0, %eq3A : i32
    %convert_element_type3A = arith.extui %eq3A_4 : i1 to i32
    %cond3A = arith.constant 0 : i32
    %cond3A_5 = arith.cmpi ne, %convert_element_type3A, %cond3A : i32
    scf.if %cond3A_5 {
      %mul3A = arith.constant 110 : i32
      %mul3A_16 = arith.muli %arg1, %mul3A : i32
      %add3A = arith.constant 0 : i32
      %add3A_17 = arith.addi %add3A, %mul3A_16 : i32
      "tpu.region"() ({
        %run_scoped3A = tpu.sem_alloc : memref<!tpu.dma_semaphore, #tpu.memory_space<semaphore_mem>>
        %dma_start3A_44 = arith.constant 0 : i32
        %dma_start3A_45 = arith.constant 0 : i32
        %dma_start3A_46 = tpu.memref_slice %arg7[%dma_start3A_44, %dma_start3A_45] : memref<110x128xi32, #tpu.memory_space<vmem>> -> memref<110x128xi32, #tpu.memory_space<vmem>>
        %dma_start3A_47 = arith.constant 0 : i32
        %dma_start3A_48 = tpu.memref_slice %arg3[%add3A_17, %dma_start3A_47] : memref<2512x128xi32, #tpu.memory_space<hbm>> -> memref<110x128xi32, #tpu.memory_space<hbm>>
        %dma_start3A_49 = arith.constant 0 : i32
        %dma_start3A_50 = arith.constant 0 : i32
        %dma_start3A_51 = tpu.memref_slice %arg7[%dma_start3A_49, %dma_start3A_50] : memref<110x128xi32, #tpu.memory_space<vmem>> -> memref<110x128xi32, #tpu.memory_space<vmem>>
        %dma_start3A_52 = arith.constant 0 : i32
        %dma_start3A_53 = tpu.memref_slice %arg3[%add3A_17, %dma_start3A_52] : memref<2512x128xi32, #tpu.memory_space<hbm>> -> memref<110x128xi32, #tpu.memory_space<hbm>>
        tpu.enqueue_dma source(%dma_start3A_53 : memref<110x128xi32, #tpu.memory_space<hbm>>) target(%dma_start3A_51 : memref<110x128xi32, #tpu.memory_space<vmem>>) target_semaphore(%run_scoped3A : memref<!tpu.dma_semaphore, #tpu.memory_space<semaphore_mem>>)
        %dma_wait3A = arith.constant 0 : i32
        %dma_wait3A_54 = arith.constant 0 : i32
        %dma_wait3A_55 = tpu.memref_slice %arg7[%dma_wait3A, %dma_wait3A_54] : memref<110x128xi32, #tpu.memory_space<vmem>> -> memref<110x128xi32, #tpu.memory_space<vmem>>
        %dma_wait3A_56 = arith.constant 0 : i32
        %dma_wait3A_57 = tpu.memref_slice %arg3[%add3A_17, %dma_wait3A_56] : memref<2512x128xi32, #tpu.memory_space<hbm>> -> memref<110x128xi32, #tpu.memory_space<hbm>>
        %dma_wait3A_58 = arith.constant 0 : i32
        %dma_wait3A_59 = arith.constant 0 : i32
        %dma_wait3A_60 = tpu.memref_slice %arg7[%dma_wait3A_58, %dma_wait3A_59] : memref<110x128xi32, #tpu.memory_space<vmem>> -> memref<110x128xi32, #tpu.memory_space<vmem>>
        %dma_wait3A_61 = arith.constant 0 : i32
        %dma_wait3A_62 = tpu.memref_slice %arg3[%add3A_17, %dma_wait3A_61] : memref<2512x128xi32, #tpu.memory_space<hbm>> -> memref<110x128xi32, #tpu.memory_space<hbm>>
        tpu.wait_dma2 semaphore(%run_scoped3A : memref<!tpu.dma_semaphore, #tpu.memory_space<semaphore_mem>>) src(%dma_wait3A_62 : memref<110x128xi32, #tpu.memory_space<hbm>>) dst(%dma_wait3A_60 : memref<110x128xi32, #tpu.memory_space<vmem>>)
        tpu.yield
      }) : () -> ()
      "tpu.region"() ({
        %run_scoped3A = tpu.sem_alloc : memref<!tpu.dma_semaphore, #tpu.memory_space<semaphore_mem>>
        %dma_start3A_44 = arith.constant 0 : i32
        %dma_start3A_45 = arith.constant 0 : i32
        %dma_start3A_46 = tpu.memref_slice %arg8[%dma_start3A_44, %dma_start3A_45] : memref<110x128xi32, #tpu.memory_space<vmem>> -> memref<110x128xi32, #tpu.memory_space<vmem>>
        %dma_start3A_47 = arith.constant 0 : i32
        %dma_start3A_48 = tpu.memref_slice %arg4[%add3A_17, %dma_start3A_47] : memref<2512x128xi32, #tpu.memory_space<hbm>> -> memref<110x128xi32, #tpu.memory_space<hbm>>
        %dma_start3A_49 = arith.constant 0 : i32
        %dma_start3A_50 = arith.constant 0 : i32
        %dma_start3A_51 = tpu.memref_slice %arg8[%dma_start3A_49, %dma_start3A_50] : memref<110x128xi32, #tpu.memory_space<vmem>> -> memref<110x128xi32, #tpu.memory_space<vmem>>
        %dma_start3A_52 = arith.constant 0 : i32
        %dma_start3A_53 = tpu.memref_slice %arg4[%add3A_17, %dma_start3A_52] : memref<2512x128xi32, #tpu.memory_space<hbm>> -> memref<110x128xi32, #tpu.memory_space<hbm>>
        tpu.enqueue_dma source(%dma_start3A_53 : memref<110x128xi32, #tpu.memory_space<hbm>>) target(%dma_start3A_51 : memref<110x128xi32, #tpu.memory_space<vmem>>) target_semaphore(%run_scoped3A : memref<!tpu.dma_semaphore, #tpu.memory_space<semaphore_mem>>)
        %dma_wait3A = arith.constant 0 : i32
        %dma_wait3A_54 = arith.constant 0 : i32
        %dma_wait3A_55 = tpu.memref_slice %arg8[%dma_wait3A, %dma_wait3A_54] : memref<110x128xi32, #tpu.memory_space<vmem>> -> memref<110x128xi32, #tpu.memory_space<vmem>>
        %dma_wait3A_56 = arith.constant 0 : i32
        %dma_wait3A_57 = tpu.memref_slice %arg4[%add3A_17, %dma_wait3A_56] : memref<2512x128xi32, #tpu.memory_space<hbm>> -> memref<110x128xi32, #tpu.memory_space<hbm>>
        %dma_wait3A_58 = arith.constant 0 : i32
        %dma_wait3A_59 = arith.constant 0 : i32
        %dma_wait3A_60 = tpu.memref_slice %arg8[%dma_wait3A_58, %dma_wait3A_59] : memref<110x128xi32, #tpu.memory_space<vmem>> -> memref<110x128xi32, #tpu.memory_space<vmem>>
        %dma_wait3A_61 = arith.constant 0 : i32
        %dma_wait3A_62 = tpu.memref_slice %arg4[%add3A_17, %dma_wait3A_61] : memref<2512x128xi32, #tpu.memory_space<hbm>> -> memref<110x128xi32, #tpu.memory_space<hbm>>
        tpu.wait_dma2 semaphore(%run_scoped3A : memref<!tpu.dma_semaphore, #tpu.memory_space<semaphore_mem>>) src(%dma_wait3A_62 : memref<110x128xi32, #tpu.memory_space<hbm>>) dst(%dma_wait3A_60 : memref<110x128xi32, #tpu.memory_space<vmem>>)
        tpu.yield
      }) : () -> ()
      %barrier3A_18 = arith.constant 0 : index
      tpu.barrier barrier_id(%barrier3A_18)
      %dma_start3A = arith.constant 0 : i32
      %dma_start3A_19 = arith.constant 0 : i32
      %dma_start3A_20 = tpu.memref_slice %arg7[%dma_start3A, %dma_start3A_19] : memref<110x128xi32, #tpu.memory_space<vmem>> -> memref<1x128xi32, #tpu.memory_space<vmem>>
      %dma_start3A_21 = tpu.memref_squeeze %dma_start3A_20 : memref<1x128xi32, #tpu.memory_space<vmem>> -> memref<128xi32, #tpu.memory_space<vmem>>
      %dma_start3A_22 = arith.constant 0 : i32
      %dma_start3A_23 = arith.constant 0 : i32
      %dma_start3A_24 = tpu.memref_slice %arg2[%dma_start3A_22, %dma_start3A_23] : memref<10000x64xf32, #tpu.memory_space<hbm>> -> memref<10000x64xf32, #tpu.memory_space<hbm>>
      tpu.enqueue_indirect_dma source(%dma_start3A_24 : memref<10000x64xf32, #tpu.memory_space<hbm>>) target(%arg9 : memref<128x64xf32, #tpu.memory_space<vmem>>) offsets(%dma_start3A_21 : memref<128xi32, #tpu.memory_space<vmem>>) semaphore(%arg14 : memref<!tpu.dma_semaphore, #tpu.memory_space<semaphore_mem>>)
      %dma_start3A_25 = arith.constant 1 : i32
      %dma_start3A_26 = arith.constant 0 : i32
      %dma_start3A_27 = tpu.memref_slice %arg7[%dma_start3A_25, %dma_start3A_26] : memref<110x128xi32, #tpu.memory_space<vmem>> -> memref<1x128xi32, #tpu.memory_space<vmem>>
      %dma_start3A_28 = tpu.memref_squeeze %dma_start3A_27 : memref<1x128xi32, #tpu.memory_space<vmem>> -> memref<128xi32, #tpu.memory_space<vmem>>
      %dma_start3A_29 = arith.constant 0 : i32
      %dma_start3A_30 = arith.constant 0 : i32
      %dma_start3A_31 = tpu.memref_slice %arg2[%dma_start3A_29, %dma_start3A_30] : memref<10000x64xf32, #tpu.memory_space<hbm>> -> memref<10000x64xf32, #tpu.memory_space<hbm>>
      tpu.enqueue_indirect_dma source(%dma_start3A_31 : memref<10000x64xf32, #tpu.memory_space<hbm>>) target(%arg10 : memref<128x64xf32, #tpu.memory_space<vmem>>) offsets(%dma_start3A_28 : memref<128xi32, #tpu.memory_space<vmem>>) semaphore(%arg15 : memref<!tpu.dma_semaphore, #tpu.memory_space<semaphore_mem>>)
      %dma_start3A_32 = arith.constant 2 : i32
      %dma_start3A_33 = arith.constant 0 : i32
      %dma_start3A_34 = tpu.memref_slice %arg7[%dma_start3A_32, %dma_start3A_33] : memref<110x128xi32, #tpu.memory_space<vmem>> -> memref<1x128xi32, #tpu.memory_space<vmem>>
      %dma_start3A_35 = tpu.memref_squeeze %dma_start3A_34 : memref<1x128xi32, #tpu.memory_space<vmem>> -> memref<128xi32, #tpu.memory_space<vmem>>
      %dma_start3A_36 = arith.constant 0 : i32
      %dma_start3A_37 = arith.constant 0 : i32
      %dma_start3A_38 = tpu.memref_slice %arg2[%dma_start3A_36, %dma_start3A_37] : memref<10000x64xf32, #tpu.memory_space<hbm>> -> memref<10000x64xf32, #tpu.memory_space<hbm>>
      tpu.enqueue_indirect_dma source(%dma_start3A_38 : memref<10000x64xf32, #tpu.memory_space<hbm>>) target(%arg11 : memref<128x64xf32, #tpu.memory_space<vmem>>) offsets(%dma_start3A_35 : memref<128xi32, #tpu.memory_space<vmem>>) semaphore(%arg16 : memref<!tpu.dma_semaphore, #tpu.memory_space<semaphore_mem>>)
      %scan3A_39 = arith.constant 0 : i32
      %scan3A_40 = arith.constant 28 : i32
      %scan3A_41 = arith.addi %scan3A_39, %scan3A_40 : i32
      %scan3A_42 = arith.constant 1 : i32
      scf.for %scan3A_44 = %scan3A_39 to %scan3A_41 step %scan3A_42  : i32 {
        %mul3A_45 = arith.constant 1 : i32
        %mul3A_46 = arith.muli %scan3A_44, %mul3A_45 : i32
        %add3A_47 = arith.constant 0 : i32
        %add3A_48 = arith.addi %add3A_47, %mul3A_46 : i32
        %mul3A_49 = arith.constant 4 : i32
        %mul3A_50 = arith.muli %mul3A_49, %add3A_48 : i32
        %add3A_51 = arith.constant 0 : i32
        %add3A_52 = arith.addi %mul3A_50, %add3A_51 : i32
        %add3A_53 = arith.constant 3 : i32
        %add3A_54 = arith.addi %add3A_52, %add3A_53 : i32
        %lt3A = arith.constant 110 : i32
        %lt3A_55 = arith.cmpi slt, %add3A_54, %lt3A : i32
        %convert_element_type3A_56 = arith.extui %lt3A_55 : i1 to i32
        %cond3A_57 = arith.constant 0 : i32
        %cond3A_58 = arith.cmpi ne, %convert_element_type3A_56, %cond3A_57 : i32
        scf.if %cond3A_58 {
          %dma_start3A_112 = arith.constant 0 : i32
          %dma_start3A_113 = tpu.memref_slice %arg7[%add3A_54, %dma_start3A_112] : memref<110x128xi32, #tpu.memory_space<vmem>> -> memref<1x128xi32, #tpu.memory_space<vmem>>
          %dma_start3A_114 = tpu.memref_squeeze %dma_start3A_113 : memref<1x128xi32, #tpu.memory_space<vmem>> -> memref<128xi32, #tpu.memory_space<vmem>>
          %dma_start3A_115 = arith.constant 0 : i32
          %dma_start3A_116 = arith.constant 0 : i32
          %dma_start3A_117 = tpu.memref_slice %arg2[%dma_start3A_115, %dma_start3A_116] : memref<10000x64xf32, #tpu.memory_space<hbm>> -> memref<10000x64xf32, #tpu.memory_space<hbm>>
          tpu.enqueue_indirect_dma source(%dma_start3A_117 : memref<10000x64xf32, #tpu.memory_space<hbm>>) target(%arg12 : memref<128x64xf32, #tpu.memory_space<vmem>>) offsets(%dma_start3A_114 : memref<128xi32, #tpu.memory_space<vmem>>) semaphore(%arg17 : memref<!tpu.dma_semaphore, #tpu.memory_space<semaphore_mem>>)
        } else {
        }
        %lt3A_59 = arith.constant 110 : i32
        %lt3A_60 = arith.cmpi slt, %add3A_52, %lt3A_59 : i32
        %convert_element_type3A_61 = arith.extui %lt3A_60 : i1 to i32
        %cond3A_62 = arith.constant 0 : i32
        %cond3A_63 = arith.cmpi ne, %convert_element_type3A_61, %cond3A_62 : i32
        scf.if %cond3A_63 {
          %dma_wait3A = arith.constant 0 : i32
          %dma_wait3A_112 = tpu.memref_slice %arg7[%add3A_52, %dma_wait3A] : memref<110x128xi32, #tpu.memory_space<vmem>> -> memref<1x128xi32, #tpu.memory_space<vmem>>
          %dma_wait3A_113 = tpu.memref_squeeze %dma_wait3A_112 : memref<1x128xi32, #tpu.memory_space<vmem>> -> memref<128xi32, #tpu.memory_space<vmem>>
          %dma_wait3A_114 = arith.constant 0 : i32
          %dma_wait3A_115 = arith.constant 0 : i32
          %dma_wait3A_116 = tpu.memref_slice %arg2[%dma_wait3A_114, %dma_wait3A_115] : memref<10000x64xf32, #tpu.memory_space<hbm>> -> memref<10000x64xf32, #tpu.memory_space<hbm>>
          tpu.wait_indirect_dma semaphore(%arg14 : memref<!tpu.dma_semaphore, #tpu.memory_space<semaphore_mem>>) src(%dma_wait3A_116 : memref<10000x64xf32, #tpu.memory_space<hbm>>) dst(%arg9 : memref<128x64xf32, #tpu.memory_space<vmem>>)
          "tpu.region"() ({
            %run_scoped3A = tpu.sem_alloc : memref<!tpu.dma_semaphore, #tpu.memory_space<semaphore_mem>>
            %dma_start3A_117 = arith.constant 0 : i32
            %dma_start3A_118 = tpu.memref_slice %arg8[%add3A_52, %dma_start3A_117] : memref<110x128xi32, #tpu.memory_space<vmem>> -> memref<1x128xi32, #tpu.memory_space<vmem>>
            %dma_start3A_119 = tpu.memref_squeeze %dma_start3A_118 : memref<1x128xi32, #tpu.memory_space<vmem>> -> memref<128xi32, #tpu.memory_space<vmem>>
            %dma_start3A_120 = arith.constant 0 : i32
            %dma_start3A_121 = arith.constant 0 : i32
            %dma_start3A_122 = tpu.memref_slice %arg13[%dma_start3A_120, %dma_start3A_121] : memref<10240x64xf32, #tpu.memory_space<vmem_shared>> -> memref<10240x64xf32, #tpu.memory_space<vmem_shared>>
            tpu.enqueue_indirect_dma source(%arg9 : memref<128x64xf32, #tpu.memory_space<vmem>>) target(%dma_start3A_122 : memref<10240x64xf32, #tpu.memory_space<vmem_shared>>) offsets(%dma_start3A_119 : memref<128xi32, #tpu.memory_space<vmem>>) semaphore(%run_scoped3A : memref<!tpu.dma_semaphore, #tpu.memory_space<semaphore_mem>>) {add = true}
            %dma_wait3A_123 = arith.constant 0 : i32
            %dma_wait3A_124 = tpu.memref_slice %arg8[%add3A_52, %dma_wait3A_123] : memref<110x128xi32, #tpu.memory_space<vmem>> -> memref<1x128xi32, #tpu.memory_space<vmem>>
            %dma_wait3A_125 = tpu.memref_squeeze %dma_wait3A_124 : memref<1x128xi32, #tpu.memory_space<vmem>> -> memref<128xi32, #tpu.memory_space<vmem>>
            %dma_wait3A_126 = arith.constant 0 : i32
            %dma_wait3A_127 = arith.constant 0 : i32
            %dma_wait3A_128 = tpu.memref_slice %arg13[%dma_wait3A_126, %dma_wait3A_127] : memref<10240x64xf32, #tpu.memory_space<vmem_shared>> -> memref<10240x64xf32, #tpu.memory_space<vmem_shared>>
            tpu.wait_indirect_dma semaphore(%run_scoped3A : memref<!tpu.dma_semaphore, #tpu.memory_space<semaphore_mem>>) src(%arg9 : memref<128x64xf32, #tpu.memory_space<vmem>>) dst(%dma_wait3A_128 : memref<10240x64xf32, #tpu.memory_space<vmem_shared>>)
            tpu.yield
          }) : () -> ()
        } else {
        }
        %mul3A_64 = arith.constant 4 : i32
        %mul3A_65 = arith.muli %mul3A_64, %add3A_48 : i32
        %add3A_66 = arith.constant 1 : i32
        %add3A_67 = arith.addi %mul3A_65, %add3A_66 : i32
        %add3A_68 = arith.constant 3 : i32
        %add3A_69 = arith.addi %add3A_67, %add3A_68 : i32
        %lt3A_70 = arith.constant 110 : i32
        %lt3A_71 = arith.cmpi slt, %add3A_69, %lt3A_70 : i32
        %convert_element_type3A_72 = arith.extui %lt3A_71 : i1 to i32
        %cond3A_73 = arith.constant 0 : i32
        %cond3A_74 = arith.cmpi ne, %convert_element_type3A_72, %cond3A_73 : i32
        scf.if %cond3A_74 {
          %dma_start3A_112 = arith.constant 0 : i32
          %dma_start3A_113 = tpu.memref_slice %arg7[%add3A_69, %dma_start3A_112] : memref<110x128xi32, #tpu.memory_space<vmem>> -> memref<1x128xi32, #tpu.memory_space<vmem>>
          %dma_start3A_114 = tpu.memref_squeeze %dma_start3A_113 : memref<1x128xi32, #tpu.memory_space<vmem>> -> memref<128xi32, #tpu.memory_space<vmem>>
          %dma_start3A_115 = arith.constant 0 : i32
          %dma_start3A_116 = arith.constant 0 : i32
          %dma_start3A_117 = tpu.memref_slice %arg2[%dma_start3A_115, %dma_start3A_116] : memref<10000x64xf32, #tpu.memory_space<hbm>> -> memref<10000x64xf32, #tpu.memory_space<hbm>>
          tpu.enqueue_indirect_dma source(%dma_start3A_117 : memref<10000x64xf32, #tpu.memory_space<hbm>>) target(%arg9 : memref<128x64xf32, #tpu.memory_space<vmem>>) offsets(%dma_start3A_114 : memref<128xi32, #tpu.memory_space<vmem>>) semaphore(%arg14 : memref<!tpu.dma_semaphore, #tpu.memory_space<semaphore_mem>>)
        } else {
        }
        %lt3A_75 = arith.constant 110 : i32
        %lt3A_76 = arith.cmpi slt, %add3A_67, %lt3A_75 : i32
        %convert_element_type3A_77 = arith.extui %lt3A_76 : i1 to i32
        %cond3A_78 = arith.constant 0 : i32
        %cond3A_79 = arith.cmpi ne, %convert_element_type3A_77, %cond3A_78 : i32
        scf.if %cond3A_79 {
          %dma_wait3A = arith.constant 0 : i32
          %dma_wait3A_112 = tpu.memref_slice %arg7[%add3A_67, %dma_wait3A] : memref<110x128xi32, #tpu.memory_space<vmem>> -> memref<1x128xi32, #tpu.memory_space<vmem>>
          %dma_wait3A_113 = tpu.memref_squeeze %dma_wait3A_112 : memref<1x128xi32, #tpu.memory_space<vmem>> -> memref<128xi32, #tpu.memory_space<vmem>>
          %dma_wait3A_114 = arith.constant 0 : i32
          %dma_wait3A_115 = arith.constant 0 : i32
          %dma_wait3A_116 = tpu.memref_slice %arg2[%dma_wait3A_114, %dma_wait3A_115] : memref<10000x64xf32, #tpu.memory_space<hbm>> -> memref<10000x64xf32, #tpu.memory_space<hbm>>
          tpu.wait_indirect_dma semaphore(%arg15 : memref<!tpu.dma_semaphore, #tpu.memory_space<semaphore_mem>>) src(%dma_wait3A_116 : memref<10000x64xf32, #tpu.memory_space<hbm>>) dst(%arg10 : memref<128x64xf32, #tpu.memory_space<vmem>>)
          "tpu.region"() ({
            %run_scoped3A = tpu.sem_alloc : memref<!tpu.dma_semaphore, #tpu.memory_space<semaphore_mem>>
            %dma_start3A_117 = arith.constant 0 : i32
            %dma_start3A_118 = tpu.memref_slice %arg8[%add3A_67, %dma_start3A_117] : memref<110x128xi32, #tpu.memory_space<vmem>> -> memref<1x128xi32, #tpu.memory_space<vmem>>
            %dma_start3A_119 = tpu.memref_squeeze %dma_start3A_118 : memref<1x128xi32, #tpu.memory_space<vmem>> -> memref<128xi32, #tpu.memory_space<vmem>>
            %dma_start3A_120 = arith.constant 0 : i32
            %dma_start3A_121 = arith.constant 0 : i32
            %dma_start3A_122 = tpu.memref_slice %arg13[%dma_start3A_120, %dma_start3A_121] : memref<10240x64xf32, #tpu.memory_space<vmem_shared>> -> memref<10240x64xf32, #tpu.memory_space<vmem_shared>>
            tpu.enqueue_indirect_dma source(%arg10 : memref<128x64xf32, #tpu.memory_space<vmem>>) target(%dma_start3A_122 : memref<10240x64xf32, #tpu.memory_space<vmem_shared>>) offsets(%dma_start3A_119 : memref<128xi32, #tpu.memory_space<vmem>>) semaphore(%run_scoped3A : memref<!tpu.dma_semaphore, #tpu.memory_space<semaphore_mem>>) {add = true}
            %dma_wait3A_123 = arith.constant 0 : i32
            %dma_wait3A_124 = tpu.memref_slice %arg8[%add3A_67, %dma_wait3A_123] : memref<110x128xi32, #tpu.memory_space<vmem>> -> memref<1x128xi32, #tpu.memory_space<vmem>>
            %dma_wait3A_125 = tpu.memref_squeeze %dma_wait3A_124 : memref<1x128xi32, #tpu.memory_space<vmem>> -> memref<128xi32, #tpu.memory_space<vmem>>
            %dma_wait3A_126 = arith.constant 0 : i32
            %dma_wait3A_127 = arith.constant 0 : i32
            %dma_wait3A_128 = tpu.memref_slice %arg13[%dma_wait3A_126, %dma_wait3A_127] : memref<10240x64xf32, #tpu.memory_space<vmem_shared>> -> memref<10240x64xf32, #tpu.memory_space<vmem_shared>>
            tpu.wait_indirect_dma semaphore(%run_scoped3A : memref<!tpu.dma_semaphore, #tpu.memory_space<semaphore_mem>>) src(%arg10 : memref<128x64xf32, #tpu.memory_space<vmem>>) dst(%dma_wait3A_128 : memref<10240x64xf32, #tpu.memory_space<vmem_shared>>)
            tpu.yield
          }) : () -> ()
        } else {
        }
        %mul3A_80 = arith.constant 4 : i32
        %mul3A_81 = arith.muli %mul3A_80, %add3A_48 : i32
        %add3A_82 = arith.constant 2 : i32
        %add3A_83 = arith.addi %mul3A_81, %add3A_82 : i32
        %add3A_84 = arith.constant 3 : i32
        %add3A_85 = arith.addi %add3A_83, %add3A_84 : i32
        %lt3A_86 = arith.constant 110 : i32
        %lt3A_87 = arith.cmpi slt, %add3A_85, %lt3A_86 : i32
        %convert_element_type3A_88 = arith.extui %lt3A_87 : i1 to i32
        %cond3A_89 = arith.constant 0 : i32
        %cond3A_90 = arith.cmpi ne, %convert_element_type3A_88, %cond3A_89 : i32
        scf.if %cond3A_90 {
          %dma_start3A_112 = arith.constant 0 : i32
          %dma_start3A_113 = tpu.memref_slice %arg7[%add3A_85, %dma_start3A_112] : memref<110x128xi32, #tpu.memory_space<vmem>> -> memref<1x128xi32, #tpu.memory_space<vmem>>
          %dma_start3A_114 = tpu.memref_squeeze %dma_start3A_113 : memref<1x128xi32, #tpu.memory_space<vmem>> -> memref<128xi32, #tpu.memory_space<vmem>>
          %dma_start3A_115 = arith.constant 0 : i32
          %dma_start3A_116 = arith.constant 0 : i32
          %dma_start3A_117 = tpu.memref_slice %arg2[%dma_start3A_115, %dma_start3A_116] : memref<10000x64xf32, #tpu.memory_space<hbm>> -> memref<10000x64xf32, #tpu.memory_space<hbm>>
          tpu.enqueue_indirect_dma source(%dma_start3A_117 : memref<10000x64xf32, #tpu.memory_space<hbm>>) target(%arg10 : memref<128x64xf32, #tpu.memory_space<vmem>>) offsets(%dma_start3A_114 : memref<128xi32, #tpu.memory_space<vmem>>) semaphore(%arg15 : memref<!tpu.dma_semaphore, #tpu.memory_space<semaphore_mem>>)
        } else {
        }
        %lt3A_91 = arith.constant 110 : i32
        %lt3A_92 = arith.cmpi slt, %add3A_83, %lt3A_91 : i32
        %convert_element_type3A_93 = arith.extui %lt3A_92 : i1 to i32
        %cond3A_94 = arith.constant 0 : i32
        %cond3A_95 = arith.cmpi ne, %convert_element_type3A_93, %cond3A_94 : i32
        scf.if %cond3A_95 {
          %dma_wait3A = arith.constant 0 : i32
          %dma_wait3A_112 = tpu.memref_slice %arg7[%add3A_83, %dma_wait3A] : memref<110x128xi32, #tpu.memory_space<vmem>> -> memref<1x128xi32, #tpu.memory_space<vmem>>
          %dma_wait3A_113 = tpu.memref_squeeze %dma_wait3A_112 : memref<1x128xi32, #tpu.memory_space<vmem>> -> memref<128xi32, #tpu.memory_space<vmem>>
          %dma_wait3A_114 = arith.constant 0 : i32
          %dma_wait3A_115 = arith.constant 0 : i32
          %dma_wait3A_116 = tpu.memref_slice %arg2[%dma_wait3A_114, %dma_wait3A_115] : memref<10000x64xf32, #tpu.memory_space<hbm>> -> memref<10000x64xf32, #tpu.memory_space<hbm>>
          tpu.wait_indirect_dma semaphore(%arg16 : memref<!tpu.dma_semaphore, #tpu.memory_space<semaphore_mem>>) src(%dma_wait3A_116 : memref<10000x64xf32, #tpu.memory_space<hbm>>) dst(%arg11 : memref<128x64xf32, #tpu.memory_space<vmem>>)
          "tpu.region"() ({
            %run_scoped3A = tpu.sem_alloc : memref<!tpu.dma_semaphore, #tpu.memory_space<semaphore_mem>>
            %dma_start3A_117 = arith.constant 0 : i32
            %dma_start3A_118 = tpu.memref_slice %arg8[%add3A_83, %dma_start3A_117] : memref<110x128xi32, #tpu.memory_space<vmem>> -> memref<1x128xi32, #tpu.memory_space<vmem>>
            %dma_start3A_119 = tpu.memref_squeeze %dma_start3A_118 : memref<1x128xi32, #tpu.memory_space<vmem>> -> memref<128xi32, #tpu.memory_space<vmem>>
            %dma_start3A_120 = arith.constant 0 : i32
            %dma_start3A_121 = arith.constant 0 : i32
            %dma_start3A_122 = tpu.memref_slice %arg13[%dma_start3A_120, %dma_start3A_121] : memref<10240x64xf32, #tpu.memory_space<vmem_shared>> -> memref<10240x64xf32, #tpu.memory_space<vmem_shared>>
            tpu.enqueue_indirect_dma source(%arg11 : memref<128x64xf32, #tpu.memory_space<vmem>>) target(%dma_start3A_122 : memref<10240x64xf32, #tpu.memory_space<vmem_shared>>) offsets(%dma_start3A_119 : memref<128xi32, #tpu.memory_space<vmem>>) semaphore(%run_scoped3A : memref<!tpu.dma_semaphore, #tpu.memory_space<semaphore_mem>>) {add = true}
            %dma_wait3A_123 = arith.constant 0 : i32
            %dma_wait3A_124 = tpu.memref_slice %arg8[%add3A_83, %dma_wait3A_123] : memref<110x128xi32, #tpu.memory_space<vmem>> -> memref<1x128xi32, #tpu.memory_space<vmem>>
            %dma_wait3A_125 = tpu.memref_squeeze %dma_wait3A_124 : memref<1x128xi32, #tpu.memory_space<vmem>> -> memref<128xi32, #tpu.memory_space<vmem>>
            %dma_wait3A_126 = arith.constant 0 : i32
            %dma_wait3A_127 = arith.constant 0 : i32
            %dma_wait3A_128 = tpu.memref_slice %arg13[%dma_wait3A_126, %dma_wait3A_127] : memref<10240x64xf32, #tpu.memory_space<vmem_shared>> -> memref<10240x64xf32, #tpu.memory_space<vmem_shared>>
            tpu.wait_indirect_dma semaphore(%run_scoped3A : memref<!tpu.dma_semaphore, #tpu.memory_space<semaphore_mem>>) src(%arg11 : memref<128x64xf32, #tpu.memory_space<vmem>>) dst(%dma_wait3A_128 : memref<10240x64xf32, #tpu.memory_space<vmem_shared>>)
            tpu.yield
          }) : () -> ()
        } else {
        }
        %mul3A_96 = arith.constant 4 : i32
        %mul3A_97 = arith.muli %mul3A_96, %add3A_48 : i32
        %add3A_98 = arith.constant 3 : i32
        %add3A_99 = arith.addi %mul3A_97, %add3A_98 : i32
        %add3A_100 = arith.constant 3 : i32
        %add3A_101 = arith.addi %add3A_99, %add3A_100 : i32
        %lt3A_102 = arith.constant 110 : i32
        %lt3A_103 = arith.cmpi slt, %add3A_101, %lt3A_102 : i32
        %convert_element_type3A_104 = arith.extui %lt3A_103 : i1 to i32
        %cond3A_105 = arith.constant 0 : i32
        %cond3A_106 = arith.cmpi ne, %convert_element_type3A_104, %cond3A_105 : i32
        scf.if %cond3A_106 {
          %dma_start3A_112 = arith.constant 0 : i32
          %dma_start3A_113 = tpu.memref_slice %arg7[%add3A_101, %dma_start3A_112] : memref<110x128xi32, #tpu.memory_space<vmem>> -> memref<1x128xi32, #tpu.memory_space<vmem>>
          %dma_start3A_114 = tpu.memref_squeeze %dma_start3A_113 : memref<1x128xi32, #tpu.memory_space<vmem>> -> memref<128xi32, #tpu.memory_space<vmem>>
          %dma_start3A_115 = arith.constant 0 : i32
          %dma_start3A_116 = arith.constant 0 : i32
          %dma_start3A_117 = tpu.memref_slice %arg2[%dma_start3A_115, %dma_start3A_116] : memref<10000x64xf32, #tpu.memory_space<hbm>> -> memref<10000x64xf32, #tpu.memory_space<hbm>>
          tpu.enqueue_indirect_dma source(%dma_start3A_117 : memref<10000x64xf32, #tpu.memory_space<hbm>>) target(%arg11 : memref<128x64xf32, #tpu.memory_space<vmem>>) offsets(%dma_start3A_114 : memref<128xi32, #tpu.memory_space<vmem>>) semaphore(%arg16 : memref<!tpu.dma_semaphore, #tpu.memory_space<semaphore_mem>>)
        } else {
        }
        %lt3A_107 = arith.constant 110 : i32
        %lt3A_108 = arith.cmpi slt, %add3A_99, %lt3A_107 : i32
        %convert_element_type3A_109 = arith.extui %lt3A_108 : i1 to i32
        %cond3A_110 = arith.constant 0 : i32
        %cond3A_111 = arith.cmpi ne, %convert_element_type3A_109, %cond3A_110 : i32
        scf.if %cond3A_111 {
          %dma_wait3A = arith.constant 0 : i32
          %dma_wait3A_112 = tpu.memref_slice %arg7[%add3A_99, %dma_wait3A] : memref<110x128xi32, #tpu.memory_space<vmem>> -> memref<1x128xi32, #tpu.memory_space<vmem>>
          %dma_wait3A_113 = tpu.memref_squeeze %dma_wait3A_112 : memref<1x128xi32, #tpu.memory_space<vmem>> -> memref<128xi32, #tpu.memory_space<vmem>>
          %dma_wait3A_114 = arith.constant 0 : i32
          %dma_wait3A_115 = arith.constant 0 : i32
          %dma_wait3A_116 = tpu.memref_slice %arg2[%dma_wait3A_114, %dma_wait3A_115] : memref<10000x64xf32, #tpu.memory_space<hbm>> -> memref<10000x64xf32, #tpu.memory_space<hbm>>
          tpu.wait_indirect_dma semaphore(%arg17 : memref<!tpu.dma_semaphore, #tpu.memory_space<semaphore_mem>>) src(%dma_wait3A_116 : memref<10000x64xf32, #tpu.memory_space<hbm>>) dst(%arg12 : memref<128x64xf32, #tpu.memory_space<vmem>>)
          "tpu.region"() ({
            %run_scoped3A = tpu.sem_alloc : memref<!tpu.dma_semaphore, #tpu.memory_space<semaphore_mem>>
            %dma_start3A_117 = arith.constant 0 : i32
            %dma_start3A_118 = tpu.memref_slice %arg8[%add3A_99, %dma_start3A_117] : memref<110x128xi32, #tpu.memory_space<vmem>> -> memref<1x128xi32, #tpu.memory_space<vmem>>
            %dma_start3A_119 = tpu.memref_squeeze %dma_start3A_118 : memref<1x128xi32, #tpu.memory_space<vmem>> -> memref<128xi32, #tpu.memory_space<vmem>>
            %dma_start3A_120 = arith.constant 0 : i32
            %dma_start3A_121 = arith.constant 0 : i32
            %dma_start3A_122 = tpu.memref_slice %arg13[%dma_start3A_120, %dma_start3A_121] : memref<10240x64xf32, #tpu.memory_space<vmem_shared>> -> memref<10240x64xf32, #tpu.memory_space<vmem_shared>>
            tpu.enqueue_indirect_dma source(%arg12 : memref<128x64xf32, #tpu.memory_space<vmem>>) target(%dma_start3A_122 : memref<10240x64xf32, #tpu.memory_space<vmem_shared>>) offsets(%dma_start3A_119 : memref<128xi32, #tpu.memory_space<vmem>>) semaphore(%run_scoped3A : memref<!tpu.dma_semaphore, #tpu.memory_space<semaphore_mem>>) {add = true}
            %dma_wait3A_123 = arith.constant 0 : i32
            %dma_wait3A_124 = tpu.memref_slice %arg8[%add3A_99, %dma_wait3A_123] : memref<110x128xi32, #tpu.memory_space<vmem>> -> memref<1x128xi32, #tpu.memory_space<vmem>>
            %dma_wait3A_125 = tpu.memref_squeeze %dma_wait3A_124 : memref<1x128xi32, #tpu.memory_space<vmem>> -> memref<128xi32, #tpu.memory_space<vmem>>
            %dma_wait3A_126 = arith.constant 0 : i32
            %dma_wait3A_127 = arith.constant 0 : i32
            %dma_wait3A_128 = tpu.memref_slice %arg13[%dma_wait3A_126, %dma_wait3A_127] : memref<10240x64xf32, #tpu.memory_space<vmem_shared>> -> memref<10240x64xf32, #tpu.memory_space<vmem_shared>>
            tpu.wait_indirect_dma semaphore(%run_scoped3A : memref<!tpu.dma_semaphore, #tpu.memory_space<semaphore_mem>>) src(%arg12 : memref<128x64xf32, #tpu.memory_space<vmem>>) dst(%dma_wait3A_128 : memref<10240x64xf32, #tpu.memory_space<vmem_shared>>)
            tpu.yield
          }) : () -> ()
        } else {
        }
      }
      %scan3A_43 = arith.constant 28 : i32
    } else {
    }
    %eq3A_6 = arith.constant 1 : i32
    %eq3A_7 = arith.cmpi eq, %arg0, %eq3A_6 : i32
    %convert_element_type3A_8 = arith.extui %eq3A_7 : i1 to i32
    %cond3A_9 = arith.constant 0 : i32
    %cond3A_10 = arith.cmpi ne, %convert_element_type3A_8, %cond3A_9 : i32
    scf.if %cond3A_10 {
      %mul3A = arith.constant 47 : i32
      %mul3A_16 = arith.muli %arg1, %mul3A : i32
      %add3A = arith.constant 1760 : i32
      %add3A_17 = arith.addi %add3A, %mul3A_16 : i32
      "tpu.region"() ({
        %run_scoped3A = tpu.sem_alloc : memref<!tpu.dma_semaphore, #tpu.memory_space<semaphore_mem>>
        %dma_start3A_44 = arith.constant 0 : i32
        %dma_start3A_45 = arith.constant 0 : i32
        %dma_start3A_46 = tpu.memref_slice %arg7[%dma_start3A_44, %dma_start3A_45] : memref<110x128xi32, #tpu.memory_space<vmem>> -> memref<47x128xi32, #tpu.memory_space<vmem>>
        %dma_start3A_47 = arith.constant 0 : i32
        %dma_start3A_48 = tpu.memref_slice %arg3[%add3A_17, %dma_start3A_47] : memref<2512x128xi32, #tpu.memory_space<hbm>> -> memref<47x128xi32, #tpu.memory_space<hbm>>
        %dma_start3A_49 = arith.constant 0 : i32
        %dma_start3A_50 = arith.constant 0 : i32
        %dma_start3A_51 = tpu.memref_slice %arg7[%dma_start3A_49, %dma_start3A_50] : memref<110x128xi32, #tpu.memory_space<vmem>> -> memref<47x128xi32, #tpu.memory_space<vmem>>
        %dma_start3A_52 = arith.constant 0 : i32
        %dma_start3A_53 = tpu.memref_slice %arg3[%add3A_17, %dma_start3A_52] : memref<2512x128xi32, #tpu.memory_space<hbm>> -> memref<47x128xi32, #tpu.memory_space<hbm>>
        tpu.enqueue_dma source(%dma_start3A_53 : memref<47x128xi32, #tpu.memory_space<hbm>>) target(%dma_start3A_51 : memref<47x128xi32, #tpu.memory_space<vmem>>) target_semaphore(%run_scoped3A : memref<!tpu.dma_semaphore, #tpu.memory_space<semaphore_mem>>)
        %dma_wait3A = arith.constant 0 : i32
        %dma_wait3A_54 = arith.constant 0 : i32
        %dma_wait3A_55 = tpu.memref_slice %arg7[%dma_wait3A, %dma_wait3A_54] : memref<110x128xi32, #tpu.memory_space<vmem>> -> memref<47x128xi32, #tpu.memory_space<vmem>>
        %dma_wait3A_56 = arith.constant 0 : i32
        %dma_wait3A_57 = tpu.memref_slice %arg3[%add3A_17, %dma_wait3A_56] : memref<2512x128xi32, #tpu.memory_space<hbm>> -> memref<47x128xi32, #tpu.memory_space<hbm>>
        %dma_wait3A_58 = arith.constant 0 : i32
        %dma_wait3A_59 = arith.constant 0 : i32
        %dma_wait3A_60 = tpu.memref_slice %arg7[%dma_wait3A_58, %dma_wait3A_59] : memref<110x128xi32, #tpu.memory_space<vmem>> -> memref<47x128xi32, #tpu.memory_space<vmem>>
        %dma_wait3A_61 = arith.constant 0 : i32
        %dma_wait3A_62 = tpu.memref_slice %arg3[%add3A_17, %dma_wait3A_61] : memref<2512x128xi32, #tpu.memory_space<hbm>> -> memref<47x128xi32, #tpu.memory_space<hbm>>
        tpu.wait_dma2 semaphore(%run_scoped3A : memref<!tpu.dma_semaphore, #tpu.memory_space<semaphore_mem>>) src(%dma_wait3A_62 : memref<47x128xi32, #tpu.memory_space<hbm>>) dst(%dma_wait3A_60 : memref<47x128xi32, #tpu.memory_space<vmem>>)
        tpu.yield
      }) : () -> ()
      "tpu.region"() ({
        %run_scoped3A = tpu.sem_alloc : memref<!tpu.dma_semaphore, #tpu.memory_space<semaphore_mem>>
        %dma_start3A_44 = arith.constant 0 : i32
        %dma_start3A_45 = arith.constant 0 : i32
        %dma_start3A_46 = tpu.memref_slice %arg8[%dma_start3A_44, %dma_start3A_45] : memref<110x128xi32, #tpu.memory_space<vmem>> -> memref<47x128xi32, #tpu.memory_space<vmem>>
        %dma_start3A_47 = arith.constant 0 : i32
        %dma_start3A_48 = tpu.memref_slice %arg4[%add3A_17, %dma_start3A_47] : memref<2512x128xi32, #tpu.memory_space<hbm>> -> memref<47x128xi32, #tpu.memory_space<hbm>>
        %dma_start3A_49 = arith.constant 0 : i32
        %dma_start3A_50 = arith.constant 0 : i32
        %dma_start3A_51 = tpu.memref_slice %arg8[%dma_start3A_49, %dma_start3A_50] : memref<110x128xi32, #tpu.memory_space<vmem>> -> memref<47x128xi32, #tpu.memory_space<vmem>>
        %dma_start3A_52 = arith.constant 0 : i32
        %dma_start3A_53 = tpu.memref_slice %arg4[%add3A_17, %dma_start3A_52] : memref<2512x128xi32, #tpu.memory_space<hbm>> -> memref<47x128xi32, #tpu.memory_space<hbm>>
        tpu.enqueue_dma source(%dma_start3A_53 : memref<47x128xi32, #tpu.memory_space<hbm>>) target(%dma_start3A_51 : memref<47x128xi32, #tpu.memory_space<vmem>>) target_semaphore(%run_scoped3A : memref<!tpu.dma_semaphore, #tpu.memory_space<semaphore_mem>>)
        %dma_wait3A = arith.constant 0 : i32
        %dma_wait3A_54 = arith.constant 0 : i32
        %dma_wait3A_55 = tpu.memref_slice %arg8[%dma_wait3A, %dma_wait3A_54] : memref<110x128xi32, #tpu.memory_space<vmem>> -> memref<47x128xi32, #tpu.memory_space<vmem>>
        %dma_wait3A_56 = arith.constant 0 : i32
        %dma_wait3A_57 = tpu.memref_slice %arg4[%add3A_17, %dma_wait3A_56] : memref<2512x128xi32, #tpu.memory_space<hbm>> -> memref<47x128xi32, #tpu.memory_space<hbm>>
        %dma_wait3A_58 = arith.constant 0 : i32
        %dma_wait3A_59 = arith.constant 0 : i32
        %dma_wait3A_60 = tpu.memref_slice %arg8[%dma_wait3A_58, %dma_wait3A_59] : memref<110x128xi32, #tpu.memory_space<vmem>> -> memref<47x128xi32, #tpu.memory_space<vmem>>
        %dma_wait3A_61 = arith.constant 0 : i32
        %dma_wait3A_62 = tpu.memref_slice %arg4[%add3A_17, %dma_wait3A_61] : memref<2512x128xi32, #tpu.memory_space<hbm>> -> memref<47x128xi32, #tpu.memory_space<hbm>>
        tpu.wait_dma2 semaphore(%run_scoped3A : memref<!tpu.dma_semaphore, #tpu.memory_space<semaphore_mem>>) src(%dma_wait3A_62 : memref<47x128xi32, #tpu.memory_space<hbm>>) dst(%dma_wait3A_60 : memref<47x128xi32, #tpu.memory_space<vmem>>)
        tpu.yield
      }) : () -> ()
      %barrier3A_18 = arith.constant 0 : index
      tpu.barrier barrier_id(%barrier3A_18)
      %dma_start3A = arith.constant 0 : i32
      %dma_start3A_19 = arith.constant 0 : i32
      %dma_start3A_20 = tpu.memref_slice %arg7[%dma_start3A, %dma_start3A_19] : memref<110x128xi32, #tpu.memory_space<vmem>> -> memref<1x128xi32, #tpu.memory_space<vmem>>
      %dma_start3A_21 = tpu.memref_squeeze %dma_start3A_20 : memref<1x128xi32, #tpu.memory_space<vmem>> -> memref<128xi32, #tpu.memory_space<vmem>>
      %dma_start3A_22 = arith.constant 0 : i32
      %dma_start3A_23 = arith.constant 0 : i32
      %dma_start3A_24 = tpu.memref_slice %arg2[%dma_start3A_22, %dma_start3A_23] : memref<10000x64xf32, #tpu.memory_space<hbm>> -> memref<10000x64xf32, #tpu.memory_space<hbm>>
      tpu.enqueue_indirect_dma source(%dma_start3A_24 : memref<10000x64xf32, #tpu.memory_space<hbm>>) target(%arg9 : memref<128x64xf32, #tpu.memory_space<vmem>>) offsets(%dma_start3A_21 : memref<128xi32, #tpu.memory_space<vmem>>) semaphore(%arg14 : memref<!tpu.dma_semaphore, #tpu.memory_space<semaphore_mem>>)
      %dma_start3A_25 = arith.constant 1 : i32
      %dma_start3A_26 = arith.constant 0 : i32
      %dma_start3A_27 = tpu.memref_slice %arg7[%dma_start3A_25, %dma_start3A_26] : memref<110x128xi32, #tpu.memory_space<vmem>> -> memref<1x128xi32, #tpu.memory_space<vmem>>
      %dma_start3A_28 = tpu.memref_squeeze %dma_start3A_27 : memref<1x128xi32, #tpu.memory_space<vmem>> -> memref<128xi32, #tpu.memory_space<vmem>>
      %dma_start3A_29 = arith.constant 0 : i32
      %dma_start3A_30 = arith.constant 0 : i32
      %dma_start3A_31 = tpu.memref_slice %arg2[%dma_start3A_29, %dma_start3A_30] : memref<10000x64xf32, #tpu.memory_space<hbm>> -> memref<10000x64xf32, #tpu.memory_space<hbm>>
      tpu.enqueue_indirect_dma source(%dma_start3A_31 : memref<10000x64xf32, #tpu.memory_space<hbm>>) target(%arg10 : memref<128x64xf32, #tpu.memory_space<vmem>>) offsets(%dma_start3A_28 : memref<128xi32, #tpu.memory_space<vmem>>) semaphore(%arg15 : memref<!tpu.dma_semaphore, #tpu.memory_space<semaphore_mem>>)
      %dma_start3A_32 = arith.constant 2 : i32
      %dma_start3A_33 = arith.constant 0 : i32
      %dma_start3A_34 = tpu.memref_slice %arg7[%dma_start3A_32, %dma_start3A_33] : memref<110x128xi32, #tpu.memory_space<vmem>> -> memref<1x128xi32, #tpu.memory_space<vmem>>
      %dma_start3A_35 = tpu.memref_squeeze %dma_start3A_34 : memref<1x128xi32, #tpu.memory_space<vmem>> -> memref<128xi32, #tpu.memory_space<vmem>>
      %dma_start3A_36 = arith.constant 0 : i32
      %dma_start3A_37 = arith.constant 0 : i32
      %dma_start3A_38 = tpu.memref_slice %arg2[%dma_start3A_36, %dma_start3A_37] : memref<10000x64xf32, #tpu.memory_space<hbm>> -> memref<10000x64xf32, #tpu.memory_space<hbm>>
      tpu.enqueue_indirect_dma source(%dma_start3A_38 : memref<10000x64xf32, #tpu.memory_space<hbm>>) target(%arg11 : memref<128x64xf32, #tpu.memory_space<vmem>>) offsets(%dma_start3A_35 : memref<128xi32, #tpu.memory_space<vmem>>) semaphore(%arg16 : memref<!tpu.dma_semaphore, #tpu.memory_space<semaphore_mem>>)
      %scan3A_39 = arith.constant 0 : i32
      %scan3A_40 = arith.constant 12 : i32
      %scan3A_41 = arith.addi %scan3A_39, %scan3A_40 : i32
      %scan3A_42 = arith.constant 1 : i32
      scf.for %scan3A_44 = %scan3A_39 to %scan3A_41 step %scan3A_42  : i32 {
        %mul3A_45 = arith.constant 1 : i32
        %mul3A_46 = arith.muli %scan3A_44, %mul3A_45 : i32
        %add3A_47 = arith.constant 0 : i32
        %add3A_48 = arith.addi %add3A_47, %mul3A_46 : i32
        %mul3A_49 = arith.constant 4 : i32
        %mul3A_50 = arith.muli %mul3A_49, %add3A_48 : i32
        %add3A_51 = arith.constant 0 : i32
        %add3A_52 = arith.addi %mul3A_50, %add3A_51 : i32
        %add3A_53 = arith.constant 3 : i32
        %add3A_54 = arith.addi %add3A_52, %add3A_53 : i32
        %lt3A = arith.constant 47 : i32
        %lt3A_55 = arith.cmpi slt, %add3A_54, %lt3A : i32
        %convert_element_type3A_56 = arith.extui %lt3A_55 : i1 to i32
        %cond3A_57 = arith.constant 0 : i32
        %cond3A_58 = arith.cmpi ne, %convert_element_type3A_56, %cond3A_57 : i32
        scf.if %cond3A_58 {
          %dma_start3A_112 = arith.constant 0 : i32
          %dma_start3A_113 = tpu.memref_slice %arg7[%add3A_54, %dma_start3A_112] : memref<110x128xi32, #tpu.memory_space<vmem>> -> memref<1x128xi32, #tpu.memory_space<vmem>>
          %dma_start3A_114 = tpu.memref_squeeze %dma_start3A_113 : memref<1x128xi32, #tpu.memory_space<vmem>> -> memref<128xi32, #tpu.memory_space<vmem>>
          %dma_start3A_115 = arith.constant 0 : i32
          %dma_start3A_116 = arith.constant 0 : i32
          %dma_start3A_117 = tpu.memref_slice %arg2[%dma_start3A_115, %dma_start3A_116] : memref<10000x64xf32, #tpu.memory_space<hbm>> -> memref<10000x64xf32, #tpu.memory_space<hbm>>
          tpu.enqueue_indirect_dma source(%dma_start3A_117 : memref<10000x64xf32, #tpu.memory_space<hbm>>) target(%arg12 : memref<128x64xf32, #tpu.memory_space<vmem>>) offsets(%dma_start3A_114 : memref<128xi32, #tpu.memory_space<vmem>>) semaphore(%arg17 : memref<!tpu.dma_semaphore, #tpu.memory_space<semaphore_mem>>)
        } else {
        }
        %lt3A_59 = arith.constant 47 : i32
        %lt3A_60 = arith.cmpi slt, %add3A_52, %lt3A_59 : i32
        %convert_element_type3A_61 = arith.extui %lt3A_60 : i1 to i32
        %cond3A_62 = arith.constant 0 : i32
        %cond3A_63 = arith.cmpi ne, %convert_element_type3A_61, %cond3A_62 : i32
        scf.if %cond3A_63 {
          %dma_wait3A = arith.constant 0 : i32
          %dma_wait3A_112 = tpu.memref_slice %arg7[%add3A_52, %dma_wait3A] : memref<110x128xi32, #tpu.memory_space<vmem>> -> memref<1x128xi32, #tpu.memory_space<vmem>>
          %dma_wait3A_113 = tpu.memref_squeeze %dma_wait3A_112 : memref<1x128xi32, #tpu.memory_space<vmem>> -> memref<128xi32, #tpu.memory_space<vmem>>
          %dma_wait3A_114 = arith.constant 0 : i32
          %dma_wait3A_115 = arith.constant 0 : i32
          %dma_wait3A_116 = tpu.memref_slice %arg2[%dma_wait3A_114, %dma_wait3A_115] : memref<10000x64xf32, #tpu.memory_space<hbm>> -> memref<10000x64xf32, #tpu.memory_space<hbm>>
          tpu.wait_indirect_dma semaphore(%arg14 : memref<!tpu.dma_semaphore, #tpu.memory_space<semaphore_mem>>) src(%dma_wait3A_116 : memref<10000x64xf32, #tpu.memory_space<hbm>>) dst(%arg9 : memref<128x64xf32, #tpu.memory_space<vmem>>)
          "tpu.region"() ({
            %run_scoped3A = tpu.sem_alloc : memref<!tpu.dma_semaphore, #tpu.memory_space<semaphore_mem>>
            %dma_start3A_117 = arith.constant 0 : i32
            %dma_start3A_118 = tpu.memref_slice %arg8[%add3A_52, %dma_start3A_117] : memref<110x128xi32, #tpu.memory_space<vmem>> -> memref<1x128xi32, #tpu.memory_space<vmem>>
            %dma_start3A_119 = tpu.memref_squeeze %dma_start3A_118 : memref<1x128xi32, #tpu.memory_space<vmem>> -> memref<128xi32, #tpu.memory_space<vmem>>
            %dma_start3A_120 = arith.constant 0 : i32
            %dma_start3A_121 = arith.constant 0 : i32
            %dma_start3A_122 = tpu.memref_slice %arg13[%dma_start3A_120, %dma_start3A_121] : memref<10240x64xf32, #tpu.memory_space<vmem_shared>> -> memref<10240x64xf32, #tpu.memory_space<vmem_shared>>
            tpu.enqueue_indirect_dma source(%arg9 : memref<128x64xf32, #tpu.memory_space<vmem>>) target(%dma_start3A_122 : memref<10240x64xf32, #tpu.memory_space<vmem_shared>>) offsets(%dma_start3A_119 : memref<128xi32, #tpu.memory_space<vmem>>) semaphore(%run_scoped3A : memref<!tpu.dma_semaphore, #tpu.memory_space<semaphore_mem>>) {add = true}
            %dma_wait3A_123 = arith.constant 0 : i32
            %dma_wait3A_124 = tpu.memref_slice %arg8[%add3A_52, %dma_wait3A_123] : memref<110x128xi32, #tpu.memory_space<vmem>> -> memref<1x128xi32, #tpu.memory_space<vmem>>
            %dma_wait3A_125 = tpu.memref_squeeze %dma_wait3A_124 : memref<1x128xi32, #tpu.memory_space<vmem>> -> memref<128xi32, #tpu.memory_space<vmem>>
            %dma_wait3A_126 = arith.constant 0 : i32
            %dma_wait3A_127 = arith.constant 0 : i32
            %dma_wait3A_128 = tpu.memref_slice %arg13[%dma_wait3A_126, %dma_wait3A_127] : memref<10240x64xf32, #tpu.memory_space<vmem_shared>> -> memref<10240x64xf32, #tpu.memory_space<vmem_shared>>
            tpu.wait_indirect_dma semaphore(%run_scoped3A : memref<!tpu.dma_semaphore, #tpu.memory_space<semaphore_mem>>) src(%arg9 : memref<128x64xf32, #tpu.memory_space<vmem>>) dst(%dma_wait3A_128 : memref<10240x64xf32, #tpu.memory_space<vmem_shared>>)
            tpu.yield
          }) : () -> ()
        } else {
        }
        %mul3A_64 = arith.constant 4 : i32
        %mul3A_65 = arith.muli %mul3A_64, %add3A_48 : i32
        %add3A_66 = arith.constant 1 : i32
        %add3A_67 = arith.addi %mul3A_65, %add3A_66 : i32
        %add3A_68 = arith.constant 3 : i32
        %add3A_69 = arith.addi %add3A_67, %add3A_68 : i32
        %lt3A_70 = arith.constant 47 : i32
        %lt3A_71 = arith.cmpi slt, %add3A_69, %lt3A_70 : i32
        %convert_element_type3A_72 = arith.extui %lt3A_71 : i1 to i32
        %cond3A_73 = arith.constant 0 : i32
        %cond3A_74 = arith.cmpi ne, %convert_element_type3A_72, %cond3A_73 : i32
        scf.if %cond3A_74 {
          %dma_start3A_112 = arith.constant 0 : i32
          %dma_start3A_113 = tpu.memref_slice %arg7[%add3A_69, %dma_start3A_112] : memref<110x128xi32, #tpu.memory_space<vmem>> -> memref<1x128xi32, #tpu.memory_space<vmem>>
          %dma_start3A_114 = tpu.memref_squeeze %dma_start3A_113 : memref<1x128xi32, #tpu.memory_space<vmem>> -> memref<128xi32, #tpu.memory_space<vmem>>
          %dma_start3A_115 = arith.constant 0 : i32
          %dma_start3A_116 = arith.constant 0 : i32
          %dma_start3A_117 = tpu.memref_slice %arg2[%dma_start3A_115, %dma_start3A_116] : memref<10000x64xf32, #tpu.memory_space<hbm>> -> memref<10000x64xf32, #tpu.memory_space<hbm>>
          tpu.enqueue_indirect_dma source(%dma_start3A_117 : memref<10000x64xf32, #tpu.memory_space<hbm>>) target(%arg9 : memref<128x64xf32, #tpu.memory_space<vmem>>) offsets(%dma_start3A_114 : memref<128xi32, #tpu.memory_space<vmem>>) semaphore(%arg14 : memref<!tpu.dma_semaphore, #tpu.memory_space<semaphore_mem>>)
        } else {
        }
        %lt3A_75 = arith.constant 47 : i32
        %lt3A_76 = arith.cmpi slt, %add3A_67, %lt3A_75 : i32
        %convert_element_type3A_77 = arith.extui %lt3A_76 : i1 to i32
        %cond3A_78 = arith.constant 0 : i32
        %cond3A_79 = arith.cmpi ne, %convert_element_type3A_77, %cond3A_78 : i32
        scf.if %cond3A_79 {
          %dma_wait3A = arith.constant 0 : i32
          %dma_wait3A_112 = tpu.memref_slice %arg7[%add3A_67, %dma_wait3A] : memref<110x128xi32, #tpu.memory_space<vmem>> -> memref<1x128xi32, #tpu.memory_space<vmem>>
          %dma_wait3A_113 = tpu.memref_squeeze %dma_wait3A_112 : memref<1x128xi32, #tpu.memory_space<vmem>> -> memref<128xi32, #tpu.memory_space<vmem>>
          %dma_wait3A_114 = arith.constant 0 : i32
          %dma_wait3A_115 = arith.constant 0 : i32
          %dma_wait3A_116 = tpu.memref_slice %arg2[%dma_wait3A_114, %dma_wait3A_115] : memref<10000x64xf32, #tpu.memory_space<hbm>> -> memref<10000x64xf32, #tpu.memory_space<hbm>>
          tpu.wait_indirect_dma semaphore(%arg15 : memref<!tpu.dma_semaphore, #tpu.memory_space<semaphore_mem>>) src(%dma_wait3A_116 : memref<10000x64xf32, #tpu.memory_space<hbm>>) dst(%arg10 : memref<128x64xf32, #tpu.memory_space<vmem>>)
          "tpu.region"() ({
            %run_scoped3A = tpu.sem_alloc : memref<!tpu.dma_semaphore, #tpu.memory_space<semaphore_mem>>
            %dma_start3A_117 = arith.constant 0 : i32
            %dma_start3A_118 = tpu.memref_slice %arg8[%add3A_67, %dma_start3A_117] : memref<110x128xi32, #tpu.memory_space<vmem>> -> memref<1x128xi32, #tpu.memory_space<vmem>>
            %dma_start3A_119 = tpu.memref_squeeze %dma_start3A_118 : memref<1x128xi32, #tpu.memory_space<vmem>> -> memref<128xi32, #tpu.memory_space<vmem>>
            %dma_start3A_120 = arith.constant 0 : i32
            %dma_start3A_121 = arith.constant 0 : i32
            %dma_start3A_122 = tpu.memref_slice %arg13[%dma_start3A_120, %dma_start3A_121] : memref<10240x64xf32, #tpu.memory_space<vmem_shared>> -> memref<10240x64xf32, #tpu.memory_space<vmem_shared>>
            tpu.enqueue_indirect_dma source(%arg10 : memref<128x64xf32, #tpu.memory_space<vmem>>) target(%dma_start3A_122 : memref<10240x64xf32, #tpu.memory_space<vmem_shared>>) offsets(%dma_start3A_119 : memref<128xi32, #tpu.memory_space<vmem>>) semaphore(%run_scoped3A : memref<!tpu.dma_semaphore, #tpu.memory_space<semaphore_mem>>) {add = true}
            %dma_wait3A_123 = arith.constant 0 : i32
            %dma_wait3A_124 = tpu.memref_slice %arg8[%add3A_67, %dma_wait3A_123] : memref<110x128xi32, #tpu.memory_space<vmem>> -> memref<1x128xi32, #tpu.memory_space<vmem>>
            %dma_wait3A_125 = tpu.memref_squeeze %dma_wait3A_124 : memref<1x128xi32, #tpu.memory_space<vmem>> -> memref<128xi32, #tpu.memory_space<vmem>>
            %dma_wait3A_126 = arith.constant 0 : i32
            %dma_wait3A_127 = arith.constant 0 : i32
            %dma_wait3A_128 = tpu.memref_slice %arg13[%dma_wait3A_126, %dma_wait3A_127] : memref<10240x64xf32, #tpu.memory_space<vmem_shared>> -> memref<10240x64xf32, #tpu.memory_space<vmem_shared>>
            tpu.wait_indirect_dma semaphore(%run_scoped3A : memref<!tpu.dma_semaphore, #tpu.memory_space<semaphore_mem>>) src(%arg10 : memref<128x64xf32, #tpu.memory_space<vmem>>) dst(%dma_wait3A_128 : memref<10240x64xf32, #tpu.memory_space<vmem_shared>>)
            tpu.yield
          }) : () -> ()
        } else {
        }
        %mul3A_80 = arith.constant 4 : i32
        %mul3A_81 = arith.muli %mul3A_80, %add3A_48 : i32
        %add3A_82 = arith.constant 2 : i32
        %add3A_83 = arith.addi %mul3A_81, %add3A_82 : i32
        %add3A_84 = arith.constant 3 : i32
        %add3A_85 = arith.addi %add3A_83, %add3A_84 : i32
        %lt3A_86 = arith.constant 47 : i32
        %lt3A_87 = arith.cmpi slt, %add3A_85, %lt3A_86 : i32
        %convert_element_type3A_88 = arith.extui %lt3A_87 : i1 to i32
        %cond3A_89 = arith.constant 0 : i32
        %cond3A_90 = arith.cmpi ne, %convert_element_type3A_88, %cond3A_89 : i32
        scf.if %cond3A_90 {
          %dma_start3A_112 = arith.constant 0 : i32
          %dma_start3A_113 = tpu.memref_slice %arg7[%add3A_85, %dma_start3A_112] : memref<110x128xi32, #tpu.memory_space<vmem>> -> memref<1x128xi32, #tpu.memory_space<vmem>>
          %dma_start3A_114 = tpu.memref_squeeze %dma_start3A_113 : memref<1x128xi32, #tpu.memory_space<vmem>> -> memref<128xi32, #tpu.memory_space<vmem>>
          %dma_start3A_115 = arith.constant 0 : i32
          %dma_start3A_116 = arith.constant 0 : i32
          %dma_start3A_117 = tpu.memref_slice %arg2[%dma_start3A_115, %dma_start3A_116] : memref<10000x64xf32, #tpu.memory_space<hbm>> -> memref<10000x64xf32, #tpu.memory_space<hbm>>
          tpu.enqueue_indirect_dma source(%dma_start3A_117 : memref<10000x64xf32, #tpu.memory_space<hbm>>) target(%arg10 : memref<128x64xf32, #tpu.memory_space<vmem>>) offsets(%dma_start3A_114 : memref<128xi32, #tpu.memory_space<vmem>>) semaphore(%arg15 : memref<!tpu.dma_semaphore, #tpu.memory_space<semaphore_mem>>)
        } else {
        }
        %lt3A_91 = arith.constant 47 : i32
        %lt3A_92 = arith.cmpi slt, %add3A_83, %lt3A_91 : i32
        %convert_element_type3A_93 = arith.extui %lt3A_92 : i1 to i32
        %cond3A_94 = arith.constant 0 : i32
        %cond3A_95 = arith.cmpi ne, %convert_element_type3A_93, %cond3A_94 : i32
        scf.if %cond3A_95 {
          %dma_wait3A = arith.constant 0 : i32
          %dma_wait3A_112 = tpu.memref_slice %arg7[%add3A_83, %dma_wait3A] : memref<110x128xi32, #tpu.memory_space<vmem>> -> memref<1x128xi32, #tpu.memory_space<vmem>>
          %dma_wait3A_113 = tpu.memref_squeeze %dma_wait3A_112 : memref<1x128xi32, #tpu.memory_space<vmem>> -> memref<128xi32, #tpu.memory_space<vmem>>
          %dma_wait3A_114 = arith.constant 0 : i32
          %dma_wait3A_115 = arith.constant 0 : i32
          %dma_wait3A_116 = tpu.memref_slice %arg2[%dma_wait3A_114, %dma_wait3A_115] : memref<10000x64xf32, #tpu.memory_space<hbm>> -> memref<10000x64xf32, #tpu.memory_space<hbm>>
          tpu.wait_indirect_dma semaphore(%arg16 : memref<!tpu.dma_semaphore, #tpu.memory_space<semaphore_mem>>) src(%dma_wait3A_116 : memref<10000x64xf32, #tpu.memory_space<hbm>>) dst(%arg11 : memref<128x64xf32, #tpu.memory_space<vmem>>)
          "tpu.region"() ({
            %run_scoped3A = tpu.sem_alloc : memref<!tpu.dma_semaphore, #tpu.memory_space<semaphore_mem>>
            %dma_start3A_117 = arith.constant 0 : i32
            %dma_start3A_118 = tpu.memref_slice %arg8[%add3A_83, %dma_start3A_117] : memref<110x128xi32, #tpu.memory_space<vmem>> -> memref<1x128xi32, #tpu.memory_space<vmem>>
            %dma_start3A_119 = tpu.memref_squeeze %dma_start3A_118 : memref<1x128xi32, #tpu.memory_space<vmem>> -> memref<128xi32, #tpu.memory_space<vmem>>
            %dma_start3A_120 = arith.constant 0 : i32
            %dma_start3A_121 = arith.constant 0 : i32
            %dma_start3A_122 = tpu.memref_slice %arg13[%dma_start3A_120, %dma_start3A_121] : memref<10240x64xf32, #tpu.memory_space<vmem_shared>> -> memref<10240x64xf32, #tpu.memory_space<vmem_shared>>
            tpu.enqueue_indirect_dma source(%arg11 : memref<128x64xf32, #tpu.memory_space<vmem>>) target(%dma_start3A_122 : memref<10240x64xf32, #tpu.memory_space<vmem_shared>>) offsets(%dma_start3A_119 : memref<128xi32, #tpu.memory_space<vmem>>) semaphore(%run_scoped3A : memref<!tpu.dma_semaphore, #tpu.memory_space<semaphore_mem>>) {add = true}
            %dma_wait3A_123 = arith.constant 0 : i32
            %dma_wait3A_124 = tpu.memref_slice %arg8[%add3A_83, %dma_wait3A_123] : memref<110x128xi32, #tpu.memory_space<vmem>> -> memref<1x128xi32, #tpu.memory_space<vmem>>
            %dma_wait3A_125 = tpu.memref_squeeze %dma_wait3A_124 : memref<1x128xi32, #tpu.memory_space<vmem>> -> memref<128xi32, #tpu.memory_space<vmem>>
            %dma_wait3A_126 = arith.constant 0 : i32
            %dma_wait3A_127 = arith.constant 0 : i32
            %dma_wait3A_128 = tpu.memref_slice %arg13[%dma_wait3A_126, %dma_wait3A_127] : memref<10240x64xf32, #tpu.memory_space<vmem_shared>> -> memref<10240x64xf32, #tpu.memory_space<vmem_shared>>
            tpu.wait_indirect_dma semaphore(%run_scoped3A : memref<!tpu.dma_semaphore, #tpu.memory_space<semaphore_mem>>) src(%arg11 : memref<128x64xf32, #tpu.memory_space<vmem>>) dst(%dma_wait3A_128 : memref<10240x64xf32, #tpu.memory_space<vmem_shared>>)
            tpu.yield
          }) : () -> ()
        } else {
        }
        %mul3A_96 = arith.constant 4 : i32
        %mul3A_97 = arith.muli %mul3A_96, %add3A_48 : i32
        %add3A_98 = arith.constant 3 : i32
        %add3A_99 = arith.addi %mul3A_97, %add3A_98 : i32
        %add3A_100 = arith.constant 3 : i32
        %add3A_101 = arith.addi %add3A_99, %add3A_100 : i32
        %lt3A_102 = arith.constant 47 : i32
        %lt3A_103 = arith.cmpi slt, %add3A_101, %lt3A_102 : i32
        %convert_element_type3A_104 = arith.extui %lt3A_103 : i1 to i32
        %cond3A_105 = arith.constant 0 : i32
        %cond3A_106 = arith.cmpi ne, %convert_element_type3A_104, %cond3A_105 : i32
        scf.if %cond3A_106 {
          %dma_start3A_112 = arith.constant 0 : i32
          %dma_start3A_113 = tpu.memref_slice %arg7[%add3A_101, %dma_start3A_112] : memref<110x128xi32, #tpu.memory_space<vmem>> -> memref<1x128xi32, #tpu.memory_space<vmem>>
          %dma_start3A_114 = tpu.memref_squeeze %dma_start3A_113 : memref<1x128xi32, #tpu.memory_space<vmem>> -> memref<128xi32, #tpu.memory_space<vmem>>
          %dma_start3A_115 = arith.constant 0 : i32
          %dma_start3A_116 = arith.constant 0 : i32
          %dma_start3A_117 = tpu.memref_slice %arg2[%dma_start3A_115, %dma_start3A_116] : memref<10000x64xf32, #tpu.memory_space<hbm>> -> memref<10000x64xf32, #tpu.memory_space<hbm>>
          tpu.enqueue_indirect_dma source(%dma_start3A_117 : memref<10000x64xf32, #tpu.memory_space<hbm>>) target(%arg11 : memref<128x64xf32, #tpu.memory_space<vmem>>) offsets(%dma_start3A_114 : memref<128xi32, #tpu.memory_space<vmem>>) semaphore(%arg16 : memref<!tpu.dma_semaphore, #tpu.memory_space<semaphore_mem>>)
        } else {
        }
        %lt3A_107 = arith.constant 47 : i32
        %lt3A_108 = arith.cmpi slt, %add3A_99, %lt3A_107 : i32
        %convert_element_type3A_109 = arith.extui %lt3A_108 : i1 to i32
        %cond3A_110 = arith.constant 0 : i32
        %cond3A_111 = arith.cmpi ne, %convert_element_type3A_109, %cond3A_110 : i32
        scf.if %cond3A_111 {
          %dma_wait3A = arith.constant 0 : i32
          %dma_wait3A_112 = tpu.memref_slice %arg7[%add3A_99, %dma_wait3A] : memref<110x128xi32, #tpu.memory_space<vmem>> -> memref<1x128xi32, #tpu.memory_space<vmem>>
          %dma_wait3A_113 = tpu.memref_squeeze %dma_wait3A_112 : memref<1x128xi32, #tpu.memory_space<vmem>> -> memref<128xi32, #tpu.memory_space<vmem>>
          %dma_wait3A_114 = arith.constant 0 : i32
          %dma_wait3A_115 = arith.constant 0 : i32
          %dma_wait3A_116 = tpu.memref_slice %arg2[%dma_wait3A_114, %dma_wait3A_115] : memref<10000x64xf32, #tpu.memory_space<hbm>> -> memref<10000x64xf32, #tpu.memory_space<hbm>>
          tpu.wait_indirect_dma semaphore(%arg17 : memref<!tpu.dma_semaphore, #tpu.memory_space<semaphore_mem>>) src(%dma_wait3A_116 : memref<10000x64xf32, #tpu.memory_space<hbm>>) dst(%arg12 : memref<128x64xf32, #tpu.memory_space<vmem>>)
          "tpu.region"() ({
            %run_scoped3A = tpu.sem_alloc : memref<!tpu.dma_semaphore, #tpu.memory_space<semaphore_mem>>
            %dma_start3A_117 = arith.constant 0 : i32
            %dma_start3A_118 = tpu.memref_slice %arg8[%add3A_99, %dma_start3A_117] : memref<110x128xi32, #tpu.memory_space<vmem>> -> memref<1x128xi32, #tpu.memory_space<vmem>>
            %dma_start3A_119 = tpu.memref_squeeze %dma_start3A_118 : memref<1x128xi32, #tpu.memory_space<vmem>> -> memref<128xi32, #tpu.memory_space<vmem>>
            %dma_start3A_120 = arith.constant 0 : i32
            %dma_start3A_121 = arith.constant 0 : i32
            %dma_start3A_122 = tpu.memref_slice %arg13[%dma_start3A_120, %dma_start3A_121] : memref<10240x64xf32, #tpu.memory_space<vmem_shared>> -> memref<10240x64xf32, #tpu.memory_space<vmem_shared>>
            tpu.enqueue_indirect_dma source(%arg12 : memref<128x64xf32, #tpu.memory_space<vmem>>) target(%dma_start3A_122 : memref<10240x64xf32, #tpu.memory_space<vmem_shared>>) offsets(%dma_start3A_119 : memref<128xi32, #tpu.memory_space<vmem>>) semaphore(%run_scoped3A : memref<!tpu.dma_semaphore, #tpu.memory_space<semaphore_mem>>) {add = true}
            %dma_wait3A_123 = arith.constant 0 : i32
            %dma_wait3A_124 = tpu.memref_slice %arg8[%add3A_99, %dma_wait3A_123] : memref<110x128xi32, #tpu.memory_space<vmem>> -> memref<1x128xi32, #tpu.memory_space<vmem>>
            %dma_wait3A_125 = tpu.memref_squeeze %dma_wait3A_124 : memref<1x128xi32, #tpu.memory_space<vmem>> -> memref<128xi32, #tpu.memory_space<vmem>>
            %dma_wait3A_126 = arith.constant 0 : i32
            %dma_wait3A_127 = arith.constant 0 : i32
            %dma_wait3A_128 = tpu.memref_slice %arg13[%dma_wait3A_126, %dma_wait3A_127] : memref<10240x64xf32, #tpu.memory_space<vmem_shared>> -> memref<10240x64xf32, #tpu.memory_space<vmem_shared>>
            tpu.wait_indirect_dma semaphore(%run_scoped3A : memref<!tpu.dma_semaphore, #tpu.memory_space<semaphore_mem>>) src(%arg12 : memref<128x64xf32, #tpu.memory_space<vmem>>) dst(%dma_wait3A_128 : memref<10240x64xf32, #tpu.memory_space<vmem_shared>>)
            tpu.yield
          }) : () -> ()
        } else {
        }
      }
      %scan3A_43 = arith.constant 12 : i32
    } else {
    }
    %barrier3A = arith.constant 0 : index
    tpu.barrier barrier_id(%barrier3A)
    %scan3A_11 = arith.constant 0 : i32
    %scan3A_12 = arith.constant 5 : i32
    %scan3A_13 = arith.addi %scan3A_11, %scan3A_12 : i32
    %scan3A_14 = arith.constant 1 : i32
    scf.for %scan3A_16 = %scan3A_11 to %scan3A_13 step %scan3A_14  : i32 {
      %mul3A = arith.constant 1 : i32
      %mul3A_17 = arith.muli %scan3A_16, %mul3A : i32
      %add3A = arith.constant 0 : i32
      %add3A_18 = arith.addi %add3A, %mul3A_17 : i32
      %mul3A_19 = arith.constant 640 : i32
      %mul3A_20 = arith.muli %arg1, %mul3A_19 : i32
      %mul3A_21 = arith.constant 128 : i32
      %mul3A_22 = arith.muli %add3A_18, %mul3A_21 : i32
      %add3A_23 = arith.addi %mul3A_20, %mul3A_22 : i32
      "tpu.region"() ({
        %run_scoped3A = tpu.sem_alloc : memref<!tpu.dma_semaphore, #tpu.memory_space<semaphore_mem>>
        %dma_start3A = arith.constant 0 : i32
        %dma_start3A_24 = tpu.memref_slice %arg6[%arg0, %add3A_23, %dma_start3A] : memref<2x10240x64xf32, #tpu.memory_space<hbm>> -> memref<1x128x64xf32, #tpu.memory_space<hbm>>
        %dma_start3A_25 = tpu.memref_squeeze %dma_start3A_24 : memref<1x128x64xf32, #tpu.memory_space<hbm>> -> memref<128x64xf32, #tpu.memory_space<hbm>>
        %dma_start3A_26 = arith.constant 0 : i32
        %dma_start3A_27 = tpu.memref_slice %arg13[%add3A_23, %dma_start3A_26] : memref<10240x64xf32, #tpu.memory_space<vmem_shared>> -> memref<128x64xf32, #tpu.memory_space<vmem_shared>>
        tpu.enqueue_dma source(%dma_start3A_27 : memref<128x64xf32, #tpu.memory_space<vmem_shared>>) target(%dma_start3A_25 : memref<128x64xf32, #tpu.memory_space<hbm>>) target_semaphore(%run_scoped3A : memref<!tpu.dma_semaphore, #tpu.memory_space<semaphore_mem>>)
        %dma_wait3A = arith.constant 0 : i32
        %dma_wait3A_28 = tpu.memref_slice %arg6[%arg0, %add3A_23, %dma_wait3A] : memref<2x10240x64xf32, #tpu.memory_space<hbm>> -> memref<1x128x64xf32, #tpu.memory_space<hbm>>
        %dma_wait3A_29 = tpu.memref_squeeze %dma_wait3A_28 : memref<1x128x64xf32, #tpu.memory_space<hbm>> -> memref<128x64xf32, #tpu.memory_space<hbm>>
        %dma_wait3A_30 = arith.constant 0 : i32
        %dma_wait3A_31 = tpu.memref_slice %arg13[%add3A_23, %dma_wait3A_30] : memref<10240x64xf32, #tpu.memory_space<vmem_shared>> -> memref<128x64xf32, #tpu.memory_space<vmem_shared>>
        tpu.wait_dma2 semaphore(%run_scoped3A : memref<!tpu.dma_semaphore, #tpu.memory_space<semaphore_mem>>) src(%dma_wait3A_31 : memref<128x64xf32, #tpu.memory_space<vmem_shared>>) dst(%dma_wait3A_29 : memref<128x64xf32, #tpu.memory_space<hbm>>)
        tpu.yield
      }) : () -> ()
    }
    %scan3A_15 = arith.constant 5 : i32
    return
  }
}

#map = affine_map<(d0, d1) -> (0, 0)>
#map1 = affine_map<(d0, d1) -> (0, 0, 0)>
module attributes {stable_mosaic.version = 14 : i64} {
  func.func @k(%arg0: i32, %arg1: i32, %arg2: memref<10000x8xf32, #tpu.memory_space<hbm>>, %arg3: memref<2512x128xi32, #tpu.memory_space<hbm>>, %arg4: memref<2512x128xi32, #tpu.memory_space<hbm>>, %arg5: memref<128x8xf32, #tpu.memory_space<hbm>>, %arg6: memref<2x10240x8xf32, #tpu.memory_space<hbm>>, %arg7: memref<88x128xi32, #tpu.memory_space<vmem>>, %arg8: memref<88x128xi32, #tpu.memory_space<vmem>>, %arg9: memref<128x8xf32, #tpu.memory_space<vmem>>, %arg10: memref<128x8xf32, #tpu.memory_space<vmem>>, %arg11: memref<128x8xf32, #tpu.memory_space<vmem>>, %arg12: memref<128x8xf32, #tpu.memory_space<vmem>>, %arg13: memref<10240x8xf32, #tpu.memory_space<vmem_shared>>, %arg14: memref<!tpu.dma_semaphore, #tpu.memory_space<semaphore_mem>>, %arg15: memref<!tpu.dma_semaphore, #tpu.memory_space<semaphore_mem>>, %arg16: memref<!tpu.dma_semaphore, #tpu.memory_space<semaphore_mem>>, %arg17: memref<!tpu.dma_semaphore, #tpu.memory_space<semaphore_mem>>) attributes {dimension_semantics = [#tpu.dimension_semantics<core_parallel>, #tpu.dimension_semantics<subcore_parallel>], iteration_bounds = array<i64: 2, 16>, scalar_prefetch = 0 : i64, scratch_operands = 11 : i64, tpu.core_type = #tpu.core_type<sc_vector_subcore>, window_params = [{transform_indices = #map}, {transform_indices = #map}, {transform_indices = #map}, {transform_indices = #map}, {transform_indices = #map1}]} {
    %scan3A = arith.constant 0 : i32
    %scan3A_0 = arith.constant 5 : i32
    %scan3A_1 = arith.addi %scan3A, %scan3A_0 : i32
    %scan3A_2 = arith.constant 1 : i32
    scf.for %scan3A_16 = %scan3A to %scan3A_1 step %scan3A_2  : i32 {
      %mul3A = arith.constant 1 : i32
      %mul3A_17 = arith.muli %scan3A_16, %mul3A : i32
      %add3A = arith.constant 0 : i32
      %add3A_18 = arith.addi %add3A, %mul3A_17 : i32
      %mul3A_19 = arith.constant 640 : i32
      %mul3A_20 = arith.muli %arg1, %mul3A_19 : i32
      %mul3A_21 = arith.constant 128 : i32
      %mul3A_22 = arith.muli %add3A_18, %mul3A_21 : i32
      %add3A_23 = arith.addi %mul3A_20, %mul3A_22 : i32
      "tpu.region"() ({
        %run_scoped3A = tpu.sem_alloc : memref<!tpu.dma_semaphore, #tpu.memory_space<semaphore_mem>>
        %dma_start3A = arith.constant 0 : i32
        %dma_start3A_24 = tpu.memref_slice %arg13[%add3A_23, %dma_start3A] : memref<10240x8xf32, #tpu.memory_space<vmem_shared>> -> memref<128x8xf32, #tpu.memory_space<vmem_shared>>
        tpu.enqueue_dma source(%arg5 : memref<128x8xf32, #tpu.memory_space<hbm>>) target(%dma_start3A_24 : memref<128x8xf32, #tpu.memory_space<vmem_shared>>) target_semaphore(%run_scoped3A : memref<!tpu.dma_semaphore, #tpu.memory_space<semaphore_mem>>)
        %dma_wait3A = arith.constant 0 : i32
        %dma_wait3A_25 = tpu.memref_slice %arg13[%add3A_23, %dma_wait3A] : memref<10240x8xf32, #tpu.memory_space<vmem_shared>> -> memref<128x8xf32, #tpu.memory_space<vmem_shared>>
        tpu.wait_dma2 semaphore(%run_scoped3A : memref<!tpu.dma_semaphore, #tpu.memory_space<semaphore_mem>>) src(%arg5 : memref<128x8xf32, #tpu.memory_space<hbm>>) dst(%dma_wait3A_25 : memref<128x8xf32, #tpu.memory_space<vmem_shared>>)
        tpu.yield
      }) : () -> ()
    }
    %scan3A_3 = arith.constant 5 : i32
    %eq3A = arith.constant 0 : i32
    %eq3A_4 = arith.cmpi eq, %arg0, %eq3A : i32
    %convert_element_type3A = arith.extui %eq3A_4 : i1 to i32
    %cond3A = arith.constant 0 : i32
    %cond3A_5 = arith.cmpi ne, %convert_element_type3A, %cond3A : i32
    scf.if %cond3A_5 {
      %mul3A = arith.constant 88 : i32
      %mul3A_16 = arith.muli %arg1, %mul3A : i32
      %add3A = arith.constant 0 : i32
      %add3A_17 = arith.addi %add3A, %mul3A_16 : i32
      "tpu.region"() ({
        %run_scoped3A = tpu.sem_alloc : memref<!tpu.dma_semaphore, #tpu.memory_space<semaphore_mem>>
        %dma_start3A_44 = arith.constant 0 : i32
        %dma_start3A_45 = arith.constant 0 : i32
        %dma_start3A_46 = tpu.memref_slice %arg7[%dma_start3A_44, %dma_start3A_45] : memref<88x128xi32, #tpu.memory_space<vmem>> -> memref<88x128xi32, #tpu.memory_space<vmem>>
        %dma_start3A_47 = arith.constant 0 : i32
        %dma_start3A_48 = tpu.memref_slice %arg3[%add3A_17, %dma_start3A_47] : memref<2512x128xi32, #tpu.memory_space<hbm>> -> memref<88x128xi32, #tpu.memory_space<hbm>>
        %dma_start3A_49 = arith.constant 0 : i32
        %dma_start3A_50 = arith.constant 0 : i32
        %dma_start3A_51 = tpu.memref_slice %arg7[%dma_start3A_49, %dma_start3A_50] : memref<88x128xi32, #tpu.memory_space<vmem>> -> memref<88x128xi32, #tpu.memory_space<vmem>>
        %dma_start3A_52 = arith.constant 0 : i32
        %dma_start3A_53 = tpu.memref_slice %arg3[%add3A_17, %dma_start3A_52] : memref<2512x128xi32, #tpu.memory_space<hbm>> -> memref<88x128xi32, #tpu.memory_space<hbm>>
        tpu.enqueue_dma source(%dma_start3A_53 : memref<88x128xi32, #tpu.memory_space<hbm>>) target(%dma_start3A_51 : memref<88x128xi32, #tpu.memory_space<vmem>>) target_semaphore(%run_scoped3A : memref<!tpu.dma_semaphore, #tpu.memory_space<semaphore_mem>>)
        %dma_wait3A = arith.constant 0 : i32
        %dma_wait3A_54 = arith.constant 0 : i32
        %dma_wait3A_55 = tpu.memref_slice %arg7[%dma_wait3A, %dma_wait3A_54] : memref<88x128xi32, #tpu.memory_space<vmem>> -> memref<88x128xi32, #tpu.memory_space<vmem>>
        %dma_wait3A_56 = arith.constant 0 : i32
        %dma_wait3A_57 = tpu.memref_slice %arg3[%add3A_17, %dma_wait3A_56] : memref<2512x128xi32, #tpu.memory_space<hbm>> -> memref<88x128xi32, #tpu.memory_space<hbm>>
        %dma_wait3A_58 = arith.constant 0 : i32
        %dma_wait3A_59 = arith.constant 0 : i32
        %dma_wait3A_60 = tpu.memref_slice %arg7[%dma_wait3A_58, %dma_wait3A_59] : memref<88x128xi32, #tpu.memory_space<vmem>> -> memref<88x128xi32, #tpu.memory_space<vmem>>
        %dma_wait3A_61 = arith.constant 0 : i32
        %dma_wait3A_62 = tpu.memref_slice %arg3[%add3A_17, %dma_wait3A_61] : memref<2512x128xi32, #tpu.memory_space<hbm>> -> memref<88x128xi32, #tpu.memory_space<hbm>>
        tpu.wait_dma2 semaphore(%run_scoped3A : memref<!tpu.dma_semaphore, #tpu.memory_space<semaphore_mem>>) src(%dma_wait3A_62 : memref<88x128xi32, #tpu.memory_space<hbm>>) dst(%dma_wait3A_60 : memref<88x128xi32, #tpu.memory_space<vmem>>)
        tpu.yield
      }) : () -> ()
      "tpu.region"() ({
        %run_scoped3A = tpu.sem_alloc : memref<!tpu.dma_semaphore, #tpu.memory_space<semaphore_mem>>
        %dma_start3A_44 = arith.constant 0 : i32
        %dma_start3A_45 = arith.constant 0 : i32
        %dma_start3A_46 = tpu.memref_slice %arg8[%dma_start3A_44, %dma_start3A_45] : memref<88x128xi32, #tpu.memory_space<vmem>> -> memref<88x128xi32, #tpu.memory_space<vmem>>
        %dma_start3A_47 = arith.constant 0 : i32
        %dma_start3A_48 = tpu.memref_slice %arg4[%add3A_17, %dma_start3A_47] : memref<2512x128xi32, #tpu.memory_space<hbm>> -> memref<88x128xi32, #tpu.memory_space<hbm>>
        %dma_start3A_49 = arith.constant 0 : i32
        %dma_start3A_50 = arith.constant 0 : i32
        %dma_start3A_51 = tpu.memref_slice %arg8[%dma_start3A_49, %dma_start3A_50] : memref<88x128xi32, #tpu.memory_space<vmem>> -> memref<88x128xi32, #tpu.memory_space<vmem>>
        %dma_start3A_52 = arith.constant 0 : i32
        %dma_start3A_53 = tpu.memref_slice %arg4[%add3A_17, %dma_start3A_52] : memref<2512x128xi32, #tpu.memory_space<hbm>> -> memref<88x128xi32, #tpu.memory_space<hbm>>
        tpu.enqueue_dma source(%dma_start3A_53 : memref<88x128xi32, #tpu.memory_space<hbm>>) target(%dma_start3A_51 : memref<88x128xi32, #tpu.memory_space<vmem>>) target_semaphore(%run_scoped3A : memref<!tpu.dma_semaphore, #tpu.memory_space<semaphore_mem>>)
        %dma_wait3A = arith.constant 0 : i32
        %dma_wait3A_54 = arith.constant 0 : i32
        %dma_wait3A_55 = tpu.memref_slice %arg8[%dma_wait3A, %dma_wait3A_54] : memref<88x128xi32, #tpu.memory_space<vmem>> -> memref<88x128xi32, #tpu.memory_space<vmem>>
        %dma_wait3A_56 = arith.constant 0 : i32
        %dma_wait3A_57 = tpu.memref_slice %arg4[%add3A_17, %dma_wait3A_56] : memref<2512x128xi32, #tpu.memory_space<hbm>> -> memref<88x128xi32, #tpu.memory_space<hbm>>
        %dma_wait3A_58 = arith.constant 0 : i32
        %dma_wait3A_59 = arith.constant 0 : i32
        %dma_wait3A_60 = tpu.memref_slice %arg8[%dma_wait3A_58, %dma_wait3A_59] : memref<88x128xi32, #tpu.memory_space<vmem>> -> memref<88x128xi32, #tpu.memory_space<vmem>>
        %dma_wait3A_61 = arith.constant 0 : i32
        %dma_wait3A_62 = tpu.memref_slice %arg4[%add3A_17, %dma_wait3A_61] : memref<2512x128xi32, #tpu.memory_space<hbm>> -> memref<88x128xi32, #tpu.memory_space<hbm>>
        tpu.wait_dma2 semaphore(%run_scoped3A : memref<!tpu.dma_semaphore, #tpu.memory_space<semaphore_mem>>) src(%dma_wait3A_62 : memref<88x128xi32, #tpu.memory_space<hbm>>) dst(%dma_wait3A_60 : memref<88x128xi32, #tpu.memory_space<vmem>>)
        tpu.yield
      }) : () -> ()
      %barrier3A_18 = arith.constant 0 : index
      tpu.barrier barrier_id(%barrier3A_18)
      %dma_start3A = arith.constant 0 : i32
      %dma_start3A_19 = arith.constant 0 : i32
      %dma_start3A_20 = tpu.memref_slice %arg7[%dma_start3A, %dma_start3A_19] : memref<88x128xi32, #tpu.memory_space<vmem>> -> memref<1x128xi32, #tpu.memory_space<vmem>>
      %dma_start3A_21 = tpu.memref_squeeze %dma_start3A_20 : memref<1x128xi32, #tpu.memory_space<vmem>> -> memref<128xi32, #tpu.memory_space<vmem>>
      %dma_start3A_22 = arith.constant 0 : i32
      %dma_start3A_23 = arith.constant 0 : i32
      %dma_start3A_24 = tpu.memref_slice %arg2[%dma_start3A_22, %dma_start3A_23] : memref<10000x8xf32, #tpu.memory_space<hbm>> -> memref<10000x8xf32, #tpu.memory_space<hbm>>
      tpu.enqueue_indirect_dma source(%dma_start3A_24 : memref<10000x8xf32, #tpu.memory_space<hbm>>) target(%arg9 : memref<128x8xf32, #tpu.memory_space<vmem>>) offsets(%dma_start3A_21 : memref<128xi32, #tpu.memory_space<vmem>>) semaphore(%arg14 : memref<!tpu.dma_semaphore, #tpu.memory_space<semaphore_mem>>)
      %dma_start3A_25 = arith.constant 1 : i32
      %dma_start3A_26 = arith.constant 0 : i32
      %dma_start3A_27 = tpu.memref_slice %arg7[%dma_start3A_25, %dma_start3A_26] : memref<88x128xi32, #tpu.memory_space<vmem>> -> memref<1x128xi32, #tpu.memory_space<vmem>>
      %dma_start3A_28 = tpu.memref_squeeze %dma_start3A_27 : memref<1x128xi32, #tpu.memory_space<vmem>> -> memref<128xi32, #tpu.memory_space<vmem>>
      %dma_start3A_29 = arith.constant 0 : i32
      %dma_start3A_30 = arith.constant 0 : i32
      %dma_start3A_31 = tpu.memref_slice %arg2[%dma_start3A_29, %dma_start3A_30] : memref<10000x8xf32, #tpu.memory_space<hbm>> -> memref<10000x8xf32, #tpu.memory_space<hbm>>
      tpu.enqueue_indirect_dma source(%dma_start3A_31 : memref<10000x8xf32, #tpu.memory_space<hbm>>) target(%arg10 : memref<128x8xf32, #tpu.memory_space<vmem>>) offsets(%dma_start3A_28 : memref<128xi32, #tpu.memory_space<vmem>>) semaphore(%arg15 : memref<!tpu.dma_semaphore, #tpu.memory_space<semaphore_mem>>)
      %dma_start3A_32 = arith.constant 2 : i32
      %dma_start3A_33 = arith.constant 0 : i32
      %dma_start3A_34 = tpu.memref_slice %arg7[%dma_start3A_32, %dma_start3A_33] : memref<88x128xi32, #tpu.memory_space<vmem>> -> memref<1x128xi32, #tpu.memory_space<vmem>>
      %dma_start3A_35 = tpu.memref_squeeze %dma_start3A_34 : memref<1x128xi32, #tpu.memory_space<vmem>> -> memref<128xi32, #tpu.memory_space<vmem>>
      %dma_start3A_36 = arith.constant 0 : i32
      %dma_start3A_37 = arith.constant 0 : i32
      %dma_start3A_38 = tpu.memref_slice %arg2[%dma_start3A_36, %dma_start3A_37] : memref<10000x8xf32, #tpu.memory_space<hbm>> -> memref<10000x8xf32, #tpu.memory_space<hbm>>
      tpu.enqueue_indirect_dma source(%dma_start3A_38 : memref<10000x8xf32, #tpu.memory_space<hbm>>) target(%arg11 : memref<128x8xf32, #tpu.memory_space<vmem>>) offsets(%dma_start3A_35 : memref<128xi32, #tpu.memory_space<vmem>>) semaphore(%arg16 : memref<!tpu.dma_semaphore, #tpu.memory_space<semaphore_mem>>)
      %scan3A_39 = arith.constant 0 : i32
      %scan3A_40 = arith.constant 22 : i32
      %scan3A_41 = arith.addi %scan3A_39, %scan3A_40 : i32
      %scan3A_42 = arith.constant 1 : i32
      scf.for %scan3A_44 = %scan3A_39 to %scan3A_41 step %scan3A_42  : i32 {
        %mul3A_45 = arith.constant 1 : i32
        %mul3A_46 = arith.muli %scan3A_44, %mul3A_45 : i32
        %add3A_47 = arith.constant 0 : i32
        %add3A_48 = arith.addi %add3A_47, %mul3A_46 : i32
        %mul3A_49 = arith.constant 4 : i32
        %mul3A_50 = arith.muli %mul3A_49, %add3A_48 : i32
        %add3A_51 = arith.constant 0 : i32
        %add3A_52 = arith.addi %mul3A_50, %add3A_51 : i32
        %add3A_53 = arith.constant 3 : i32
        %add3A_54 = arith.addi %add3A_52, %add3A_53 : i32
        %lt3A = arith.constant 88 : i32
        %lt3A_55 = arith.cmpi slt, %add3A_54, %lt3A : i32
        %convert_element_type3A_56 = arith.extui %lt3A_55 : i1 to i32
        %cond3A_57 = arith.constant 0 : i32
        %cond3A_58 = arith.cmpi ne, %convert_element_type3A_56, %cond3A_57 : i32
        scf.if %cond3A_58 {
          %dma_start3A_112 = arith.constant 0 : i32
          %dma_start3A_113 = tpu.memref_slice %arg7[%add3A_54, %dma_start3A_112] : memref<88x128xi32, #tpu.memory_space<vmem>> -> memref<1x128xi32, #tpu.memory_space<vmem>>
          %dma_start3A_114 = tpu.memref_squeeze %dma_start3A_113 : memref<1x128xi32, #tpu.memory_space<vmem>> -> memref<128xi32, #tpu.memory_space<vmem>>
          %dma_start3A_115 = arith.constant 0 : i32
          %dma_start3A_116 = arith.constant 0 : i32
          %dma_start3A_117 = tpu.memref_slice %arg2[%dma_start3A_115, %dma_start3A_116] : memref<10000x8xf32, #tpu.memory_space<hbm>> -> memref<10000x8xf32, #tpu.memory_space<hbm>>
          tpu.enqueue_indirect_dma source(%dma_start3A_117 : memref<10000x8xf32, #tpu.memory_space<hbm>>) target(%arg12 : memref<128x8xf32, #tpu.memory_space<vmem>>) offsets(%dma_start3A_114 : memref<128xi32, #tpu.memory_space<vmem>>) semaphore(%arg17 : memref<!tpu.dma_semaphore, #tpu.memory_space<semaphore_mem>>)
        } else {
        }
        %lt3A_59 = arith.constant 88 : i32
        %lt3A_60 = arith.cmpi slt, %add3A_52, %lt3A_59 : i32
        %convert_element_type3A_61 = arith.extui %lt3A_60 : i1 to i32
        %cond3A_62 = arith.constant 0 : i32
        %cond3A_63 = arith.cmpi ne, %convert_element_type3A_61, %cond3A_62 : i32
        scf.if %cond3A_63 {
          %dma_wait3A = arith.constant 0 : i32
          %dma_wait3A_112 = tpu.memref_slice %arg7[%add3A_52, %dma_wait3A] : memref<88x128xi32, #tpu.memory_space<vmem>> -> memref<1x128xi32, #tpu.memory_space<vmem>>
          %dma_wait3A_113 = tpu.memref_squeeze %dma_wait3A_112 : memref<1x128xi32, #tpu.memory_space<vmem>> -> memref<128xi32, #tpu.memory_space<vmem>>
          %dma_wait3A_114 = arith.constant 0 : i32
          %dma_wait3A_115 = arith.constant 0 : i32
          %dma_wait3A_116 = tpu.memref_slice %arg2[%dma_wait3A_114, %dma_wait3A_115] : memref<10000x8xf32, #tpu.memory_space<hbm>> -> memref<10000x8xf32, #tpu.memory_space<hbm>>
          tpu.wait_indirect_dma semaphore(%arg14 : memref<!tpu.dma_semaphore, #tpu.memory_space<semaphore_mem>>) src(%dma_wait3A_116 : memref<10000x8xf32, #tpu.memory_space<hbm>>) dst(%arg9 : memref<128x8xf32, #tpu.memory_space<vmem>>)
          "tpu.region"() ({
            %run_scoped3A = tpu.sem_alloc : memref<!tpu.dma_semaphore, #tpu.memory_space<semaphore_mem>>
            %dma_start3A_117 = arith.constant 0 : i32
            %dma_start3A_118 = tpu.memref_slice %arg8[%add3A_52, %dma_start3A_117] : memref<88x128xi32, #tpu.memory_space<vmem>> -> memref<1x128xi32, #tpu.memory_space<vmem>>
            %dma_start3A_119 = tpu.memref_squeeze %dma_start3A_118 : memref<1x128xi32, #tpu.memory_space<vmem>> -> memref<128xi32, #tpu.memory_space<vmem>>
            %dma_start3A_120 = arith.constant 0 : i32
            %dma_start3A_121 = arith.constant 0 : i32
            %dma_start3A_122 = tpu.memref_slice %arg13[%dma_start3A_120, %dma_start3A_121] : memref<10240x8xf32, #tpu.memory_space<vmem_shared>> -> memref<10240x8xf32, #tpu.memory_space<vmem_shared>>
            tpu.enqueue_indirect_dma source(%arg9 : memref<128x8xf32, #tpu.memory_space<vmem>>) target(%dma_start3A_122 : memref<10240x8xf32, #tpu.memory_space<vmem_shared>>) offsets(%dma_start3A_119 : memref<128xi32, #tpu.memory_space<vmem>>) semaphore(%run_scoped3A : memref<!tpu.dma_semaphore, #tpu.memory_space<semaphore_mem>>) {add = true}
            %dma_wait3A_123 = arith.constant 0 : i32
            %dma_wait3A_124 = tpu.memref_slice %arg8[%add3A_52, %dma_wait3A_123] : memref<88x128xi32, #tpu.memory_space<vmem>> -> memref<1x128xi32, #tpu.memory_space<vmem>>
            %dma_wait3A_125 = tpu.memref_squeeze %dma_wait3A_124 : memref<1x128xi32, #tpu.memory_space<vmem>> -> memref<128xi32, #tpu.memory_space<vmem>>
            %dma_wait3A_126 = arith.constant 0 : i32
            %dma_wait3A_127 = arith.constant 0 : i32
            %dma_wait3A_128 = tpu.memref_slice %arg13[%dma_wait3A_126, %dma_wait3A_127] : memref<10240x8xf32, #tpu.memory_space<vmem_shared>> -> memref<10240x8xf32, #tpu.memory_space<vmem_shared>>
            tpu.wait_indirect_dma semaphore(%run_scoped3A : memref<!tpu.dma_semaphore, #tpu.memory_space<semaphore_mem>>) src(%arg9 : memref<128x8xf32, #tpu.memory_space<vmem>>) dst(%dma_wait3A_128 : memref<10240x8xf32, #tpu.memory_space<vmem_shared>>)
            tpu.yield
          }) : () -> ()
        } else {
        }
        %mul3A_64 = arith.constant 4 : i32
        %mul3A_65 = arith.muli %mul3A_64, %add3A_48 : i32
        %add3A_66 = arith.constant 1 : i32
        %add3A_67 = arith.addi %mul3A_65, %add3A_66 : i32
        %add3A_68 = arith.constant 3 : i32
        %add3A_69 = arith.addi %add3A_67, %add3A_68 : i32
        %lt3A_70 = arith.constant 88 : i32
        %lt3A_71 = arith.cmpi slt, %add3A_69, %lt3A_70 : i32
        %convert_element_type3A_72 = arith.extui %lt3A_71 : i1 to i32
        %cond3A_73 = arith.constant 0 : i32
        %cond3A_74 = arith.cmpi ne, %convert_element_type3A_72, %cond3A_73 : i32
        scf.if %cond3A_74 {
          %dma_start3A_112 = arith.constant 0 : i32
          %dma_start3A_113 = tpu.memref_slice %arg7[%add3A_69, %dma_start3A_112] : memref<88x128xi32, #tpu.memory_space<vmem>> -> memref<1x128xi32, #tpu.memory_space<vmem>>
          %dma_start3A_114 = tpu.memref_squeeze %dma_start3A_113 : memref<1x128xi32, #tpu.memory_space<vmem>> -> memref<128xi32, #tpu.memory_space<vmem>>
          %dma_start3A_115 = arith.constant 0 : i32
          %dma_start3A_116 = arith.constant 0 : i32
          %dma_start3A_117 = tpu.memref_slice %arg2[%dma_start3A_115, %dma_start3A_116] : memref<10000x8xf32, #tpu.memory_space<hbm>> -> memref<10000x8xf32, #tpu.memory_space<hbm>>
          tpu.enqueue_indirect_dma source(%dma_start3A_117 : memref<10000x8xf32, #tpu.memory_space<hbm>>) target(%arg9 : memref<128x8xf32, #tpu.memory_space<vmem>>) offsets(%dma_start3A_114 : memref<128xi32, #tpu.memory_space<vmem>>) semaphore(%arg14 : memref<!tpu.dma_semaphore, #tpu.memory_space<semaphore_mem>>)
        } else {
        }
        %lt3A_75 = arith.constant 88 : i32
        %lt3A_76 = arith.cmpi slt, %add3A_67, %lt3A_75 : i32
        %convert_element_type3A_77 = arith.extui %lt3A_76 : i1 to i32
        %cond3A_78 = arith.constant 0 : i32
        %cond3A_79 = arith.cmpi ne, %convert_element_type3A_77, %cond3A_78 : i32
        scf.if %cond3A_79 {
          %dma_wait3A = arith.constant 0 : i32
          %dma_wait3A_112 = tpu.memref_slice %arg7[%add3A_67, %dma_wait3A] : memref<88x128xi32, #tpu.memory_space<vmem>> -> memref<1x128xi32, #tpu.memory_space<vmem>>
          %dma_wait3A_113 = tpu.memref_squeeze %dma_wait3A_112 : memref<1x128xi32, #tpu.memory_space<vmem>> -> memref<128xi32, #tpu.memory_space<vmem>>
          %dma_wait3A_114 = arith.constant 0 : i32
          %dma_wait3A_115 = arith.constant 0 : i32
          %dma_wait3A_116 = tpu.memref_slice %arg2[%dma_wait3A_114, %dma_wait3A_115] : memref<10000x8xf32, #tpu.memory_space<hbm>> -> memref<10000x8xf32, #tpu.memory_space<hbm>>
          tpu.wait_indirect_dma semaphore(%arg15 : memref<!tpu.dma_semaphore, #tpu.memory_space<semaphore_mem>>) src(%dma_wait3A_116 : memref<10000x8xf32, #tpu.memory_space<hbm>>) dst(%arg10 : memref<128x8xf32, #tpu.memory_space<vmem>>)
          "tpu.region"() ({
            %run_scoped3A = tpu.sem_alloc : memref<!tpu.dma_semaphore, #tpu.memory_space<semaphore_mem>>
            %dma_start3A_117 = arith.constant 0 : i32
            %dma_start3A_118 = tpu.memref_slice %arg8[%add3A_67, %dma_start3A_117] : memref<88x128xi32, #tpu.memory_space<vmem>> -> memref<1x128xi32, #tpu.memory_space<vmem>>
            %dma_start3A_119 = tpu.memref_squeeze %dma_start3A_118 : memref<1x128xi32, #tpu.memory_space<vmem>> -> memref<128xi32, #tpu.memory_space<vmem>>
            %dma_start3A_120 = arith.constant 0 : i32
            %dma_start3A_121 = arith.constant 0 : i32
            %dma_start3A_122 = tpu.memref_slice %arg13[%dma_start3A_120, %dma_start3A_121] : memref<10240x8xf32, #tpu.memory_space<vmem_shared>> -> memref<10240x8xf32, #tpu.memory_space<vmem_shared>>
            tpu.enqueue_indirect_dma source(%arg10 : memref<128x8xf32, #tpu.memory_space<vmem>>) target(%dma_start3A_122 : memref<10240x8xf32, #tpu.memory_space<vmem_shared>>) offsets(%dma_start3A_119 : memref<128xi32, #tpu.memory_space<vmem>>) semaphore(%run_scoped3A : memref<!tpu.dma_semaphore, #tpu.memory_space<semaphore_mem>>) {add = true}
            %dma_wait3A_123 = arith.constant 0 : i32
            %dma_wait3A_124 = tpu.memref_slice %arg8[%add3A_67, %dma_wait3A_123] : memref<88x128xi32, #tpu.memory_space<vmem>> -> memref<1x128xi32, #tpu.memory_space<vmem>>
            %dma_wait3A_125 = tpu.memref_squeeze %dma_wait3A_124 : memref<1x128xi32, #tpu.memory_space<vmem>> -> memref<128xi32, #tpu.memory_space<vmem>>
            %dma_wait3A_126 = arith.constant 0 : i32
            %dma_wait3A_127 = arith.constant 0 : i32
            %dma_wait3A_128 = tpu.memref_slice %arg13[%dma_wait3A_126, %dma_wait3A_127] : memref<10240x8xf32, #tpu.memory_space<vmem_shared>> -> memref<10240x8xf32, #tpu.memory_space<vmem_shared>>
            tpu.wait_indirect_dma semaphore(%run_scoped3A : memref<!tpu.dma_semaphore, #tpu.memory_space<semaphore_mem>>) src(%arg10 : memref<128x8xf32, #tpu.memory_space<vmem>>) dst(%dma_wait3A_128 : memref<10240x8xf32, #tpu.memory_space<vmem_shared>>)
            tpu.yield
          }) : () -> ()
        } else {
        }
        %mul3A_80 = arith.constant 4 : i32
        %mul3A_81 = arith.muli %mul3A_80, %add3A_48 : i32
        %add3A_82 = arith.constant 2 : i32
        %add3A_83 = arith.addi %mul3A_81, %add3A_82 : i32
        %add3A_84 = arith.constant 3 : i32
        %add3A_85 = arith.addi %add3A_83, %add3A_84 : i32
        %lt3A_86 = arith.constant 88 : i32
        %lt3A_87 = arith.cmpi slt, %add3A_85, %lt3A_86 : i32
        %convert_element_type3A_88 = arith.extui %lt3A_87 : i1 to i32
        %cond3A_89 = arith.constant 0 : i32
        %cond3A_90 = arith.cmpi ne, %convert_element_type3A_88, %cond3A_89 : i32
        scf.if %cond3A_90 {
          %dma_start3A_112 = arith.constant 0 : i32
          %dma_start3A_113 = tpu.memref_slice %arg7[%add3A_85, %dma_start3A_112] : memref<88x128xi32, #tpu.memory_space<vmem>> -> memref<1x128xi32, #tpu.memory_space<vmem>>
          %dma_start3A_114 = tpu.memref_squeeze %dma_start3A_113 : memref<1x128xi32, #tpu.memory_space<vmem>> -> memref<128xi32, #tpu.memory_space<vmem>>
          %dma_start3A_115 = arith.constant 0 : i32
          %dma_start3A_116 = arith.constant 0 : i32
          %dma_start3A_117 = tpu.memref_slice %arg2[%dma_start3A_115, %dma_start3A_116] : memref<10000x8xf32, #tpu.memory_space<hbm>> -> memref<10000x8xf32, #tpu.memory_space<hbm>>
          tpu.enqueue_indirect_dma source(%dma_start3A_117 : memref<10000x8xf32, #tpu.memory_space<hbm>>) target(%arg10 : memref<128x8xf32, #tpu.memory_space<vmem>>) offsets(%dma_start3A_114 : memref<128xi32, #tpu.memory_space<vmem>>) semaphore(%arg15 : memref<!tpu.dma_semaphore, #tpu.memory_space<semaphore_mem>>)
        } else {
        }
        %lt3A_91 = arith.constant 88 : i32
        %lt3A_92 = arith.cmpi slt, %add3A_83, %lt3A_91 : i32
        %convert_element_type3A_93 = arith.extui %lt3A_92 : i1 to i32
        %cond3A_94 = arith.constant 0 : i32
        %cond3A_95 = arith.cmpi ne, %convert_element_type3A_93, %cond3A_94 : i32
        scf.if %cond3A_95 {
          %dma_wait3A = arith.constant 0 : i32
          %dma_wait3A_112 = tpu.memref_slice %arg7[%add3A_83, %dma_wait3A] : memref<88x128xi32, #tpu.memory_space<vmem>> -> memref<1x128xi32, #tpu.memory_space<vmem>>
          %dma_wait3A_113 = tpu.memref_squeeze %dma_wait3A_112 : memref<1x128xi32, #tpu.memory_space<vmem>> -> memref<128xi32, #tpu.memory_space<vmem>>
          %dma_wait3A_114 = arith.constant 0 : i32
          %dma_wait3A_115 = arith.constant 0 : i32
          %dma_wait3A_116 = tpu.memref_slice %arg2[%dma_wait3A_114, %dma_wait3A_115] : memref<10000x8xf32, #tpu.memory_space<hbm>> -> memref<10000x8xf32, #tpu.memory_space<hbm>>
          tpu.wait_indirect_dma semaphore(%arg16 : memref<!tpu.dma_semaphore, #tpu.memory_space<semaphore_mem>>) src(%dma_wait3A_116 : memref<10000x8xf32, #tpu.memory_space<hbm>>) dst(%arg11 : memref<128x8xf32, #tpu.memory_space<vmem>>)
          "tpu.region"() ({
            %run_scoped3A = tpu.sem_alloc : memref<!tpu.dma_semaphore, #tpu.memory_space<semaphore_mem>>
            %dma_start3A_117 = arith.constant 0 : i32
            %dma_start3A_118 = tpu.memref_slice %arg8[%add3A_83, %dma_start3A_117] : memref<88x128xi32, #tpu.memory_space<vmem>> -> memref<1x128xi32, #tpu.memory_space<vmem>>
            %dma_start3A_119 = tpu.memref_squeeze %dma_start3A_118 : memref<1x128xi32, #tpu.memory_space<vmem>> -> memref<128xi32, #tpu.memory_space<vmem>>
            %dma_start3A_120 = arith.constant 0 : i32
            %dma_start3A_121 = arith.constant 0 : i32
            %dma_start3A_122 = tpu.memref_slice %arg13[%dma_start3A_120, %dma_start3A_121] : memref<10240x8xf32, #tpu.memory_space<vmem_shared>> -> memref<10240x8xf32, #tpu.memory_space<vmem_shared>>
            tpu.enqueue_indirect_dma source(%arg11 : memref<128x8xf32, #tpu.memory_space<vmem>>) target(%dma_start3A_122 : memref<10240x8xf32, #tpu.memory_space<vmem_shared>>) offsets(%dma_start3A_119 : memref<128xi32, #tpu.memory_space<vmem>>) semaphore(%run_scoped3A : memref<!tpu.dma_semaphore, #tpu.memory_space<semaphore_mem>>) {add = true}
            %dma_wait3A_123 = arith.constant 0 : i32
            %dma_wait3A_124 = tpu.memref_slice %arg8[%add3A_83, %dma_wait3A_123] : memref<88x128xi32, #tpu.memory_space<vmem>> -> memref<1x128xi32, #tpu.memory_space<vmem>>
            %dma_wait3A_125 = tpu.memref_squeeze %dma_wait3A_124 : memref<1x128xi32, #tpu.memory_space<vmem>> -> memref<128xi32, #tpu.memory_space<vmem>>
            %dma_wait3A_126 = arith.constant 0 : i32
            %dma_wait3A_127 = arith.constant 0 : i32
            %dma_wait3A_128 = tpu.memref_slice %arg13[%dma_wait3A_126, %dma_wait3A_127] : memref<10240x8xf32, #tpu.memory_space<vmem_shared>> -> memref<10240x8xf32, #tpu.memory_space<vmem_shared>>
            tpu.wait_indirect_dma semaphore(%run_scoped3A : memref<!tpu.dma_semaphore, #tpu.memory_space<semaphore_mem>>) src(%arg11 : memref<128x8xf32, #tpu.memory_space<vmem>>) dst(%dma_wait3A_128 : memref<10240x8xf32, #tpu.memory_space<vmem_shared>>)
            tpu.yield
          }) : () -> ()
        } else {
        }
        %mul3A_96 = arith.constant 4 : i32
        %mul3A_97 = arith.muli %mul3A_96, %add3A_48 : i32
        %add3A_98 = arith.constant 3 : i32
        %add3A_99 = arith.addi %mul3A_97, %add3A_98 : i32
        %add3A_100 = arith.constant 3 : i32
        %add3A_101 = arith.addi %add3A_99, %add3A_100 : i32
        %lt3A_102 = arith.constant 88 : i32
        %lt3A_103 = arith.cmpi slt, %add3A_101, %lt3A_102 : i32
        %convert_element_type3A_104 = arith.extui %lt3A_103 : i1 to i32
        %cond3A_105 = arith.constant 0 : i32
        %cond3A_106 = arith.cmpi ne, %convert_element_type3A_104, %cond3A_105 : i32
        scf.if %cond3A_106 {
          %dma_start3A_112 = arith.constant 0 : i32
          %dma_start3A_113 = tpu.memref_slice %arg7[%add3A_101, %dma_start3A_112] : memref<88x128xi32, #tpu.memory_space<vmem>> -> memref<1x128xi32, #tpu.memory_space<vmem>>
          %dma_start3A_114 = tpu.memref_squeeze %dma_start3A_113 : memref<1x128xi32, #tpu.memory_space<vmem>> -> memref<128xi32, #tpu.memory_space<vmem>>
          %dma_start3A_115 = arith.constant 0 : i32
          %dma_start3A_116 = arith.constant 0 : i32
          %dma_start3A_117 = tpu.memref_slice %arg2[%dma_start3A_115, %dma_start3A_116] : memref<10000x8xf32, #tpu.memory_space<hbm>> -> memref<10000x8xf32, #tpu.memory_space<hbm>>
          tpu.enqueue_indirect_dma source(%dma_start3A_117 : memref<10000x8xf32, #tpu.memory_space<hbm>>) target(%arg11 : memref<128x8xf32, #tpu.memory_space<vmem>>) offsets(%dma_start3A_114 : memref<128xi32, #tpu.memory_space<vmem>>) semaphore(%arg16 : memref<!tpu.dma_semaphore, #tpu.memory_space<semaphore_mem>>)
        } else {
        }
        %lt3A_107 = arith.constant 88 : i32
        %lt3A_108 = arith.cmpi slt, %add3A_99, %lt3A_107 : i32
        %convert_element_type3A_109 = arith.extui %lt3A_108 : i1 to i32
        %cond3A_110 = arith.constant 0 : i32
        %cond3A_111 = arith.cmpi ne, %convert_element_type3A_109, %cond3A_110 : i32
        scf.if %cond3A_111 {
          %dma_wait3A = arith.constant 0 : i32
          %dma_wait3A_112 = tpu.memref_slice %arg7[%add3A_99, %dma_wait3A] : memref<88x128xi32, #tpu.memory_space<vmem>> -> memref<1x128xi32, #tpu.memory_space<vmem>>
          %dma_wait3A_113 = tpu.memref_squeeze %dma_wait3A_112 : memref<1x128xi32, #tpu.memory_space<vmem>> -> memref<128xi32, #tpu.memory_space<vmem>>
          %dma_wait3A_114 = arith.constant 0 : i32
          %dma_wait3A_115 = arith.constant 0 : i32
          %dma_wait3A_116 = tpu.memref_slice %arg2[%dma_wait3A_114, %dma_wait3A_115] : memref<10000x8xf32, #tpu.memory_space<hbm>> -> memref<10000x8xf32, #tpu.memory_space<hbm>>
          tpu.wait_indirect_dma semaphore(%arg17 : memref<!tpu.dma_semaphore, #tpu.memory_space<semaphore_mem>>) src(%dma_wait3A_116 : memref<10000x8xf32, #tpu.memory_space<hbm>>) dst(%arg12 : memref<128x8xf32, #tpu.memory_space<vmem>>)
          "tpu.region"() ({
            %run_scoped3A = tpu.sem_alloc : memref<!tpu.dma_semaphore, #tpu.memory_space<semaphore_mem>>
            %dma_start3A_117 = arith.constant 0 : i32
            %dma_start3A_118 = tpu.memref_slice %arg8[%add3A_99, %dma_start3A_117] : memref<88x128xi32, #tpu.memory_space<vmem>> -> memref<1x128xi32, #tpu.memory_space<vmem>>
            %dma_start3A_119 = tpu.memref_squeeze %dma_start3A_118 : memref<1x128xi32, #tpu.memory_space<vmem>> -> memref<128xi32, #tpu.memory_space<vmem>>
            %dma_start3A_120 = arith.constant 0 : i32
            %dma_start3A_121 = arith.constant 0 : i32
            %dma_start3A_122 = tpu.memref_slice %arg13[%dma_start3A_120, %dma_start3A_121] : memref<10240x8xf32, #tpu.memory_space<vmem_shared>> -> memref<10240x8xf32, #tpu.memory_space<vmem_shared>>
            tpu.enqueue_indirect_dma source(%arg12 : memref<128x8xf32, #tpu.memory_space<vmem>>) target(%dma_start3A_122 : memref<10240x8xf32, #tpu.memory_space<vmem_shared>>) offsets(%dma_start3A_119 : memref<128xi32, #tpu.memory_space<vmem>>) semaphore(%run_scoped3A : memref<!tpu.dma_semaphore, #tpu.memory_space<semaphore_mem>>) {add = true}
            %dma_wait3A_123 = arith.constant 0 : i32
            %dma_wait3A_124 = tpu.memref_slice %arg8[%add3A_99, %dma_wait3A_123] : memref<88x128xi32, #tpu.memory_space<vmem>> -> memref<1x128xi32, #tpu.memory_space<vmem>>
            %dma_wait3A_125 = tpu.memref_squeeze %dma_wait3A_124 : memref<1x128xi32, #tpu.memory_space<vmem>> -> memref<128xi32, #tpu.memory_space<vmem>>
            %dma_wait3A_126 = arith.constant 0 : i32
            %dma_wait3A_127 = arith.constant 0 : i32
            %dma_wait3A_128 = tpu.memref_slice %arg13[%dma_wait3A_126, %dma_wait3A_127] : memref<10240x8xf32, #tpu.memory_space<vmem_shared>> -> memref<10240x8xf32, #tpu.memory_space<vmem_shared>>
            tpu.wait_indirect_dma semaphore(%run_scoped3A : memref<!tpu.dma_semaphore, #tpu.memory_space<semaphore_mem>>) src(%arg12 : memref<128x8xf32, #tpu.memory_space<vmem>>) dst(%dma_wait3A_128 : memref<10240x8xf32, #tpu.memory_space<vmem_shared>>)
            tpu.yield
          }) : () -> ()
        } else {
        }
      }
      %scan3A_43 = arith.constant 22 : i32
    } else {
    }
    %eq3A_6 = arith.constant 1 : i32
    %eq3A_7 = arith.cmpi eq, %arg0, %eq3A_6 : i32
    %convert_element_type3A_8 = arith.extui %eq3A_7 : i1 to i32
    %cond3A_9 = arith.constant 0 : i32
    %cond3A_10 = arith.cmpi ne, %convert_element_type3A_8, %cond3A_9 : i32
    scf.if %cond3A_10 {
      %mul3A = arith.constant 69 : i32
      %mul3A_16 = arith.muli %arg1, %mul3A : i32
      %add3A = arith.constant 1408 : i32
      %add3A_17 = arith.addi %add3A, %mul3A_16 : i32
      "tpu.region"() ({
        %run_scoped3A = tpu.sem_alloc : memref<!tpu.dma_semaphore, #tpu.memory_space<semaphore_mem>>
        %dma_start3A_44 = arith.constant 0 : i32
        %dma_start3A_45 = arith.constant 0 : i32
        %dma_start3A_46 = tpu.memref_slice %arg7[%dma_start3A_44, %dma_start3A_45] : memref<88x128xi32, #tpu.memory_space<vmem>> -> memref<69x128xi32, #tpu.memory_space<vmem>>
        %dma_start3A_47 = arith.constant 0 : i32
        %dma_start3A_48 = tpu.memref_slice %arg3[%add3A_17, %dma_start3A_47] : memref<2512x128xi32, #tpu.memory_space<hbm>> -> memref<69x128xi32, #tpu.memory_space<hbm>>
        %dma_start3A_49 = arith.constant 0 : i32
        %dma_start3A_50 = arith.constant 0 : i32
        %dma_start3A_51 = tpu.memref_slice %arg7[%dma_start3A_49, %dma_start3A_50] : memref<88x128xi32, #tpu.memory_space<vmem>> -> memref<69x128xi32, #tpu.memory_space<vmem>>
        %dma_start3A_52 = arith.constant 0 : i32
        %dma_start3A_53 = tpu.memref_slice %arg3[%add3A_17, %dma_start3A_52] : memref<2512x128xi32, #tpu.memory_space<hbm>> -> memref<69x128xi32, #tpu.memory_space<hbm>>
        tpu.enqueue_dma source(%dma_start3A_53 : memref<69x128xi32, #tpu.memory_space<hbm>>) target(%dma_start3A_51 : memref<69x128xi32, #tpu.memory_space<vmem>>) target_semaphore(%run_scoped3A : memref<!tpu.dma_semaphore, #tpu.memory_space<semaphore_mem>>)
        %dma_wait3A = arith.constant 0 : i32
        %dma_wait3A_54 = arith.constant 0 : i32
        %dma_wait3A_55 = tpu.memref_slice %arg7[%dma_wait3A, %dma_wait3A_54] : memref<88x128xi32, #tpu.memory_space<vmem>> -> memref<69x128xi32, #tpu.memory_space<vmem>>
        %dma_wait3A_56 = arith.constant 0 : i32
        %dma_wait3A_57 = tpu.memref_slice %arg3[%add3A_17, %dma_wait3A_56] : memref<2512x128xi32, #tpu.memory_space<hbm>> -> memref<69x128xi32, #tpu.memory_space<hbm>>
        %dma_wait3A_58 = arith.constant 0 : i32
        %dma_wait3A_59 = arith.constant 0 : i32
        %dma_wait3A_60 = tpu.memref_slice %arg7[%dma_wait3A_58, %dma_wait3A_59] : memref<88x128xi32, #tpu.memory_space<vmem>> -> memref<69x128xi32, #tpu.memory_space<vmem>>
        %dma_wait3A_61 = arith.constant 0 : i32
        %dma_wait3A_62 = tpu.memref_slice %arg3[%add3A_17, %dma_wait3A_61] : memref<2512x128xi32, #tpu.memory_space<hbm>> -> memref<69x128xi32, #tpu.memory_space<hbm>>
        tpu.wait_dma2 semaphore(%run_scoped3A : memref<!tpu.dma_semaphore, #tpu.memory_space<semaphore_mem>>) src(%dma_wait3A_62 : memref<69x128xi32, #tpu.memory_space<hbm>>) dst(%dma_wait3A_60 : memref<69x128xi32, #tpu.memory_space<vmem>>)
        tpu.yield
      }) : () -> ()
      "tpu.region"() ({
        %run_scoped3A = tpu.sem_alloc : memref<!tpu.dma_semaphore, #tpu.memory_space<semaphore_mem>>
        %dma_start3A_44 = arith.constant 0 : i32
        %dma_start3A_45 = arith.constant 0 : i32
        %dma_start3A_46 = tpu.memref_slice %arg8[%dma_start3A_44, %dma_start3A_45] : memref<88x128xi32, #tpu.memory_space<vmem>> -> memref<69x128xi32, #tpu.memory_space<vmem>>
        %dma_start3A_47 = arith.constant 0 : i32
        %dma_start3A_48 = tpu.memref_slice %arg4[%add3A_17, %dma_start3A_47] : memref<2512x128xi32, #tpu.memory_space<hbm>> -> memref<69x128xi32, #tpu.memory_space<hbm>>
        %dma_start3A_49 = arith.constant 0 : i32
        %dma_start3A_50 = arith.constant 0 : i32
        %dma_start3A_51 = tpu.memref_slice %arg8[%dma_start3A_49, %dma_start3A_50] : memref<88x128xi32, #tpu.memory_space<vmem>> -> memref<69x128xi32, #tpu.memory_space<vmem>>
        %dma_start3A_52 = arith.constant 0 : i32
        %dma_start3A_53 = tpu.memref_slice %arg4[%add3A_17, %dma_start3A_52] : memref<2512x128xi32, #tpu.memory_space<hbm>> -> memref<69x128xi32, #tpu.memory_space<hbm>>
        tpu.enqueue_dma source(%dma_start3A_53 : memref<69x128xi32, #tpu.memory_space<hbm>>) target(%dma_start3A_51 : memref<69x128xi32, #tpu.memory_space<vmem>>) target_semaphore(%run_scoped3A : memref<!tpu.dma_semaphore, #tpu.memory_space<semaphore_mem>>)
        %dma_wait3A = arith.constant 0 : i32
        %dma_wait3A_54 = arith.constant 0 : i32
        %dma_wait3A_55 = tpu.memref_slice %arg8[%dma_wait3A, %dma_wait3A_54] : memref<88x128xi32, #tpu.memory_space<vmem>> -> memref<69x128xi32, #tpu.memory_space<vmem>>
        %dma_wait3A_56 = arith.constant 0 : i32
        %dma_wait3A_57 = tpu.memref_slice %arg4[%add3A_17, %dma_wait3A_56] : memref<2512x128xi32, #tpu.memory_space<hbm>> -> memref<69x128xi32, #tpu.memory_space<hbm>>
        %dma_wait3A_58 = arith.constant 0 : i32
        %dma_wait3A_59 = arith.constant 0 : i32
        %dma_wait3A_60 = tpu.memref_slice %arg8[%dma_wait3A_58, %dma_wait3A_59] : memref<88x128xi32, #tpu.memory_space<vmem>> -> memref<69x128xi32, #tpu.memory_space<vmem>>
        %dma_wait3A_61 = arith.constant 0 : i32
        %dma_wait3A_62 = tpu.memref_slice %arg4[%add3A_17, %dma_wait3A_61] : memref<2512x128xi32, #tpu.memory_space<hbm>> -> memref<69x128xi32, #tpu.memory_space<hbm>>
        tpu.wait_dma2 semaphore(%run_scoped3A : memref<!tpu.dma_semaphore, #tpu.memory_space<semaphore_mem>>) src(%dma_wait3A_62 : memref<69x128xi32, #tpu.memory_space<hbm>>) dst(%dma_wait3A_60 : memref<69x128xi32, #tpu.memory_space<vmem>>)
        tpu.yield
      }) : () -> ()
      %barrier3A_18 = arith.constant 0 : index
      tpu.barrier barrier_id(%barrier3A_18)
      %dma_start3A = arith.constant 0 : i32
      %dma_start3A_19 = arith.constant 0 : i32
      %dma_start3A_20 = tpu.memref_slice %arg7[%dma_start3A, %dma_start3A_19] : memref<88x128xi32, #tpu.memory_space<vmem>> -> memref<1x128xi32, #tpu.memory_space<vmem>>
      %dma_start3A_21 = tpu.memref_squeeze %dma_start3A_20 : memref<1x128xi32, #tpu.memory_space<vmem>> -> memref<128xi32, #tpu.memory_space<vmem>>
      %dma_start3A_22 = arith.constant 0 : i32
      %dma_start3A_23 = arith.constant 0 : i32
      %dma_start3A_24 = tpu.memref_slice %arg2[%dma_start3A_22, %dma_start3A_23] : memref<10000x8xf32, #tpu.memory_space<hbm>> -> memref<10000x8xf32, #tpu.memory_space<hbm>>
      tpu.enqueue_indirect_dma source(%dma_start3A_24 : memref<10000x8xf32, #tpu.memory_space<hbm>>) target(%arg9 : memref<128x8xf32, #tpu.memory_space<vmem>>) offsets(%dma_start3A_21 : memref<128xi32, #tpu.memory_space<vmem>>) semaphore(%arg14 : memref<!tpu.dma_semaphore, #tpu.memory_space<semaphore_mem>>)
      %dma_start3A_25 = arith.constant 1 : i32
      %dma_start3A_26 = arith.constant 0 : i32
      %dma_start3A_27 = tpu.memref_slice %arg7[%dma_start3A_25, %dma_start3A_26] : memref<88x128xi32, #tpu.memory_space<vmem>> -> memref<1x128xi32, #tpu.memory_space<vmem>>
      %dma_start3A_28 = tpu.memref_squeeze %dma_start3A_27 : memref<1x128xi32, #tpu.memory_space<vmem>> -> memref<128xi32, #tpu.memory_space<vmem>>
      %dma_start3A_29 = arith.constant 0 : i32
      %dma_start3A_30 = arith.constant 0 : i32
      %dma_start3A_31 = tpu.memref_slice %arg2[%dma_start3A_29, %dma_start3A_30] : memref<10000x8xf32, #tpu.memory_space<hbm>> -> memref<10000x8xf32, #tpu.memory_space<hbm>>
      tpu.enqueue_indirect_dma source(%dma_start3A_31 : memref<10000x8xf32, #tpu.memory_space<hbm>>) target(%arg10 : memref<128x8xf32, #tpu.memory_space<vmem>>) offsets(%dma_start3A_28 : memref<128xi32, #tpu.memory_space<vmem>>) semaphore(%arg15 : memref<!tpu.dma_semaphore, #tpu.memory_space<semaphore_mem>>)
      %dma_start3A_32 = arith.constant 2 : i32
      %dma_start3A_33 = arith.constant 0 : i32
      %dma_start3A_34 = tpu.memref_slice %arg7[%dma_start3A_32, %dma_start3A_33] : memref<88x128xi32, #tpu.memory_space<vmem>> -> memref<1x128xi32, #tpu.memory_space<vmem>>
      %dma_start3A_35 = tpu.memref_squeeze %dma_start3A_34 : memref<1x128xi32, #tpu.memory_space<vmem>> -> memref<128xi32, #tpu.memory_space<vmem>>
      %dma_start3A_36 = arith.constant 0 : i32
      %dma_start3A_37 = arith.constant 0 : i32
      %dma_start3A_38 = tpu.memref_slice %arg2[%dma_start3A_36, %dma_start3A_37] : memref<10000x8xf32, #tpu.memory_space<hbm>> -> memref<10000x8xf32, #tpu.memory_space<hbm>>
      tpu.enqueue_indirect_dma source(%dma_start3A_38 : memref<10000x8xf32, #tpu.memory_space<hbm>>) target(%arg11 : memref<128x8xf32, #tpu.memory_space<vmem>>) offsets(%dma_start3A_35 : memref<128xi32, #tpu.memory_space<vmem>>) semaphore(%arg16 : memref<!tpu.dma_semaphore, #tpu.memory_space<semaphore_mem>>)
      %scan3A_39 = arith.constant 0 : i32
      %scan3A_40 = arith.constant 18 : i32
      %scan3A_41 = arith.addi %scan3A_39, %scan3A_40 : i32
      %scan3A_42 = arith.constant 1 : i32
      scf.for %scan3A_44 = %scan3A_39 to %scan3A_41 step %scan3A_42  : i32 {
        %mul3A_45 = arith.constant 1 : i32
        %mul3A_46 = arith.muli %scan3A_44, %mul3A_45 : i32
        %add3A_47 = arith.constant 0 : i32
        %add3A_48 = arith.addi %add3A_47, %mul3A_46 : i32
        %mul3A_49 = arith.constant 4 : i32
        %mul3A_50 = arith.muli %mul3A_49, %add3A_48 : i32
        %add3A_51 = arith.constant 0 : i32
        %add3A_52 = arith.addi %mul3A_50, %add3A_51 : i32
        %add3A_53 = arith.constant 3 : i32
        %add3A_54 = arith.addi %add3A_52, %add3A_53 : i32
        %lt3A = arith.constant 69 : i32
        %lt3A_55 = arith.cmpi slt, %add3A_54, %lt3A : i32
        %convert_element_type3A_56 = arith.extui %lt3A_55 : i1 to i32
        %cond3A_57 = arith.constant 0 : i32
        %cond3A_58 = arith.cmpi ne, %convert_element_type3A_56, %cond3A_57 : i32
        scf.if %cond3A_58 {
          %dma_start3A_112 = arith.constant 0 : i32
          %dma_start3A_113 = tpu.memref_slice %arg7[%add3A_54, %dma_start3A_112] : memref<88x128xi32, #tpu.memory_space<vmem>> -> memref<1x128xi32, #tpu.memory_space<vmem>>
          %dma_start3A_114 = tpu.memref_squeeze %dma_start3A_113 : memref<1x128xi32, #tpu.memory_space<vmem>> -> memref<128xi32, #tpu.memory_space<vmem>>
          %dma_start3A_115 = arith.constant 0 : i32
          %dma_start3A_116 = arith.constant 0 : i32
          %dma_start3A_117 = tpu.memref_slice %arg2[%dma_start3A_115, %dma_start3A_116] : memref<10000x8xf32, #tpu.memory_space<hbm>> -> memref<10000x8xf32, #tpu.memory_space<hbm>>
          tpu.enqueue_indirect_dma source(%dma_start3A_117 : memref<10000x8xf32, #tpu.memory_space<hbm>>) target(%arg12 : memref<128x8xf32, #tpu.memory_space<vmem>>) offsets(%dma_start3A_114 : memref<128xi32, #tpu.memory_space<vmem>>) semaphore(%arg17 : memref<!tpu.dma_semaphore, #tpu.memory_space<semaphore_mem>>)
        } else {
        }
        %lt3A_59 = arith.constant 69 : i32
        %lt3A_60 = arith.cmpi slt, %add3A_52, %lt3A_59 : i32
        %convert_element_type3A_61 = arith.extui %lt3A_60 : i1 to i32
        %cond3A_62 = arith.constant 0 : i32
        %cond3A_63 = arith.cmpi ne, %convert_element_type3A_61, %cond3A_62 : i32
        scf.if %cond3A_63 {
          %dma_wait3A = arith.constant 0 : i32
          %dma_wait3A_112 = tpu.memref_slice %arg7[%add3A_52, %dma_wait3A] : memref<88x128xi32, #tpu.memory_space<vmem>> -> memref<1x128xi32, #tpu.memory_space<vmem>>
          %dma_wait3A_113 = tpu.memref_squeeze %dma_wait3A_112 : memref<1x128xi32, #tpu.memory_space<vmem>> -> memref<128xi32, #tpu.memory_space<vmem>>
          %dma_wait3A_114 = arith.constant 0 : i32
          %dma_wait3A_115 = arith.constant 0 : i32
          %dma_wait3A_116 = tpu.memref_slice %arg2[%dma_wait3A_114, %dma_wait3A_115] : memref<10000x8xf32, #tpu.memory_space<hbm>> -> memref<10000x8xf32, #tpu.memory_space<hbm>>
          tpu.wait_indirect_dma semaphore(%arg14 : memref<!tpu.dma_semaphore, #tpu.memory_space<semaphore_mem>>) src(%dma_wait3A_116 : memref<10000x8xf32, #tpu.memory_space<hbm>>) dst(%arg9 : memref<128x8xf32, #tpu.memory_space<vmem>>)
          "tpu.region"() ({
            %run_scoped3A = tpu.sem_alloc : memref<!tpu.dma_semaphore, #tpu.memory_space<semaphore_mem>>
            %dma_start3A_117 = arith.constant 0 : i32
            %dma_start3A_118 = tpu.memref_slice %arg8[%add3A_52, %dma_start3A_117] : memref<88x128xi32, #tpu.memory_space<vmem>> -> memref<1x128xi32, #tpu.memory_space<vmem>>
            %dma_start3A_119 = tpu.memref_squeeze %dma_start3A_118 : memref<1x128xi32, #tpu.memory_space<vmem>> -> memref<128xi32, #tpu.memory_space<vmem>>
            %dma_start3A_120 = arith.constant 0 : i32
            %dma_start3A_121 = arith.constant 0 : i32
            %dma_start3A_122 = tpu.memref_slice %arg13[%dma_start3A_120, %dma_start3A_121] : memref<10240x8xf32, #tpu.memory_space<vmem_shared>> -> memref<10240x8xf32, #tpu.memory_space<vmem_shared>>
            tpu.enqueue_indirect_dma source(%arg9 : memref<128x8xf32, #tpu.memory_space<vmem>>) target(%dma_start3A_122 : memref<10240x8xf32, #tpu.memory_space<vmem_shared>>) offsets(%dma_start3A_119 : memref<128xi32, #tpu.memory_space<vmem>>) semaphore(%run_scoped3A : memref<!tpu.dma_semaphore, #tpu.memory_space<semaphore_mem>>) {add = true}
            %dma_wait3A_123 = arith.constant 0 : i32
            %dma_wait3A_124 = tpu.memref_slice %arg8[%add3A_52, %dma_wait3A_123] : memref<88x128xi32, #tpu.memory_space<vmem>> -> memref<1x128xi32, #tpu.memory_space<vmem>>
            %dma_wait3A_125 = tpu.memref_squeeze %dma_wait3A_124 : memref<1x128xi32, #tpu.memory_space<vmem>> -> memref<128xi32, #tpu.memory_space<vmem>>
            %dma_wait3A_126 = arith.constant 0 : i32
            %dma_wait3A_127 = arith.constant 0 : i32
            %dma_wait3A_128 = tpu.memref_slice %arg13[%dma_wait3A_126, %dma_wait3A_127] : memref<10240x8xf32, #tpu.memory_space<vmem_shared>> -> memref<10240x8xf32, #tpu.memory_space<vmem_shared>>
            tpu.wait_indirect_dma semaphore(%run_scoped3A : memref<!tpu.dma_semaphore, #tpu.memory_space<semaphore_mem>>) src(%arg9 : memref<128x8xf32, #tpu.memory_space<vmem>>) dst(%dma_wait3A_128 : memref<10240x8xf32, #tpu.memory_space<vmem_shared>>)
            tpu.yield
          }) : () -> ()
        } else {
        }
        %mul3A_64 = arith.constant 4 : i32
        %mul3A_65 = arith.muli %mul3A_64, %add3A_48 : i32
        %add3A_66 = arith.constant 1 : i32
        %add3A_67 = arith.addi %mul3A_65, %add3A_66 : i32
        %add3A_68 = arith.constant 3 : i32
        %add3A_69 = arith.addi %add3A_67, %add3A_68 : i32
        %lt3A_70 = arith.constant 69 : i32
        %lt3A_71 = arith.cmpi slt, %add3A_69, %lt3A_70 : i32
        %convert_element_type3A_72 = arith.extui %lt3A_71 : i1 to i32
        %cond3A_73 = arith.constant 0 : i32
        %cond3A_74 = arith.cmpi ne, %convert_element_type3A_72, %cond3A_73 : i32
        scf.if %cond3A_74 {
          %dma_start3A_112 = arith.constant 0 : i32
          %dma_start3A_113 = tpu.memref_slice %arg7[%add3A_69, %dma_start3A_112] : memref<88x128xi32, #tpu.memory_space<vmem>> -> memref<1x128xi32, #tpu.memory_space<vmem>>
          %dma_start3A_114 = tpu.memref_squeeze %dma_start3A_113 : memref<1x128xi32, #tpu.memory_space<vmem>> -> memref<128xi32, #tpu.memory_space<vmem>>
          %dma_start3A_115 = arith.constant 0 : i32
          %dma_start3A_116 = arith.constant 0 : i32
          %dma_start3A_117 = tpu.memref_slice %arg2[%dma_start3A_115, %dma_start3A_116] : memref<10000x8xf32, #tpu.memory_space<hbm>> -> memref<10000x8xf32, #tpu.memory_space<hbm>>
          tpu.enqueue_indirect_dma source(%dma_start3A_117 : memref<10000x8xf32, #tpu.memory_space<hbm>>) target(%arg9 : memref<128x8xf32, #tpu.memory_space<vmem>>) offsets(%dma_start3A_114 : memref<128xi32, #tpu.memory_space<vmem>>) semaphore(%arg14 : memref<!tpu.dma_semaphore, #tpu.memory_space<semaphore_mem>>)
        } else {
        }
        %lt3A_75 = arith.constant 69 : i32
        %lt3A_76 = arith.cmpi slt, %add3A_67, %lt3A_75 : i32
        %convert_element_type3A_77 = arith.extui %lt3A_76 : i1 to i32
        %cond3A_78 = arith.constant 0 : i32
        %cond3A_79 = arith.cmpi ne, %convert_element_type3A_77, %cond3A_78 : i32
        scf.if %cond3A_79 {
          %dma_wait3A = arith.constant 0 : i32
          %dma_wait3A_112 = tpu.memref_slice %arg7[%add3A_67, %dma_wait3A] : memref<88x128xi32, #tpu.memory_space<vmem>> -> memref<1x128xi32, #tpu.memory_space<vmem>>
          %dma_wait3A_113 = tpu.memref_squeeze %dma_wait3A_112 : memref<1x128xi32, #tpu.memory_space<vmem>> -> memref<128xi32, #tpu.memory_space<vmem>>
          %dma_wait3A_114 = arith.constant 0 : i32
          %dma_wait3A_115 = arith.constant 0 : i32
          %dma_wait3A_116 = tpu.memref_slice %arg2[%dma_wait3A_114, %dma_wait3A_115] : memref<10000x8xf32, #tpu.memory_space<hbm>> -> memref<10000x8xf32, #tpu.memory_space<hbm>>
          tpu.wait_indirect_dma semaphore(%arg15 : memref<!tpu.dma_semaphore, #tpu.memory_space<semaphore_mem>>) src(%dma_wait3A_116 : memref<10000x8xf32, #tpu.memory_space<hbm>>) dst(%arg10 : memref<128x8xf32, #tpu.memory_space<vmem>>)
          "tpu.region"() ({
            %run_scoped3A = tpu.sem_alloc : memref<!tpu.dma_semaphore, #tpu.memory_space<semaphore_mem>>
            %dma_start3A_117 = arith.constant 0 : i32
            %dma_start3A_118 = tpu.memref_slice %arg8[%add3A_67, %dma_start3A_117] : memref<88x128xi32, #tpu.memory_space<vmem>> -> memref<1x128xi32, #tpu.memory_space<vmem>>
            %dma_start3A_119 = tpu.memref_squeeze %dma_start3A_118 : memref<1x128xi32, #tpu.memory_space<vmem>> -> memref<128xi32, #tpu.memory_space<vmem>>
            %dma_start3A_120 = arith.constant 0 : i32
            %dma_start3A_121 = arith.constant 0 : i32
            %dma_start3A_122 = tpu.memref_slice %arg13[%dma_start3A_120, %dma_start3A_121] : memref<10240x8xf32, #tpu.memory_space<vmem_shared>> -> memref<10240x8xf32, #tpu.memory_space<vmem_shared>>
            tpu.enqueue_indirect_dma source(%arg10 : memref<128x8xf32, #tpu.memory_space<vmem>>) target(%dma_start3A_122 : memref<10240x8xf32, #tpu.memory_space<vmem_shared>>) offsets(%dma_start3A_119 : memref<128xi32, #tpu.memory_space<vmem>>) semaphore(%run_scoped3A : memref<!tpu.dma_semaphore, #tpu.memory_space<semaphore_mem>>) {add = true}
            %dma_wait3A_123 = arith.constant 0 : i32
            %dma_wait3A_124 = tpu.memref_slice %arg8[%add3A_67, %dma_wait3A_123] : memref<88x128xi32, #tpu.memory_space<vmem>> -> memref<1x128xi32, #tpu.memory_space<vmem>>
            %dma_wait3A_125 = tpu.memref_squeeze %dma_wait3A_124 : memref<1x128xi32, #tpu.memory_space<vmem>> -> memref<128xi32, #tpu.memory_space<vmem>>
            %dma_wait3A_126 = arith.constant 0 : i32
            %dma_wait3A_127 = arith.constant 0 : i32
            %dma_wait3A_128 = tpu.memref_slice %arg13[%dma_wait3A_126, %dma_wait3A_127] : memref<10240x8xf32, #tpu.memory_space<vmem_shared>> -> memref<10240x8xf32, #tpu.memory_space<vmem_shared>>
            tpu.wait_indirect_dma semaphore(%run_scoped3A : memref<!tpu.dma_semaphore, #tpu.memory_space<semaphore_mem>>) src(%arg10 : memref<128x8xf32, #tpu.memory_space<vmem>>) dst(%dma_wait3A_128 : memref<10240x8xf32, #tpu.memory_space<vmem_shared>>)
            tpu.yield
          }) : () -> ()
        } else {
        }
        %mul3A_80 = arith.constant 4 : i32
        %mul3A_81 = arith.muli %mul3A_80, %add3A_48 : i32
        %add3A_82 = arith.constant 2 : i32
        %add3A_83 = arith.addi %mul3A_81, %add3A_82 : i32
        %add3A_84 = arith.constant 3 : i32
        %add3A_85 = arith.addi %add3A_83, %add3A_84 : i32
        %lt3A_86 = arith.constant 69 : i32
        %lt3A_87 = arith.cmpi slt, %add3A_85, %lt3A_86 : i32
        %convert_element_type3A_88 = arith.extui %lt3A_87 : i1 to i32
        %cond3A_89 = arith.constant 0 : i32
        %cond3A_90 = arith.cmpi ne, %convert_element_type3A_88, %cond3A_89 : i32
        scf.if %cond3A_90 {
          %dma_start3A_112 = arith.constant 0 : i32
          %dma_start3A_113 = tpu.memref_slice %arg7[%add3A_85, %dma_start3A_112] : memref<88x128xi32, #tpu.memory_space<vmem>> -> memref<1x128xi32, #tpu.memory_space<vmem>>
          %dma_start3A_114 = tpu.memref_squeeze %dma_start3A_113 : memref<1x128xi32, #tpu.memory_space<vmem>> -> memref<128xi32, #tpu.memory_space<vmem>>
          %dma_start3A_115 = arith.constant 0 : i32
          %dma_start3A_116 = arith.constant 0 : i32
          %dma_start3A_117 = tpu.memref_slice %arg2[%dma_start3A_115, %dma_start3A_116] : memref<10000x8xf32, #tpu.memory_space<hbm>> -> memref<10000x8xf32, #tpu.memory_space<hbm>>
          tpu.enqueue_indirect_dma source(%dma_start3A_117 : memref<10000x8xf32, #tpu.memory_space<hbm>>) target(%arg10 : memref<128x8xf32, #tpu.memory_space<vmem>>) offsets(%dma_start3A_114 : memref<128xi32, #tpu.memory_space<vmem>>) semaphore(%arg15 : memref<!tpu.dma_semaphore, #tpu.memory_space<semaphore_mem>>)
        } else {
        }
        %lt3A_91 = arith.constant 69 : i32
        %lt3A_92 = arith.cmpi slt, %add3A_83, %lt3A_91 : i32
        %convert_element_type3A_93 = arith.extui %lt3A_92 : i1 to i32
        %cond3A_94 = arith.constant 0 : i32
        %cond3A_95 = arith.cmpi ne, %convert_element_type3A_93, %cond3A_94 : i32
        scf.if %cond3A_95 {
          %dma_wait3A = arith.constant 0 : i32
          %dma_wait3A_112 = tpu.memref_slice %arg7[%add3A_83, %dma_wait3A] : memref<88x128xi32, #tpu.memory_space<vmem>> -> memref<1x128xi32, #tpu.memory_space<vmem>>
          %dma_wait3A_113 = tpu.memref_squeeze %dma_wait3A_112 : memref<1x128xi32, #tpu.memory_space<vmem>> -> memref<128xi32, #tpu.memory_space<vmem>>
          %dma_wait3A_114 = arith.constant 0 : i32
          %dma_wait3A_115 = arith.constant 0 : i32
          %dma_wait3A_116 = tpu.memref_slice %arg2[%dma_wait3A_114, %dma_wait3A_115] : memref<10000x8xf32, #tpu.memory_space<hbm>> -> memref<10000x8xf32, #tpu.memory_space<hbm>>
          tpu.wait_indirect_dma semaphore(%arg16 : memref<!tpu.dma_semaphore, #tpu.memory_space<semaphore_mem>>) src(%dma_wait3A_116 : memref<10000x8xf32, #tpu.memory_space<hbm>>) dst(%arg11 : memref<128x8xf32, #tpu.memory_space<vmem>>)
          "tpu.region"() ({
            %run_scoped3A = tpu.sem_alloc : memref<!tpu.dma_semaphore, #tpu.memory_space<semaphore_mem>>
            %dma_start3A_117 = arith.constant 0 : i32
            %dma_start3A_118 = tpu.memref_slice %arg8[%add3A_83, %dma_start3A_117] : memref<88x128xi32, #tpu.memory_space<vmem>> -> memref<1x128xi32, #tpu.memory_space<vmem>>
            %dma_start3A_119 = tpu.memref_squeeze %dma_start3A_118 : memref<1x128xi32, #tpu.memory_space<vmem>> -> memref<128xi32, #tpu.memory_space<vmem>>
            %dma_start3A_120 = arith.constant 0 : i32
            %dma_start3A_121 = arith.constant 0 : i32
            %dma_start3A_122 = tpu.memref_slice %arg13[%dma_start3A_120, %dma_start3A_121] : memref<10240x8xf32, #tpu.memory_space<vmem_shared>> -> memref<10240x8xf32, #tpu.memory_space<vmem_shared>>
            tpu.enqueue_indirect_dma source(%arg11 : memref<128x8xf32, #tpu.memory_space<vmem>>) target(%dma_start3A_122 : memref<10240x8xf32, #tpu.memory_space<vmem_shared>>) offsets(%dma_start3A_119 : memref<128xi32, #tpu.memory_space<vmem>>) semaphore(%run_scoped3A : memref<!tpu.dma_semaphore, #tpu.memory_space<semaphore_mem>>) {add = true}
            %dma_wait3A_123 = arith.constant 0 : i32
            %dma_wait3A_124 = tpu.memref_slice %arg8[%add3A_83, %dma_wait3A_123] : memref<88x128xi32, #tpu.memory_space<vmem>> -> memref<1x128xi32, #tpu.memory_space<vmem>>
            %dma_wait3A_125 = tpu.memref_squeeze %dma_wait3A_124 : memref<1x128xi32, #tpu.memory_space<vmem>> -> memref<128xi32, #tpu.memory_space<vmem>>
            %dma_wait3A_126 = arith.constant 0 : i32
            %dma_wait3A_127 = arith.constant 0 : i32
            %dma_wait3A_128 = tpu.memref_slice %arg13[%dma_wait3A_126, %dma_wait3A_127] : memref<10240x8xf32, #tpu.memory_space<vmem_shared>> -> memref<10240x8xf32, #tpu.memory_space<vmem_shared>>
            tpu.wait_indirect_dma semaphore(%run_scoped3A : memref<!tpu.dma_semaphore, #tpu.memory_space<semaphore_mem>>) src(%arg11 : memref<128x8xf32, #tpu.memory_space<vmem>>) dst(%dma_wait3A_128 : memref<10240x8xf32, #tpu.memory_space<vmem_shared>>)
            tpu.yield
          }) : () -> ()
        } else {
        }
        %mul3A_96 = arith.constant 4 : i32
        %mul3A_97 = arith.muli %mul3A_96, %add3A_48 : i32
        %add3A_98 = arith.constant 3 : i32
        %add3A_99 = arith.addi %mul3A_97, %add3A_98 : i32
        %add3A_100 = arith.constant 3 : i32
        %add3A_101 = arith.addi %add3A_99, %add3A_100 : i32
        %lt3A_102 = arith.constant 69 : i32
        %lt3A_103 = arith.cmpi slt, %add3A_101, %lt3A_102 : i32
        %convert_element_type3A_104 = arith.extui %lt3A_103 : i1 to i32
        %cond3A_105 = arith.constant 0 : i32
        %cond3A_106 = arith.cmpi ne, %convert_element_type3A_104, %cond3A_105 : i32
        scf.if %cond3A_106 {
          %dma_start3A_112 = arith.constant 0 : i32
          %dma_start3A_113 = tpu.memref_slice %arg7[%add3A_101, %dma_start3A_112] : memref<88x128xi32, #tpu.memory_space<vmem>> -> memref<1x128xi32, #tpu.memory_space<vmem>>
          %dma_start3A_114 = tpu.memref_squeeze %dma_start3A_113 : memref<1x128xi32, #tpu.memory_space<vmem>> -> memref<128xi32, #tpu.memory_space<vmem>>
          %dma_start3A_115 = arith.constant 0 : i32
          %dma_start3A_116 = arith.constant 0 : i32
          %dma_start3A_117 = tpu.memref_slice %arg2[%dma_start3A_115, %dma_start3A_116] : memref<10000x8xf32, #tpu.memory_space<hbm>> -> memref<10000x8xf32, #tpu.memory_space<hbm>>
          tpu.enqueue_indirect_dma source(%dma_start3A_117 : memref<10000x8xf32, #tpu.memory_space<hbm>>) target(%arg11 : memref<128x8xf32, #tpu.memory_space<vmem>>) offsets(%dma_start3A_114 : memref<128xi32, #tpu.memory_space<vmem>>) semaphore(%arg16 : memref<!tpu.dma_semaphore, #tpu.memory_space<semaphore_mem>>)
        } else {
        }
        %lt3A_107 = arith.constant 69 : i32
        %lt3A_108 = arith.cmpi slt, %add3A_99, %lt3A_107 : i32
        %convert_element_type3A_109 = arith.extui %lt3A_108 : i1 to i32
        %cond3A_110 = arith.constant 0 : i32
        %cond3A_111 = arith.cmpi ne, %convert_element_type3A_109, %cond3A_110 : i32
        scf.if %cond3A_111 {
          %dma_wait3A = arith.constant 0 : i32
          %dma_wait3A_112 = tpu.memref_slice %arg7[%add3A_99, %dma_wait3A] : memref<88x128xi32, #tpu.memory_space<vmem>> -> memref<1x128xi32, #tpu.memory_space<vmem>>
          %dma_wait3A_113 = tpu.memref_squeeze %dma_wait3A_112 : memref<1x128xi32, #tpu.memory_space<vmem>> -> memref<128xi32, #tpu.memory_space<vmem>>
          %dma_wait3A_114 = arith.constant 0 : i32
          %dma_wait3A_115 = arith.constant 0 : i32
          %dma_wait3A_116 = tpu.memref_slice %arg2[%dma_wait3A_114, %dma_wait3A_115] : memref<10000x8xf32, #tpu.memory_space<hbm>> -> memref<10000x8xf32, #tpu.memory_space<hbm>>
          tpu.wait_indirect_dma semaphore(%arg17 : memref<!tpu.dma_semaphore, #tpu.memory_space<semaphore_mem>>) src(%dma_wait3A_116 : memref<10000x8xf32, #tpu.memory_space<hbm>>) dst(%arg12 : memref<128x8xf32, #tpu.memory_space<vmem>>)
          "tpu.region"() ({
            %run_scoped3A = tpu.sem_alloc : memref<!tpu.dma_semaphore, #tpu.memory_space<semaphore_mem>>
            %dma_start3A_117 = arith.constant 0 : i32
            %dma_start3A_118 = tpu.memref_slice %arg8[%add3A_99, %dma_start3A_117] : memref<88x128xi32, #tpu.memory_space<vmem>> -> memref<1x128xi32, #tpu.memory_space<vmem>>
            %dma_start3A_119 = tpu.memref_squeeze %dma_start3A_118 : memref<1x128xi32, #tpu.memory_space<vmem>> -> memref<128xi32, #tpu.memory_space<vmem>>
            %dma_start3A_120 = arith.constant 0 : i32
            %dma_start3A_121 = arith.constant 0 : i32
            %dma_start3A_122 = tpu.memref_slice %arg13[%dma_start3A_120, %dma_start3A_121] : memref<10240x8xf32, #tpu.memory_space<vmem_shared>> -> memref<10240x8xf32, #tpu.memory_space<vmem_shared>>
            tpu.enqueue_indirect_dma source(%arg12 : memref<128x8xf32, #tpu.memory_space<vmem>>) target(%dma_start3A_122 : memref<10240x8xf32, #tpu.memory_space<vmem_shared>>) offsets(%dma_start3A_119 : memref<128xi32, #tpu.memory_space<vmem>>) semaphore(%run_scoped3A : memref<!tpu.dma_semaphore, #tpu.memory_space<semaphore_mem>>) {add = true}
            %dma_wait3A_123 = arith.constant 0 : i32
            %dma_wait3A_124 = tpu.memref_slice %arg8[%add3A_99, %dma_wait3A_123] : memref<88x128xi32, #tpu.memory_space<vmem>> -> memref<1x128xi32, #tpu.memory_space<vmem>>
            %dma_wait3A_125 = tpu.memref_squeeze %dma_wait3A_124 : memref<1x128xi32, #tpu.memory_space<vmem>> -> memref<128xi32, #tpu.memory_space<vmem>>
            %dma_wait3A_126 = arith.constant 0 : i32
            %dma_wait3A_127 = arith.constant 0 : i32
            %dma_wait3A_128 = tpu.memref_slice %arg13[%dma_wait3A_126, %dma_wait3A_127] : memref<10240x8xf32, #tpu.memory_space<vmem_shared>> -> memref<10240x8xf32, #tpu.memory_space<vmem_shared>>
            tpu.wait_indirect_dma semaphore(%run_scoped3A : memref<!tpu.dma_semaphore, #tpu.memory_space<semaphore_mem>>) src(%arg12 : memref<128x8xf32, #tpu.memory_space<vmem>>) dst(%dma_wait3A_128 : memref<10240x8xf32, #tpu.memory_space<vmem_shared>>)
            tpu.yield
          }) : () -> ()
        } else {
        }
      }
      %scan3A_43 = arith.constant 18 : i32
    } else {
    }
    %barrier3A = arith.constant 0 : index
    tpu.barrier barrier_id(%barrier3A)
    %scan3A_11 = arith.constant 0 : i32
    %scan3A_12 = arith.constant 5 : i32
    %scan3A_13 = arith.addi %scan3A_11, %scan3A_12 : i32
    %scan3A_14 = arith.constant 1 : i32
    scf.for %scan3A_16 = %scan3A_11 to %scan3A_13 step %scan3A_14  : i32 {
      %mul3A = arith.constant 1 : i32
      %mul3A_17 = arith.muli %scan3A_16, %mul3A : i32
      %add3A = arith.constant 0 : i32
      %add3A_18 = arith.addi %add3A, %mul3A_17 : i32
      %mul3A_19 = arith.constant 640 : i32
      %mul3A_20 = arith.muli %arg1, %mul3A_19 : i32
      %mul3A_21 = arith.constant 128 : i32
      %mul3A_22 = arith.muli %add3A_18, %mul3A_21 : i32
      %add3A_23 = arith.addi %mul3A_20, %mul3A_22 : i32
      "tpu.region"() ({
        %run_scoped3A = tpu.sem_alloc : memref<!tpu.dma_semaphore, #tpu.memory_space<semaphore_mem>>
        %dma_start3A = arith.constant 0 : i32
        %dma_start3A_24 = tpu.memref_slice %arg6[%arg0, %add3A_23, %dma_start3A] : memref<2x10240x8xf32, #tpu.memory_space<hbm>> -> memref<1x128x8xf32, #tpu.memory_space<hbm>>
        %dma_start3A_25 = tpu.memref_squeeze %dma_start3A_24 : memref<1x128x8xf32, #tpu.memory_space<hbm>> -> memref<128x8xf32, #tpu.memory_space<hbm>>
        %dma_start3A_26 = arith.constant 0 : i32
        %dma_start3A_27 = tpu.memref_slice %arg13[%add3A_23, %dma_start3A_26] : memref<10240x8xf32, #tpu.memory_space<vmem_shared>> -> memref<128x8xf32, #tpu.memory_space<vmem_shared>>
        tpu.enqueue_dma source(%dma_start3A_27 : memref<128x8xf32, #tpu.memory_space<vmem_shared>>) target(%dma_start3A_25 : memref<128x8xf32, #tpu.memory_space<hbm>>) target_semaphore(%run_scoped3A : memref<!tpu.dma_semaphore, #tpu.memory_space<semaphore_mem>>)
        %dma_wait3A = arith.constant 0 : i32
        %dma_wait3A_28 = tpu.memref_slice %arg6[%arg0, %add3A_23, %dma_wait3A] : memref<2x10240x8xf32, #tpu.memory_space<hbm>> -> memref<1x128x8xf32, #tpu.memory_space<hbm>>
        %dma_wait3A_29 = tpu.memref_squeeze %dma_wait3A_28 : memref<1x128x8xf32, #tpu.memory_space<hbm>> -> memref<128x8xf32, #tpu.memory_space<hbm>>
        %dma_wait3A_30 = arith.constant 0 : i32
        %dma_wait3A_31 = tpu.memref_slice %arg13[%add3A_23, %dma_wait3A_30] : memref<10240x8xf32, #tpu.memory_space<vmem_shared>> -> memref<128x8xf32, #tpu.memory_space<vmem_shared>>
        tpu.wait_dma2 semaphore(%run_scoped3A : memref<!tpu.dma_semaphore, #tpu.memory_space<semaphore_mem>>) src(%dma_wait3A_31 : memref<128x8xf32, #tpu.memory_space<vmem_shared>>) dst(%dma_wait3A_29 : memref<128x8xf32, #tpu.memory_space<hbm>>)
        tpu.yield
      }) : () -> ()
    }
    %scan3A_15 = arith.constant 5 : i32
    return
  }
}

module attributes {stable_mosaic.version = 14 : i64} {
  func.func @body(%arg0: memref<10000x128xf32, #tpu.memory_space<vmem>>, %arg1: memref<128x64xf32, #tpu.memory_space<vmem>>, %arg2: memref<10000x64xf32, #tpu.memory_space<vmem>>) attributes {dimension_semantics = [], scalar_prefetch = 0 : i64, scratch_operands = 0 : i64, tpu.core_type = #tpu.core_type<tc>} {
    %get3A = arith.constant 0 : index
    %get3A_0 = arith.constant 0 : index
    %get3A_1 = vector.load %arg0[%get3A, %get3A_0] : memref<10000x128xf32, #tpu.memory_space<vmem>>, vector<10000x128xf32>
    %get3A_2 = arith.constant 0 : index
    %get3A_3 = arith.constant 0 : index
    %get3A_4 = vector.load %arg1[%get3A_2, %get3A_3] : memref<128x64xf32, #tpu.memory_space<vmem>>, vector<128x64xf32>
    %dot_general3A = arith.constant dense<0.000000e+00> : vector<10000x64xf32>
    %dot_general3A_5 = tpu.matmul %get3A_1, %get3A_4, %dot_general3A {dimension_numbers = #tpu.dot_dimension_numbers<[1], [0], [0], [1], [0, 0, 1, 1], [], []>, transpose_lhs_hint = false} : vector<10000x128xf32>, vector<128x64xf32>, vector<10000x64xf32> -> vector<10000x64xf32>
    %swap3A = arith.constant 0 : index
    %swap3A_6 = arith.constant 0 : index
    %swap3A_7 = vector.load %arg2[%swap3A, %swap3A_6] : memref<10000x64xf32, #tpu.memory_space<vmem>>, vector<10000x64xf32>
    tpu.vector_store %arg2[%swap3A, %swap3A_6], %dot_general3A_5 {strides = array<i32>} : memref<10000x64xf32, #tpu.memory_space<vmem>>, vector<10000x64xf32>,
    return
  }
}

module attributes {stable_mosaic.version = 14 : i64} {
  func.func @body(%arg0: memref<10000x64xf32, #tpu.memory_space<vmem>>, %arg1: memref<2x10240x1xf32, #tpu.memory_space<vmem>>, %arg2: memref<10000x64xf32, #tpu.memory_space<vmem>>, %arg3: memref<10000x1xf32, #tpu.memory_space<vmem>>) attributes {dimension_semantics = [], scalar_prefetch = 0 : i64, scratch_operands = 0 : i64, tpu.core_type = #tpu.core_type<tc>} {
    %get3A = arith.constant 0 : index
    %get3A_0 = arith.constant 0 : index
    %get3A_1 = arith.constant 0 : index
    %get3A_2 = vector.load %arg1[%get3A, %get3A_0, %get3A_1] : memref<2x10240x1xf32, #tpu.memory_space<vmem>>, vector<1x10000x1xf32>
    %get3A_3 = vector.shape_cast %get3A_2 : vector<1x10000x1xf32> to vector<10000x1xf32>
    %get3A_4 = arith.constant 1 : index
    %get3A_5 = arith.constant 0 : index
    %get3A_6 = arith.constant 0 : index
    %get3A_7 = vector.load %arg1[%get3A_4, %get3A_5, %get3A_6] : memref<2x10240x1xf32, #tpu.memory_space<vmem>>, vector<1x10000x1xf32>
    %get3A_8 = vector.shape_cast %get3A_7 : vector<1x10000x1xf32> to vector<10000x1xf32>
    %add3A = arith.addf %get3A_3, %get3A_8 : vector<10000x1xf32>
    %add3A_9 = arith.constant 1.000000e+00 : f32
    %add3A_10 = vector.broadcast %add3A_9 : f32 to vector<10000x1xf32>
    %add3A_11 = arith.addf %add3A, %add3A_10 : vector<10000x1xf32>
    %rsqrt3A = math.rsqrt %add3A_11 : vector<10000x1xf32>
    %swap3A = arith.constant 0 : index
    %swap3A_12 = arith.constant 0 : index
    %swap3A_13 = vector.load %arg3[%swap3A, %swap3A_12] : memref<10000x1xf32, #tpu.memory_space<vmem>>, vector<10000x1xf32>
    tpu.vector_store %arg3[%swap3A, %swap3A_12], %rsqrt3A {strides = array<i32>} : memref<10000x1xf32, #tpu.memory_space<vmem>>, vector<10000x1xf32>,
    %get3A_14 = arith.constant 0 : index
    %get3A_15 = arith.constant 0 : index
    %get3A_16 = vector.load %arg0[%get3A_14, %get3A_15] : memref<10000x64xf32, #tpu.memory_space<vmem>>, vector<10000x64xf32>
    %mul3A = vector.broadcast %rsqrt3A : vector<10000x1xf32> to vector<10000x64xf32>
    %mul3A_17 = arith.mulf %get3A_16, %mul3A : vector<10000x64xf32>
    %swap3A_18 = arith.constant 0 : index
    %swap3A_19 = arith.constant 0 : index
    %swap3A_20 = vector.load %arg2[%swap3A_18, %swap3A_19] : memref<10000x64xf32, #tpu.memory_space<vmem>>, vector<10000x64xf32>
    tpu.vector_store %arg2[%swap3A_18, %swap3A_19], %mul3A_17 {strides = array<i32>} : memref<10000x64xf32, #tpu.memory_space<vmem>>, vector<10000x64xf32>,
    return
  }
}

module attributes {stable_mosaic.version = 14 : i64} {
  func.func @body(%arg0: memref<2x10240x64xf32, #tpu.memory_space<vmem>>, %arg1: memref<10000x64xf32, #tpu.memory_space<vmem>>, %arg2: memref<10000x1xf32, #tpu.memory_space<vmem>>, %arg3: memref<1x64xf32, #tpu.memory_space<vmem>>, %arg4: memref<64x8xf32, #tpu.memory_space<vmem>>, %arg5: memref<10000x8xf32, #tpu.memory_space<vmem>>) attributes {dimension_semantics = [], scalar_prefetch = 0 : i64, scratch_operands = 0 : i64, tpu.core_type = #tpu.core_type<tc>} {
    %get3A = arith.constant 0 : index
    %get3A_0 = arith.constant 0 : index
    %get3A_1 = arith.constant 0 : index
    %get3A_2 = vector.load %arg0[%get3A, %get3A_0, %get3A_1] : memref<2x10240x64xf32, #tpu.memory_space<vmem>>, vector<1x10000x64xf32>
    %get3A_3 = vector.shape_cast %get3A_2 : vector<1x10000x64xf32> to vector<10000x64xf32>
    %get3A_4 = arith.constant 1 : index
    %get3A_5 = arith.constant 0 : index
    %get3A_6 = arith.constant 0 : index
    %get3A_7 = vector.load %arg0[%get3A_4, %get3A_5, %get3A_6] : memref<2x10240x64xf32, #tpu.memory_space<vmem>>, vector<1x10000x64xf32>
    %get3A_8 = vector.shape_cast %get3A_7 : vector<1x10000x64xf32> to vector<10000x64xf32>
    %add3A = arith.addf %get3A_3, %get3A_8 : vector<10000x64xf32>
    %get3A_9 = arith.constant 0 : index
    %get3A_10 = arith.constant 0 : index
    %get3A_11 = vector.load %arg1[%get3A_9, %get3A_10] : memref<10000x64xf32, #tpu.memory_space<vmem>>, vector<10000x64xf32>
    %add3A_12 = arith.addf %add3A, %get3A_11 : vector<10000x64xf32>
    %get3A_13 = arith.constant 0 : index
    %get3A_14 = arith.constant 0 : index
    %get3A_15 = vector.load %arg2[%get3A_13, %get3A_14] : memref<10000x1xf32, #tpu.memory_space<vmem>>, vector<10000x1xf32>
    %mul3A = vector.broadcast %get3A_15 : vector<10000x1xf32> to vector<10000x64xf32>
    %mul3A_16 = arith.mulf %add3A_12, %mul3A : vector<10000x64xf32>
    %get3A_17 = arith.constant 0 : index
    %get3A_18 = arith.constant 0 : index
    %get3A_19 = vector.load %arg3[%get3A_17, %get3A_18] : memref<1x64xf32, #tpu.memory_space<vmem>>, vector<1x64xf32>
    %add3A_20 = vector.broadcast %get3A_19 : vector<1x64xf32> to vector<10000x64xf32>
    %add3A_21 = arith.addf %mul3A_16, %add3A_20 : vector<10000x64xf32>
    %max3A = arith.constant 0.000000e+00 : f32
    %max3A_22 = vector.broadcast %max3A : f32 to vector<10000x64xf32>
    %max3A_23 = arith.maximumf %add3A_21, %max3A_22 : vector<10000x64xf32>
    %get3A_24 = arith.constant 0 : index
    %get3A_25 = arith.constant 0 : index
    %get3A_26 = vector.load %arg4[%get3A_24, %get3A_25] : memref<64x8xf32, #tpu.memory_space<vmem>>, vector<64x8xf32>
    %dot_general3A = arith.constant dense<0.000000e+00> : vector<10000x8xf32>
    %dot_general3A_27 = tpu.matmul %max3A_23, %get3A_26, %dot_general3A {dimension_numbers = #tpu.dot_dimension_numbers<[1], [0], [0], [1], [0, 0, 1, 1], [], []>, transpose_lhs_hint = false} : vector<10000x64xf32>, vector<64x8xf32>, vector<10000x8xf32> -> vector<10000x8xf32>
    %get3A_28 = arith.constant 0 : index
    %get3A_29 = arith.constant 0 : index
    %get3A_30 = vector.load %arg2[%get3A_28, %get3A_29] : memref<10000x1xf32, #tpu.memory_space<vmem>>, vector<10000x1xf32>
    %mul3A_31 = vector.broadcast %get3A_30 : vector<10000x1xf32> to vector<10000x8xf32>
    %mul3A_32 = arith.mulf %dot_general3A_27, %mul3A_31 : vector<10000x8xf32>
    %swap3A = arith.constant 0 : index
    %swap3A_33 = arith.constant 0 : index
    %swap3A_34 = vector.load %arg5[%swap3A, %swap3A_33] : memref<10000x8xf32, #tpu.memory_space<vmem>>, vector<10000x8xf32>
    tpu.vector_store %arg5[%swap3A, %swap3A_33], %mul3A_32 {strides = array<i32>} : memref<10000x8xf32, #tpu.memory_space<vmem>>, vector<10000x8xf32>,
    return
  }
}

module attributes {stable_mosaic.version = 14 : i64} {
  func.func @body(%arg0: memref<2x10240x8xf32, #tpu.memory_space<vmem>>, %arg1: memref<10000x8xf32, #tpu.memory_space<vmem>>, %arg2: memref<10000x1xf32, #tpu.memory_space<vmem>>, %arg3: memref<1x8xf32, #tpu.memory_space<vmem>>, %arg4: memref<10000x2xf32, #tpu.memory_space<vmem>>) attributes {dimension_semantics = [], scalar_prefetch = 0 : i64, scratch_operands = 0 : i64, tpu.core_type = #tpu.core_type<tc>} {
    %get3A = arith.constant 0 : index
    %get3A_0 = arith.constant 0 : index
    %get3A_1 = arith.constant 0 : index
    %get3A_2 = vector.load %arg0[%get3A, %get3A_0, %get3A_1] : memref<2x10240x8xf32, #tpu.memory_space<vmem>>, vector<1x10000x8xf32>
    %get3A_3 = vector.shape_cast %get3A_2 : vector<1x10000x8xf32> to vector<10000x8xf32>
    %get3A_4 = arith.constant 1 : index
    %get3A_5 = arith.constant 0 : index
    %get3A_6 = arith.constant 0 : index
    %get3A_7 = vector.load %arg0[%get3A_4, %get3A_5, %get3A_6] : memref<2x10240x8xf32, #tpu.memory_space<vmem>>, vector<1x10000x8xf32>
    %get3A_8 = vector.shape_cast %get3A_7 : vector<1x10000x8xf32> to vector<10000x8xf32>
    %add3A = arith.addf %get3A_3, %get3A_8 : vector<10000x8xf32>
    %get3A_9 = arith.constant 0 : index
    %get3A_10 = arith.constant 0 : index
    %get3A_11 = vector.load %arg1[%get3A_9, %get3A_10] : memref<10000x8xf32, #tpu.memory_space<vmem>>, vector<10000x8xf32>
    %add3A_12 = arith.addf %add3A, %get3A_11 : vector<10000x8xf32>
    %get3A_13 = arith.constant 0 : index
    %get3A_14 = arith.constant 0 : index
    %get3A_15 = vector.load %arg2[%get3A_13, %get3A_14] : memref<10000x1xf32, #tpu.memory_space<vmem>>, vector<10000x1xf32>
    %mul3A = vector.broadcast %get3A_15 : vector<10000x1xf32> to vector<10000x8xf32>
    %mul3A_16 = arith.mulf %add3A_12, %mul3A : vector<10000x8xf32>
    %get3A_17 = arith.constant 0 : index
    %get3A_18 = arith.constant 0 : index
    %get3A_19 = vector.load %arg3[%get3A_17, %get3A_18] : memref<1x8xf32, #tpu.memory_space<vmem>>, vector<1x8xf32>
    %add3A_20 = vector.broadcast %get3A_19 : vector<1x8xf32> to vector<10000x8xf32>
    %add3A_21 = arith.addf %mul3A_16, %add3A_20 : vector<10000x8xf32>
    %slice3A = vector.extract_strided_slice %add3A_21 {offsets = [0, 0], sizes = [10000, 2], strides = [1, 1]} : vector<10000x8xf32> to vector<10000x2xf32>
    %swap3A = arith.constant 0 : index
    %swap3A_22 = arith.constant 0 : index
    %swap3A_23 = vector.load %arg4[%swap3A, %swap3A_22] : memref<10000x2xf32, #tpu.memory_space<vmem>>, vector<10000x2xf32>
    tpu.vector_store %arg4[%swap3A, %swap3A_22], %slice3A {strides = array<i32>} : memref<10000x2xf32, #tpu.memory_space<vmem>>, vector<10000x2xf32>,
    return
  }
}

</mosaic_0001>

<sc_bundles>
// kernel: kernel.12.cloned.1.call-start
scs
__scs_entry_jumppad:
0x0: {  	(pc) =	sbr.rel $0x88, $3  }
0x1: {  	(tag) =	ssettag $0x0;
	lr =	simm.s32 $0x1  }
0x2: {  	[smem:$0x3F9B] =	sst lr;
	_ =	strace $0xD0000000  }
0x3: {  	_ = 	snop  }
0x4: {  	_ = 	snop  }
0x5: {  	_ = 	snop  }
0x6: {  	_ = 	snop  }
0x7: {  	_ = 	snop  }
__scs_overlays_trampoline_lowered:
0x8: {  	[smem:$0x3FAA] =	sst s0  }
0x9: {  	[smem:$0x3FAB] =	sst s1  }
0xa: {  	[smem:$0x3FAC] =	sst s2  }
0xb: {  	[smem:$0x3FAD] =	sst s3  }
0xc: {  	[smem:$0x3FAE] =	sst s4  }
0xd: {  	[smem:$0x3FAF] =	sst s5  }
0xe: {  	[smem:$0x3FB0] =	sst s6  }
0xf: {  	[smem:$0x3FB1] =	sst s7  }
0x10: {  	[smem:$0x3FB2] =	sst s8  }
0x11: {  	[smem:$0x3FB3] =	sst s9;
	s0 =	simm.s32 @!p0 $0x0  }
0x12: {  	s1 =	sld [smem:$0x3F99];
	s0 =	simm.s32 @p0 $0x1  }
0x13: {  	[smem:$0x3FB4] =	sst s0;
	s0 =	simm.s32 @!p1 $0x0  }
0x14: {  	s2 =	sld [smem:$0x3F98];
	s0 =	simm.s32 @p1 $0x1  }
0x15: {  	[smem:$0x3FB5] =	sst s0;
	s0 =	simm.s32 @!p2 $0x0  }
0x16: {  	s3 =	sld [smem:$0x3FDB];
	s0 =	simm.s32 @p2 $0x1  }
0x17: {  	s4 =	simm.s32 $0x1BF5;
	[smem:$0x3FB7] =	sst s0  }
0x18: {  	s0 =	sld [smem:$0x3F9A];
	_ =	swait.ge [sflag:s4], $0x0  }
0x19: {  	s7 =	sld [smem:$0x3F9B]  }
0x1a: {  	s8 =	sadd.s32 $0xFFFFE003, lr  }
0x1b: {  	s9 =	sadd.s32 $0xFFFFFEF7, lr;
	s5 =	simm.s32 $0xFFFFFFFF;
	p2 =	slt.u32 s8, $0xFFFFF086  }
0x1c: {  	p1 =	slt.u32 s9, $0xF7A;
	s5 =	simm.s32 @!p2 $0x0  }
0x1d: {  	s5 =	simm.s32 @p1 $0x1;
	p0 =	seq.s32 s7, s2  }
0x1e: {  	s7 =	smul.u32 @!p0 $0xF7A, s2;
	p2 =	seq.s32 @!p0 s5, $0x0  }
0x1f: {  	s9 =	smul.u32 $0xF7A, s1;
	s8 =	simm.s32 @!p0 $0x1BF5;
	p2 =	por !p2, p0  }
0x20: {  	[sflag:s8] =	ssyncset.s32 @!p0 $0xFFFFF086;
	s6 =	sadd.s32 @!p0 s3, s7;
	s7 =	simm.s32 @!p0 $0x108  }
0x21: {  	s3 =	sadd.s32 s3, s9;
	s6 =	sadd.s32 @!p0 $0x88, s6;
	s7 =	simm.s32 @p2 $0x1082  }
0x22: {  	[simem:s7], [sflag:s8] =	dma.local @!p0 [hbm:s6], $0xF7A  }
0x23: {  	s9 =	sor.u32 $0xD0000000, s2;
	s6 =	simm.s32 $0x108;
	_ =	swait.ge @!p0 [sflag:s8], $0x0  }
0x24: {  	s3 =	sadd.s32 $0x88, s3;
	s6 =	simm.s32 @!p1 $0x1082;
	[sflag:s4] =	ssyncset.s32 $0xFFFFF086  }
0x25: {  	[simem:s6], [sflag:s4] =	dma.local [hbm:s3], $0xF7A  }
0x26: {  	[smem:$0x3F9B] =	sst s1;
	(tag) =	ssettag s2;
	_ =	strace s9  }
0x27: {  	s1 =	sld [smem:$0x3FAB]  }
0x28: {  	s2 =	sld [smem:$0x3FAC]  }
0x29: {  	s4 =	sld [smem:$0x3FAE]  }
0x2a: {  	p0 =	seq.s32 s5, $0x0;
	s5 =	sld [smem:$0x3FAF]  }
0x2b: {  	s6 =	sld [smem:$0x3FB0]  }
0x2c: {  	s7 =	sld [smem:$0x3FB1]  }
0x2d: {  	s3 =	simm.s32 $0x108;
	s8 =	sld [smem:$0x3FB2]  }
0x2e: {  	s3 =	simm.s32 @!p0 $0x1082;
	s9 =	sld [smem:$0x3FB3]  }
0x2f: {  	lr =	sadd.s32 s0, s3;
	s0 =	sld [smem:$0x3FAA]  }
0x30: {  	s3 =	sld [smem:$0x3FAD]  }
0x31: {  	[smem:$0x3FB6] =	sst s10  }
0x32: {  	s10 =	sld [smem:$0x3FB4];
	_ =	sdelay $0x3  }
0x33: {  	p0 =	seq.s32 s10, $0x1;
	s10 =	sld [smem:$0x3FB6];
	_ =	sdelay $0x3  }
0x34: {  	[smem:$0x3FB6] =	sst s10  }
0x35: {  	s10 =	sld [smem:$0x3FB5];
	_ =	sdelay $0x3  }
0x36: {  	p1 =	seq.s32 s10, $0x1;
	s10 =	sld [smem:$0x3FB6];
	_ =	sdelay $0x3  }
0x37: {  	[smem:$0x3FB6] =	sst s10  }
0x38: {  	s10 =	sld [smem:$0x3FB7]  }
0x39: {  	_ = 	snop;
	(pc) =	sbr.ind lr, $3  }
0x3a: {  	_ = 	snop  }
0x3b: {  	_ = 	snop  }
0x3c: {  	p2 =	seq.s32 s10, $0x1;
	s10 =	sld [smem:$0x3FB6]  }
0x3d: {  	_ =	shalt  }
0x3e: {  	_ =	shalt  }
0x3f: {  	_ =	shalt  }
0x40: {  	_ =	shalt  }
0x41: {  	_ =	shalt  }
0x42: {  	_ =	shalt  }
0x43: {  	_ =	shalt  }
0x44: {  	_ =	shalt  }
0x45: {  	_ =	shalt  }
0x46: {  	_ =	shalt  }
0x47: {  	_ =	shalt  }
0x48: {  	_ =	shalt  }
0x49: {  	_ =	shalt  }
0x4a: {  	_ =	shalt  }
0x4b: {  	_ =	shalt  }
0x4c: {  	_ =	shalt  }
0x4d: {  	_ =	shalt  }
0x4e: {  	_ =	shalt  }
0x4f: {  	_ =	shalt  }
0x50: {  	_ =	shalt  }
0x51: {  	_ =	shalt  }
0x52: {  	_ =	shalt  }
0x53: {  	_ =	shalt  }
0x54: {  	_ =	shalt  }
0x55: {  	_ =	shalt  }
0x56: {  	_ =	shalt  }
0x57: {  	_ =	shalt  }
0x58: {  	_ =	shalt  }
0x59: {  	_ =	shalt  }
0x5a: {  	_ =	shalt  }
0x5b: {  	_ =	shalt  }
0x5c: {  	_ =	shalt  }
0x5d: {  	_ =	shalt  }
0x5e: {  	_ =	shalt  }
0x5f: {  	_ =	shalt  }
0x60: {  	_ =	shalt  }
0x61: {  	_ =	shalt  }
0x62: {  	_ =	shalt  }
0x63: {  	_ =	shalt  }
0x64: {  	_ =	shalt  }
0x65: {  	_ =	shalt  }
0x66: {  	_ =	shalt  }
0x67: {  	_ =	shalt  }
0x68: {  	_ =	shalt  }
0x69: {  	_ =	shalt  }
0x6a: {  	_ =	shalt  }
0x6b: {  	_ =	shalt  }
0x6c: {  	_ =	shalt  }
0x6d: {  	_ =	shalt  }
0x6e: {  	_ =	shalt  }
0x6f: {  	_ =	shalt  }
0x70: {  	_ =	shalt  }
0x71: {  	_ =	shalt  }
0x72: {  	_ =	shalt  }
0x73: {  	_ =	shalt  }
0x74: {  	_ =	shalt  }
0x75: {  	_ =	shalt  }
0x76: {  	_ =	shalt  }
0x77: {  	_ =	shalt  }
0x78: {  	_ =	shalt  }
0x79: {  	_ =	shalt  }
0x7a: {  	_ =	shalt  }
0x7b: {  	_ =	shalt  }
0x7c: {  	_ =	shalt  }
0x7d: {  	_ =	shalt  }
0x7e: {  	_ =	shalt  }
0x7f: {  	_ =	shalt  }
0x80: {  	_ =	shalt  }
0x81: {  	_ =	shalt  }
0x82: {  	_ =	shalt  }
0x83: {  	_ =	shalt  }
0x84: {  	_ =	shalt  }
0x85: {  	_ =	shalt  }
0x86: {  	_ =	shalt  }
0x87: {  	_ =	shalt  }
.Lfunc_end0:
.L_simem_size_0:
called_computation.1_lowered:
.L_overlay_start_0:
0x88: {  	s2 =	sld [smem:$0x3FD9]  }
0x89: {  	s3 =	sld [smem:$0x3FFE];
	_ =	sdelay $0x1  }
0x8a: {  	s1 =	srdreg.scid  }
0x8b: {  	s0 =	sand.u32 $0x1, s1  }
0x8c: {  	s17 =	sshll.u32 s0, $0xA;
	s2 =	sadd.s32 s3, s2  }
0x8d: {  	s2 =	sadd.s32 s2, s17  }
0x8e: {  	[smem:$0x3FC2] =	sst s2  }
0x8f: {  	_ = 	snop  }
0x90: {  	s2 =	sld [smem:$0x3FD0];
	(tm) =	ssettm $0x1  }
0x91: {  	s18 =	sld [smem:$0x3FFB];
	_ =	sdelay $0x3  }
0x92: {  	_ =	strace s18  }
0x93: {  	s3 =	sld [smem:$0x3FFC];
	_ =	sdelay $0x3  }
0x94: {  	_ =	strace s3  }
0x95: {  	s3 =	sld [smem:$0x3FFD];
	_ =	sdelay $0x3  }
0x96: {  	_ =	strace s3  }
0x97: {  	_ =	strace $0x8FFFFFFF  }
0x98: {  	s19 =	sld [smem:$0x3FDB];
	_ =	sdelay $0x1  }
0x99: {  	s4 =	simm.s32 $_scs_section_size  }
0x9a: {  	s5 =	simm.s32 $_size__tile_overlayer_lowered;
	s6 =	simm.s32 $_tile_overlayer_lowered  }
0x9b: {  	s22 =	simm.s32 $0x1BFF;
	s21 =	sshll.u32 s6, $0x1;
	s3 =	sadd.s32 s4, s19  }
0x9c: {  	s7 =	simm.s32 $0x0;
	s20 =	sshll.u32 s5, $0x1;
	s5 =	sadd.s32 s21, s3  }
0x9d: {  	[timem:s7], [sflag:s22] =	dma.local [hbm:s5], s20  }
0x9e: {  	_ =	swait.ge [sflag:s22], s20  }
0x9f: {  	s4 =	ssub.s32 $0x0, s20;
	[sflag:s22] =	ssyncset.done $0x0  }
0xa0: {  	[sflag:s22] =	ssyncadd.s32 s4;
	_ =	sdelay $0x1  }
0xa1: {  	s23 =	simm.s32 $0x1B8B  }
0xa2: {  	_ =	swait.ge [sflag:s23], $0x1  }
0xa3: {  	[sflag:s23] =	ssyncset.done $0x0  }
0xa4: {  	s25 =	simm.s32 $0x1B8E;
	s24 =	sld [smem:$0x3FFE];
	[sflag:s23] =	ssyncadd.s32 $0xFFFFFFFF  }
0xa5: {  	s26 =	simm.s32 $execute0_lowered;
	[smem:$0x3FD2] =	sst s25  }
0xa6: {  	s5 =	sshll.u32 s26, $0x1;
	_ =	strace $0x80000049;
	[dreg:$0x1] =	wrdreg $0xFFFFFFFF  }
0xa7: {  	s28 =	simm.s32 $_size_execute0_lowered;
	s3 =	sadd.s32 s3, s5;
	[dreg:$0x0] =	wrdreg $0x0  }
0xa8: {  	s5 =	sshll.u32 s28, $0x1;
	[dreg:$0x2] =	wrdreg s3  }
0xa9: {  	[dreg:$0x3] =	wrdreg s5  }
0xaa: {  	[dreg:$0x4] =	wrdreg $0xC0  }
0xab: {  	_ =	task [dreg:s7], $0x5FFFF  }
0xac: {  	[dreg:$0x1] =	wrdreg $0xFFFFFFFF  }
0xad: {  	[dreg:$0x0] =	wrdreg $0x60  }
0xae: {  	[dreg:$0x2] =	wrdreg s24  }
0xaf: {  	[dreg:$0x3] =	wrdreg s2  }
0xb0: {  	[dreg:$0x4] =	wrdreg $0xEE000  }
0xb1: {  	[dreg:$0x5] =	wrdreg $0x9  }
0xb2: {  	_ =	task.clear_ibuf [dreg:s7], $0x6FFFF;
	_ =	strace $0x90000049  }
0xb3: {  	s29 =	simm.s32 $0x9;
	_ =	strace $0x8000004B  }
0xb4: {  	_ =	swait.ge [sflag:s29], $0x1  }
0xb5: {  	[sflag:s29] =	ssyncadd.s32 $0xFFFFFFFF  }
0xb6: {  	_ =	strace $0x9000004B  }
0xb7: {  	_ =	sfence  }
0xb8: {  	s30 =	sld [smem:$0x0];
	_ =	sdelay $0x2  }
0xb9: {  	s31 =	sshll.u32 s1, $0xD;
	s1 =	sshrl.u32 s1, $0x2  }
0xba: {  	s3 =	sand.u32 $0x4000, s31;
	s1 =	sadd.s32 s1, s30  }
0xbb: {  	s0 =	sor.u32 s3, s0;
	s1 =	sshll.u32 s1, $0x11  }
0xbc: {  	s0 =	sor.u32 s1, s0  }
0xbd: {  	s0 =	sadd.s32 $0x8F2B, s0  }
0xbe: {  	[sflag:s0] =	ssyncadd.remote.s32 $0x1  }
0xbf: {  	_ =	sfence.sel $0xFFFF  }
0xc0: {  	[dreg:$0x0] =	wrdreg $0xFFFFFFFF;
	(pc) =	sbr.abs _section_cstart, $3  }
0xc1: {  	[dreg:$0x1] =	wrdreg $0xFFFFFFFF  }
0xc2: {  	_ =	task.clear_ibuf [dreg:s7], $0x2FFFF;
	_ =	strace $0x9FFFFFFF  }
0xc3: {  	(tm) =	ssettm $0x7FFFFFFF  }
tec
execute0_lowered:
.L_overlay_start_1:
0x0: {  	(tag) =	ssettag $0x1  }
0x1: {  	s0 =	rddreg [dreg:$0x0]  }
0x2: {  	s1 =	rddreg [dreg:$0x1]  }
0x3: {  	s2 =	rddreg [dreg:$0x2];
	s3 =	simm.s32 $0x0;
	s4 =	srdreg.scid  }
0x4: {  	s14 =	stileid.u32;
	s28 =	simm.s32 $0x5;
	s30 =	simm.s32 $0x80  }
0x5: {  	s31 =	simm.s32 $0x6E00;
	s29 =	simm.s32 $0x2;
	[smem:$0x7FF] =	sst s3  }
0x6: {  	s5 =	sadd.s32 $0x1A400, s0;
	s8 =	sadd.s32 $0x10600, s0;
	s7 =	smul.u32 $0x28000, s14  }
0x7: {  	s4 =	sand.u32 $0x1, s4;
	s9 =	sadd.s32 $0x1800, s0;
	s11 =	smul.u32 $0x6E0, s14  }
0x8: {  	s0 =	sadd.s32 $0x2DE00, s0;
	s12 =	smul.u32 $0x1780, s14;
	s25 =	sshll.u32 s14, $0x6  }
0x9: {  	s14 =	smul.u32 $0xA000, s14;
	_ =	strace $0x8000004A;
	s6 =	ssub.s32 $0x2, s4  }
0xa: {  	s13 =	smul.u32 $0xA0000, s4;
	p0 =	seq.s32 s4, $0x1;
	s10 =	sshrl.u32 s6, $0x1  }
0xb: {  	s24 =	sshrl.u32 s7, $0x2;
	s7 =	sor.u32 $0x1C05, s25;
	s12 =	sshrl.u32 s12, $0x3  }
0xc: {  	s26 =	sadd.s32 s8, s11;
	s11 =	sadd.s32 s9, s11;
	s17 =	sadd.s32 $0x2000, s14  }
0xd: {  	s22 =	sadd.s32 $0x4000, s14;
	s23 =	sadd.s32 $0x6000, s14;
	s10 =	ssub.s32 s6, s10  }
0xe: {  	s6 =	sadd.s32 s24, s2;
	[dreg:$0x4] =	wrdreg s26;
	s12 =	sadd.s32 $0x6E00, s12  }
0xf: {  	[dreg:$0x5] =	wrdreg s11;
	s15 =	sadd.s32 s13, s14;
	s19 =	sadd.s32 s13, s17  }
0x10: {  	s24 =	sadd.s32 s13, s22;
	s11 =	sadd.s32 s23, s2;
	s8 =	sadd.s32 s8, s12  }
0x11: {  	s4 =	sadd.s32 s9, s12;
	s16 =	sshrl.u32 s15, $0x3;
	s18 =	smax.u32 s10, $0x1  }
0x12: {  	s20 =	sadd.s32 $0x2000, s6;
	s21 =	sadd.s32 $0x4000, s6;
	s15 =	sadd.s32 s13, s23  }
0x13: {  	s12 =	sshrl.u32 s24, $0x3;
	s9 =	simm.s32 $0xCE00;
	[dreg:$0x6] =	wrdreg s8  }
0x14: {  	s10 =	simm.s32 $0x1;
	[dreg:$0x7] =	wrdreg s4;
	s4 =	sadd.s32 s0, s16  }
0x15: {  	[dreg:$0x9] =	wrdreg s18;
	s16 =	sadd.s32 $0x8000, s14;
	s15 =	sshrl.u32 s15, $0x3  }
0x16: {  	s12 =	sadd.s32 s0, s12;
	s8 =	sadd.s32 s17, s2;
	s18 =	sshrl.u32 s20, $0x3  }
0x17: {  	[dreg:$0x8] =	wrdreg s4;
	s4 =	sshrl.u32 s19, $0x3;
	s13 =	sadd.s32 s13, s16  }
0x18: {  	[dreg:$0xb] =	wrdreg s12;
	s25 =	sadd.s32 s0, s15;
	s15 =	sadd.s32 s14, s2  }
0x19: {  	s17 =	sadd.s32 s16, s2;
	s19 =	sshrl.u32 s21, $0x3;
	s23 =	sshrl.u32 s8, $0x3  }
0x1a: {  	s8 =	simm.s32 $0xAE00;
	s12 =	simm.s32 $0x4;
	s4 =	sadd.s32 s0, s4  }
0x1b: {  	[dreg:$0xc] =	wrdreg s25;
	s26 =	sshrl.u32 s13, $0x3;
	s13 =	sadd.s32 $0x6000, s6  }
.Ltmp0:
0x1c: {  	s25 =	sshrl.u32 s11, $0x3;
	s11 =	simm.s32 $0x6;
	(pc) =	sbr.rel .LBB2_1-.Ltmp0, $4  }
0x1d: {  	[dreg:$0xa] =	wrdreg s4;
	s0 =	sadd.s32 s0, s26;
	s4 =	sadd.s32 s22, s2  }
0x1e: {  	s26 =	sadd.s32 $0x8000, s6;
	s20 =	sshrl.u32 s13, $0x3;
	s22 =	sshrl.u32 s15, $0x3  }
0x1f: {  	[dreg:$0xd] =	wrdreg s0;
	s21 =	sshrl.u32 s26, $0x3;
	s24 =	sshrl.u32 s4, $0x3  }
0x20: {  	s26 =	sshrl.u32 s17, $0x3;
	s0 =	simm.s32 $0x8E00;
	s4 =	simm.s32 $0x3  }
.LBB2_7:
0x21: {  	s14 =	sadd.s32 $0x180, s13;
	[sflag:s28] =	ssyncadd.s32 $0xFFFFE000  }
0x22: {  	[tilespmem:s9], [sflag:$0x4] =	stream.indirect.gather [hbm4b:s5+s30], $0x40, s14, s30, $0xb8;
	[tilespmem:$0x18E00] =	vst v63  }
0x23: {  	_ =	swait.ge [sflag:s10], $0x2000  }
0x24: {  	[sflag:s10] =	ssyncset.done $0x0  }
0x25: {  	s15 =	sadd.s32 $0x3700, s13;
	[sflag:s10] =	ssyncadd.s32 $0xFFFFE000  }
0x26: {  	[spmem:s2] =	stream.indirect.scatter.add.f32 [tilespmem:s31], [sflag:$0x6], $0x40, s15, s30, $0xb8;
	[tilespmem:$0x18E00] =	vst v63  }
0x27: {  	_ =	swait.ge [sflag:s11], $0x2000  }
0x28: {  	[sflag:s11] =	ssyncset.done $0x0  }
0x29: {  	s16 =	sadd.s32 $0x200, s13;
	[sflag:s11] =	ssyncadd.s32 $0xFFFFE000  }
0x2a: {  	[tilespmem:s31], [sflag:$0x1] =	stream.indirect.gather [hbm4b:s5+s30], $0x40, s16, s30, $0xb8;
	[tilespmem:$0x18E00] =	vst v63  }
0x2b: {  	_ =	swait.ge [sflag:s29], $0x2000  }
0x2c: {  	[sflag:s29] =	ssyncset.done $0x0  }
0x2d: {  	s17 =	sadd.s32 $0x3780, s13;
	[sflag:s29] =	ssyncadd.s32 $0xFFFFE000  }
0x2e: {  	[spmem:s2] =	stream.indirect.scatter.add.f32 [tilespmem:s0], [sflag:$0x6], $0x40, s17, s30, $0xb8;
	[tilespmem:$0x18E00] =	vst v63  }
0x2f: {  	_ =	swait.ge [sflag:s11], $0x2000  }
0x30: {  	[sflag:s11] =	ssyncset.done $0x0  }
0x31: {  	s15 =	sadd.s32 $0x280, s13;
	[sflag:s11] =	ssyncadd.s32 $0xFFFFE000  }
0x32: {  	[tilespmem:s0], [sflag:$0x2] =	stream.indirect.gather [hbm4b:s5+s30], $0x40, s15, s30, $0xb8;
	[tilespmem:$0x18E00] =	vst v63  }
0x33: {  	_ =	swait.ge [sflag:s4], $0x2000  }
0x34: {  	[sflag:s4] =	ssyncset.done $0x0  }
0x35: {  	s16 =	sadd.s32 $0x3800, s13;
	[sflag:s4] =	ssyncadd.s32 $0xFFFFE000  }
0x36: {  	[spmem:s2] =	stream.indirect.scatter.add.f32 [tilespmem:s8], [sflag:$0x6], $0x40, s16, s30, $0xb8;
	[tilespmem:$0x18E00] =	vst v63  }
0x37: {  	_ =	swait.ge [sflag:s11], $0x2000  }
0x38: {  	[sflag:s11] =	ssyncset.done $0x0  }
0x39: {  	s17 =	sadd.s32 $0x300, s13;
	[sflag:s11] =	ssyncadd.s32 $0xFFFFE000  }
0x3a: {  	[tilespmem:s8], [sflag:$0x3] =	stream.indirect.gather [hbm4b:s5+s30], $0x40, s17, s30, $0xb8;
	[tilespmem:$0x18E00] =	vst v63  }
0x3b: {  	_ =	swait.ge [sflag:s12], $0x2000  }
0x3c: {  	[sflag:s12] =	ssyncset.done $0x0  }
0x3d: {  	s14 =	sadd.s32 $0x3880, s13;
	[sflag:s12] =	ssyncadd.s32 $0xFFFFE000  }
0x3e: {  	[spmem:s2] =	stream.indirect.scatter.add.f32 [tilespmem:s9], [sflag:$0x5], $0x40, s14, s30, $0xb8;
	[tilespmem:$0x18E00] =	vst v63  }
0x3f: {  	_ =	swait.ge [sflag:s28], $0x2000  }
0x40: {  	[sflag:s28] =	ssyncset.done $0x0  }
0x41: {  	[sflag:s28] =	ssyncadd.s32 $0xFFFFE000  }
0x42: {  	_ =	swait.ge [sflag:s10], $0x2000  }
0x43: {  	[sflag:s10] =	ssyncset.done $0x0  }
0x44: {  	s15 =	simm.s32 $0x4D00;
	[sflag:s10] =	ssyncadd.s32 $0xFFFFE000  }
0x45: {  	[spmem:s2] =	stream.indirect.scatter.add.f32 [tilespmem:s31], [sflag:$0x6], $0x40, s15, s30, $0xb8;
	[tilespmem:$0x18E00] =	vst v63  }
0x46: {  	_ =	swait.ge [sflag:s11], $0x2000  }
0x47: {  	[sflag:s11] =	ssyncset.done $0x0  }
0x48: {  	[sflag:s11] =	ssyncadd.s32 $0xFFFFE000  }
0x49: {  	_ =	swait.ge [sflag:s29], $0x2000  }
0x4a: {  	[sflag:s29] =	ssyncset.done $0x0  }
0x4b: {  	s16 =	simm.s32 $0x4D80;
	[sflag:s29] =	ssyncadd.s32 $0xFFFFE000  }
0x4c: {  	[spmem:s2] =	stream.indirect.scatter.add.f32 [tilespmem:s0], [sflag:$0x6], $0x40, s16, s30, $0xb8;
	[tilespmem:$0x18E00] =	vst v63  }
0x4d: {  	_ =	swait.ge [sflag:s11], $0x2000  }
0x4e: {  	[sflag:s11] =	ssyncset.done $0x0  }
0x4f: {  	[sflag:s11] =	ssyncadd.s32 $0xFFFFE000  }
0x50: {  	_ =	swait.ge [sflag:s4], $0x2000  }
0x51: {  	[sflag:s4] =	ssyncset.done $0x0  }
0x52: {  	s17 =	simm.s32 $0x4E00;
	[sflag:s4] =	ssyncadd.s32 $0xFFFFE000  }
0x53: {  	[spmem:s2] =	stream.indirect.scatter.add.f32 [tilespmem:s8], [sflag:$0x6], $0x40, s17, s30, $0xb8;
	[tilespmem:$0x18E00] =	vst v63  }
.LBB2_8:
0x54: {  	_ =	swait.ge [sflag:s11], $0x2000  }
0x55: {  	[sflag:s11] =	ssyncset.done $0x0  }
0x56: {  	[sflag:s11] =	ssyncadd.s32 $0xFFFFE000  }
0x57: {  	[bflag:$0x0] =	sbarrier.arrive $0xFFFF  }
0x58: {  	s13 =	rddreg [dreg:$0x8]  }
0x59: {  	[hbm:s13], [sflag:s7] =	dma.local [spmem:s22], $0x400  }
0x5a: {  	_ =	swait.ge [sflag:s28], $0x400  }
0x5b: {  	[sflag:s28] =	ssyncset.done $0x0  }
0x5c: {  	s17 =	rddreg [dreg:$0xa];
	[sflag:s28] =	ssyncadd.s32 $0xFFFFFC00  }
0x5d: {  	[hbm:s17], [sflag:s7] =	dma.local [spmem:s23], $0x400  }
0x5e: {  	_ =	swait.ge [sflag:s28], $0x400  }
0x5f: {  	[sflag:s28] =	ssyncset.done $0x0  }
0x60: {  	s14 =	rddreg [dreg:$0xb];
	[sflag:s28] =	ssyncadd.s32 $0xFFFFFC00  }
0x61: {  	[hbm:s14], [sflag:s7] =	dma.local [spmem:s24], $0x400  }
0x62: {  	_ =	swait.ge [sflag:s28], $0x400  }
0x63: {  	[sflag:s28] =	ssyncset.done $0x0  }
0x64: {  	s15 =	rddreg [dreg:$0xc];
	[sflag:s28] =	ssyncadd.s32 $0xFFFFFC00  }
0x65: {  	[hbm:s15], [sflag:s7] =	dma.local [spmem:s25], $0x400  }
0x66: {  	_ =	swait.ge [sflag:s28], $0x400  }
0x67: {  	[sflag:s28] =	ssyncset.done $0x0  }
0x68: {  	s16 =	rddreg [dreg:$0xd];
	[sflag:s28] =	ssyncadd.s32 $0xFFFFFC00  }
0x69: {  	[hbm:s16], [sflag:s7] =	dma.local [spmem:s26], $0x400  }
0x6a: {  	_ =	swait.ge [sflag:s28], $0x400  }
0x6b: {  	s3 =	sadd.s32 $0x1, s3;
	s17 =	rddreg [dreg:$0x9]  }
0x6c: {  	p1 =	sne.s32 s3, s17  }
.Ltmp1:
0x6d: {  	_ = 	snop;
	(pc) =	sbr.rel @!p1 .LBB2_9-.Ltmp1, $3  }
0x6e: {  	_ =	sdelay $0x1  }
0x6f: {  	[sflag:s28] =	ssyncset.done $0x0  }
0x70: {  	[sflag:s28] =	ssyncadd.s32 $0xFFFFFC00  }
.LBB2_1:
0x71: {  	s13 =	sshrl.u32 s6, $0x3  }
0x72: {  	[spmem:s13], [sflag:s7] =	dma.local [hbm:s1], $0x400  }
0x73: {  	_ =	swait.ge [sflag:s28], $0x400  }
0x74: {  	[sflag:s28] =	ssyncset.done $0x0  }
0x75: {  	[sflag:s28] =	ssyncadd.s32 $0xFFFFFC00  }
0x76: {  	[spmem:s18], [sflag:s7] =	dma.local [hbm:s1], $0x400  }
0x77: {  	_ =	swait.ge [sflag:s28], $0x400  }
0x78: {  	[sflag:s28] =	ssyncset.done $0x0  }
0x79: {  	[sflag:s28] =	ssyncadd.s32 $0xFFFFFC00  }
0x7a: {  	[spmem:s19], [sflag:s7] =	dma.local [hbm:s1], $0x400  }
0x7b: {  	_ =	swait.ge [sflag:s28], $0x400  }
0x7c: {  	[sflag:s28] =	ssyncset.done $0x0  }
0x7d: {  	[sflag:s28] =	ssyncadd.s32 $0xFFFFFC00  }
0x7e: {  	[spmem:s20], [sflag:s7] =	dma.local [hbm:s1], $0x400  }
0x7f: {  	_ =	swait.ge [sflag:s28], $0x400  }
0x80: {  	[sflag:s28] =	ssyncset.done $0x0  }
.Ltmp2:
0x81: {  	[sflag:s28] =	ssyncadd.s32 $0xFFFFFC00;
	(pc) =	sbr.rel @!p0 .LBB2_2-.Ltmp2, $4  }
0x82: {  	[spmem:s21], [sflag:s7] =	dma.local [hbm:s1], $0x400  }
0x83: {  	_ =	swait.ge [sflag:s28], $0x400  }
0x84: {  	[sflag:s28] =	ssyncset.done $0x0  }
0x85: {  	s13 =	simm.s32 $0x0;
	[sflag:s28] =	ssyncadd.s32 $0xFFFFFC00  }
0x86: {  	s14 =	rddreg [dreg:$0x6]  }
0x87: {  	[tilespmem:s13], [sflag:$0x5] =	stream.linear.gather [hbm4b:s14+s13], $0x1780, $0x38;
	[tilespmem:$0x18E00] =	vst v63  }
0x88: {  	_ =	swait.ge [sflag:s28], $0x1780  }
0x89: {  	[sflag:s28] =	ssyncset.done $0x0  }
0x8a: {  	s15 =	simm.s32 $0x3700;
	s16 =	rddreg [dreg:$0x7];
	[sflag:s28] =	ssyncadd.s32 $0xFFFFE880  }
0x8b: {  	[tilespmem:s15], [sflag:$0x5] =	stream.linear.gather [hbm4b:s16+s13], $0x1780, $0x38;
	[tilespmem:$0x18E00] =	vst v63  }
0x8c: {  	_ =	swait.ge [sflag:s28], $0x1780  }
0x8d: {  	[sflag:s28] =	ssyncset.done $0x0  }
0x8e: {  	[sflag:s28] =	ssyncadd.s32 $0xFFFFE880  }
0x8f: {  	[bflag:$0x0] =	sbarrier.arrive $0xFFFF  }
0x90: {  	[tilespmem:s31], [sflag:$0x1] =	stream.indirect.gather [hbm4b:s5+s30], $0x40, s13, s30, $0xb8;
	[tilespmem:$0x18E00] =	vst v63  }
0x91: {  	_ = 	snop  }
0x92: {  	[tilespmem:s0], [sflag:$0x2] =	stream.indirect.gather [hbm4b:s5+s30], $0x40, s30, s30, $0xb8;
	[tilespmem:$0x18E00] =	vst v63  }
0x93: {  	s17 =	simm.s32 $0x100  }
0x94: {  	[tilespmem:s8], [sflag:$0x3] =	stream.indirect.gather [hbm4b:s5+s30], $0x40, s17, s30, $0xb8;
	[tilespmem:$0x18E00] =	vst v63  }
0x95: {  	s14 =	simm.s32 $0x180  }
0x96: {  	[tilespmem:s9], [sflag:$0x4] =	stream.indirect.gather [hbm4b:s5+s30], $0x40, s14, s30, $0xb8;
	[tilespmem:$0x18E00] =	vst v63  }
0x97: {  	_ =	swait.ge [sflag:s10], $0x2000  }
0x98: {  	[sflag:s10] =	ssyncset.done $0x0  }
0x99: {  	s15 =	simm.s32 $0x3700;
	[sflag:s10] =	ssyncadd.s32 $0xFFFFE000  }
0x9a: {  	[spmem:s2] =	stream.indirect.scatter.add.f32 [tilespmem:s31], [sflag:$0x6], $0x40, s15, s30, $0xb8;
	[tilespmem:$0x18E00] =	vst v63  }
0x9b: {  	_ =	swait.ge [sflag:s11], $0x2000  }
0x9c: {  	[sflag:s11] =	ssyncset.done $0x0  }
0x9d: {  	s16 =	simm.s32 $0x200;
	[sflag:s11] =	ssyncadd.s32 $0xFFFFE000  }
0x9e: {  	[tilespmem:s31], [sflag:$0x1] =	stream.indirect.gather [hbm4b:s5+s30], $0x40, s16, s30, $0xb8;
	[tilespmem:$0x18E00] =	vst v63  }
0x9f: {  	_ =	swait.ge [sflag:s29], $0x2000  }
0xa0: {  	[sflag:s29] =	ssyncset.done $0x0  }
0xa1: {  	s17 =	simm.s32 $0x3780;
	[sflag:s29] =	ssyncadd.s32 $0xFFFFE000  }
0xa2: {  	[spmem:s2] =	stream.indirect.scatter.add.f32 [tilespmem:s0], [sflag:$0x6], $0x40, s17, s30, $0xb8;
	[tilespmem:$0x18E00] =	vst v63  }
0xa3: {  	_ =	swait.ge [sflag:s11], $0x2000  }
0xa4: {  	[sflag:s11] =	ssyncset.done $0x0  }
0xa5: {  	s14 =	simm.s32 $0x280;
	[sflag:s11] =	ssyncadd.s32 $0xFFFFE000  }
0xa6: {  	[tilespmem:s0], [sflag:$0x2] =	stream.indirect.gather [hbm4b:s5+s30], $0x40, s14, s30, $0xb8;
	[tilespmem:$0x18E00] =	vst v63  }
0xa7: {  	_ =	swait.ge [sflag:s4], $0x2000  }
0xa8: {  	[sflag:s4] =	ssyncset.done $0x0  }
0xa9: {  	s15 =	simm.s32 $0x3800;
	[sflag:s4] =	ssyncadd.s32 $0xFFFFE000  }
0xaa: {  	[spmem:s2] =	stream.indirect.scatter.add.f32 [tilespmem:s8], [sflag:$0x6], $0x40, s15, s30, $0xb8;
	[tilespmem:$0x18E00] =	vst v63  }
0xab: {  	_ =	swait.ge [sflag:s11], $0x2000  }
0xac: {  	[sflag:s11] =	ssyncset.done $0x0  }
0xad: {  	s16 =	simm.s32 $0x300;
	[sflag:s11] =	ssyncadd.s32 $0xFFFFE000  }
0xae: {  	[tilespmem:s8], [sflag:$0x3] =	stream.indirect.gather [hbm4b:s5+s30], $0x40, s16, s30, $0xb8;
	[tilespmem:$0x18E00] =	vst v63  }
0xaf: {  	_ =	swait.ge [sflag:s12], $0x2000  }
0xb0: {  	[sflag:s12] =	ssyncset.done $0x0  }
0xb1: {  	s17 =	simm.s32 $0x3880;
	[sflag:s12] =	ssyncadd.s32 $0xFFFFE000  }
0xb2: {  	[spmem:s2] =	stream.indirect.scatter.add.f32 [tilespmem:s9], [sflag:$0x5], $0x40, s17, s30, $0xb8;
	[tilespmem:$0x18E00] =	vst v63  }
0xb3: {  	_ =	swait.ge [sflag:s28], $0x2000  }
0xb4: {  	s13 =	simm.s32 $0x200;
	s16 =	simm.s32 $0x1000;
	[sflag:s28] =	ssyncset.done $0x0  }
.LBB2_6:
0xb5: {  	s17 =	sadd.s32 $0x180, s13  }
0xb6: {  	[sflag:s28] =	ssyncadd.s32 $0xFFFFE000;
	s15 =	smov.u32 s16;
	s14 =	sadd.s32 $0x800, s16  }
0xb7: {  	[tilespmem:s9], [sflag:$0x4] =	stream.indirect.gather [hbm4b:s5+s30], $0x40, s17, s30, $0xb8;
	[tilespmem:$0x18E00] =	vst v63  }
0xb8: {  	p1 =	sne.s32 s16, $0x5000;
	_ =	swait.ge [sflag:s10], $0x2000  }
0xb9: {  	[sflag:s10] =	ssyncset.done $0x0  }
0xba: {  	s16 =	sadd.s32 $0x3700, s13;
	[sflag:s10] =	ssyncadd.s32 $0xFFFFE000  }
0xbb: {  	[spmem:s2] =	stream.indirect.scatter.add.f32 [tilespmem:s31], [sflag:$0x6], $0x40, s16, s30, $0xb8;
	[tilespmem:$0x18E00] =	vst v63  }
0xbc: {  	_ =	swait.ge [sflag:s11], $0x2000  }
0xbd: {  	[sflag:s11] =	ssyncset.done $0x0  }
0xbe: {  	s16 =	sadd.s32 $0x200, s13;
	[sflag:s11] =	ssyncadd.s32 $0xFFFFE000  }
0xbf: {  	[tilespmem:s31], [sflag:$0x1] =	stream.indirect.gather [hbm4b:s5+s30], $0x40, s16, s30, $0xb8;
	[tilespmem:$0x18E00] =	vst v63  }
0xc0: {  	_ =	swait.ge [sflag:s29], $0x2000  }
0xc1: {  	[sflag:s29] =	ssyncset.done $0x0  }
0xc2: {  	s16 =	sadd.s32 $0x3780, s13;
	[sflag:s29] =	ssyncadd.s32 $0xFFFFE000  }
0xc3: {  	[spmem:s2] =	stream.indirect.scatter.add.f32 [tilespmem:s0], [sflag:$0x6], $0x40, s16, s30, $0xb8;
	[tilespmem:$0x18E00] =	vst v63  }
0xc4: {  	_ =	swait.ge [sflag:s11], $0x2000  }
0xc5: {  	[sflag:s11] =	ssyncset.done $0x0  }
0xc6: {  	s16 =	sadd.s32 $0x280, s13;
	[sflag:s11] =	ssyncadd.s32 $0xFFFFE000  }
0xc7: {  	[tilespmem:s0], [sflag:$0x2] =	stream.indirect.gather [hbm4b:s5+s30], $0x40, s16, s30, $0xb8;
	[tilespmem:$0x18E00] =	vst v63  }
0xc8: {  	_ =	swait.ge [sflag:s4], $0x2000  }
0xc9: {  	[sflag:s4] =	ssyncset.done $0x0  }
0xca: {  	s16 =	sadd.s32 $0x3800, s13;
	[sflag:s4] =	ssyncadd.s32 $0xFFFFE000  }
0xcb: {  	[spmem:s2] =	stream.indirect.scatter.add.f32 [tilespmem:s8], [sflag:$0x6], $0x40, s16, s30, $0xb8;
	[tilespmem:$0x18E00] =	vst v63  }
0xcc: {  	_ =	swait.ge [sflag:s11], $0x2000  }
0xcd: {  	[sflag:s11] =	ssyncset.done $0x0  }
0xce: {  	s16 =	sadd.s32 $0x300, s13;
	[sflag:s11] =	ssyncadd.s32 $0xFFFFE000  }
0xcf: {  	[tilespmem:s8], [sflag:$0x3] =	stream.indirect.gather [hbm4b:s5+s30], $0x40, s16, s30, $0xb8;
	[tilespmem:$0x18E00] =	vst v63  }
0xd0: {  	_ =	swait.ge [sflag:s12], $0x2000  }
.Ltmp3:
0xd1: {  	[sflag:s12] =	ssyncset.done $0x0;
	(pc) =	sbr.rel @p1 .LBB2_6-.Ltmp3, $4  }
0xd2: {  	s13 =	sadd.s32 $0x3880, s13;
	[sflag:s12] =	ssyncadd.s32 $0xFFFFE000  }
0xd3: {  	[spmem:s2] =	stream.indirect.scatter.add.f32 [tilespmem:s9], [sflag:$0x5], $0x40, s13, s30, $0xb8;
	[tilespmem:$0x18E00] =	vst v63  }
0xd4: {  	_ =	swait.ge [sflag:s28], $0x2000  }
0xd5: {  	s16 =	smov.u32 s14;
	s13 =	sshra.s32 s15, $0x2;
	[sflag:s28] =	ssyncset.done $0x0  }
.Ltmp4:
0xd6: {  	_ = 	snop;
	(pc) =	sbr.rel .LBB2_7-.Ltmp4, $1  }
0xd7: {  	_ =	sdelay $0x3  }
.LBB2_2:
0xd8: {  	s14 =	rddreg [dreg:$0x4]  }
0xd9: {  	[tilespmem:s13], [sflag:$0x5] =	stream.linear.gather [hbm4b:s14+s13], $0x3700, $0x38;
	[tilespmem:$0x18E00] =	vst v63  }
0xda: {  	_ =	swait.ge [sflag:s28], $0x3700  }
0xdb: {  	[sflag:s28] =	ssyncset.done $0x0  }
0xdc: {  	s15 =	simm.s32 $0x3700;
	s16 =	rddreg [dreg:$0x5];
	[sflag:s28] =	ssyncadd.s32 $0xFFFFC900  }
0xdd: {  	[tilespmem:s15], [sflag:$0x5] =	stream.linear.gather [hbm4b:s16+s13], $0x3700, $0x38;
	[tilespmem:$0x18E00] =	vst v63  }
0xde: {  	_ =	swait.ge [sflag:s28], $0x3700  }
0xdf: {  	[sflag:s28] =	ssyncset.done $0x0  }
0xe0: {  	[sflag:s28] =	ssyncadd.s32 $0xFFFFC900  }
0xe1: {  	[bflag:$0x0] =	sbarrier.arrive $0xFFFF  }
0xe2: {  	[tilespmem:s31], [sflag:$0x1] =	stream.indirect.gather [hbm4b:s5+s30], $0x40, s13, s30, $0xb8;
	[tilespmem:$0x18E00] =	vst v63  }
0xe3: {  	_ = 	snop  }
0xe4: {  	[tilespmem:s0], [sflag:$0x2] =	stream.indirect.gather [hbm4b:s5+s30], $0x40, s30, s30, $0xb8;
	[tilespmem:$0x18E00] =	vst v63  }
0xe5: {  	s17 =	simm.s32 $0x100  }
0xe6: {  	[tilespmem:s8], [sflag:$0x3] =	stream.indirect.gather [hbm4b:s5+s30], $0x40, s17, s30, $0xb8;
	[tilespmem:$0x18E00] =	vst v63  }
0xe7: {  	s14 =	simm.s32 $0x180  }
0xe8: {  	[tilespmem:s9], [sflag:$0x4] =	stream.indirect.gather [hbm4b:s5+s30], $0x40, s14, s30, $0xb8;
	[tilespmem:$0x18E00] =	vst v63  }
0xe9: {  	_ =	swait.ge [sflag:s10], $0x2000  }
0xea: {  	[sflag:s10] =	ssyncset.done $0x0  }
0xeb: {  	s15 =	simm.s32 $0x3700;
	[sflag:s10] =	ssyncadd.s32 $0xFFFFE000  }
0xec: {  	[spmem:s2] =	stream.indirect.scatter.add.f32 [tilespmem:s31], [sflag:$0x6], $0x40, s15, s30, $0xb8;
	[tilespmem:$0x18E00] =	vst v63  }
0xed: {  	_ =	swait.ge [sflag:s11], $0x2000  }
0xee: {  	[sflag:s11] =	ssyncset.done $0x0  }
0xef: {  	s16 =	simm.s32 $0x200;
	[sflag:s11] =	ssyncadd.s32 $0xFFFFE000  }
0xf0: {  	[tilespmem:s31], [sflag:$0x1] =	stream.indirect.gather [hbm4b:s5+s30], $0x40, s16, s30, $0xb8;
	[tilespmem:$0x18E00] =	vst v63  }
0xf1: {  	_ =	swait.ge [sflag:s29], $0x2000  }
0xf2: {  	[sflag:s29] =	ssyncset.done $0x0  }
0xf3: {  	s17 =	simm.s32 $0x3780;
	[sflag:s29] =	ssyncadd.s32 $0xFFFFE000  }
0xf4: {  	[spmem:s2] =	stream.indirect.scatter.add.f32 [tilespmem:s0], [sflag:$0x6], $0x40, s17, s30, $0xb8;
	[tilespmem:$0x18E00] =	vst v63  }
0xf5: {  	_ =	swait.ge [sflag:s11], $0x2000  }
0xf6: {  	[sflag:s11] =	ssyncset.done $0x0  }
0xf7: {  	s14 =	simm.s32 $0x280;
	[sflag:s11] =	ssyncadd.s32 $0xFFFFE000  }
0xf8: {  	[tilespmem:s0], [sflag:$0x2] =	stream.indirect.gather [hbm4b:s5+s30], $0x40, s14, s30, $0xb8;
	[tilespmem:$0x18E00] =	vst v63  }
0xf9: {  	_ =	swait.ge [sflag:s4], $0x2000  }
0xfa: {  	[sflag:s4] =	ssyncset.done $0x0  }
0xfb: {  	s15 =	simm.s32 $0x3800;
	[sflag:s4] =	ssyncadd.s32 $0xFFFFE000  }
0xfc: {  	[spmem:s2] =	stream.indirect.scatter.add.f32 [tilespmem:s8], [sflag:$0x6], $0x40, s15, s30, $0xb8;
	[tilespmem:$0x18E00] =	vst v63  }
0xfd: {  	_ =	swait.ge [sflag:s11], $0x2000  }
0xfe: {  	[sflag:s11] =	ssyncset.done $0x0  }
0xff: {  	s16 =	simm.s32 $0x300;
	[sflag:s11] =	ssyncadd.s32 $0xFFFFE000  }
0x100: {  	[tilespmem:s8], [sflag:$0x3] =	stream.indirect.gather [hbm4b:s5+s30], $0x40, s16, s30, $0xb8;
	[tilespmem:$0x18E00] =	vst v63  }
0x101: {  	_ =	swait.ge [sflag:s12], $0x2000  }
0x102: {  	[sflag:s12] =	ssyncset.done $0x0  }
0x103: {  	s17 =	simm.s32 $0x3880;
	[sflag:s12] =	ssyncadd.s32 $0xFFFFE000  }
0x104: {  	[spmem:s2] =	stream.indirect.scatter.add.f32 [tilespmem:s9], [sflag:$0x5], $0x40, s17, s30, $0xb8;
	[tilespmem:$0x18E00] =	vst v63  }
0x105: {  	_ =	swait.ge [sflag:s28], $0x2000  }
0x106: {  	s13 =	simm.s32 $0x200;
	s14 =	simm.s32 $0x1000;
	[sflag:s28] =	ssyncset.done $0x0  }
.LBB2_3:
0x107: {  	s17 =	sadd.s32 $0x180, s13  }
0x108: {  	[sflag:s28] =	ssyncadd.s32 $0xFFFFE000;
	s15 =	smov.u32 s14;
	s16 =	sadd.s32 $0x800, s14  }
0x109: {  	[tilespmem:s9], [sflag:$0x4] =	stream.indirect.gather [hbm4b:s5+s30], $0x40, s17, s30, $0xb8;
	[tilespmem:$0x18E00] =	vst v63  }
0x10a: {  	p1 =	seq.s32 s14, $0xC800;
	_ =	swait.ge [sflag:s10], $0x2000  }
0x10b: {  	[sflag:s10] =	ssyncset.done $0x0  }
0x10c: {  	s14 =	sadd.s32 $0x3700, s13;
	[sflag:s10] =	ssyncadd.s32 $0xFFFFE000  }
0x10d: {  	[spmem:s2] =	stream.indirect.scatter.add.f32 [tilespmem:s31], [sflag:$0x6], $0x40, s14, s30, $0xb8;
	[tilespmem:$0x18E00] =	vst v63  }
0x10e: {  	_ =	swait.ge [sflag:s11], $0x2000  }
0x10f: {  	[sflag:s11] =	ssyncset.done $0x0  }
0x110: {  	s14 =	sadd.s32 $0x200, s13;
	[sflag:s11] =	ssyncadd.s32 $0xFFFFE000  }
0x111: {  	[tilespmem:s31], [sflag:$0x1] =	stream.indirect.gather [hbm4b:s5+s30], $0x40, s14, s30, $0xb8;
	[tilespmem:$0x18E00] =	vst v63  }
0x112: {  	_ =	swait.ge [sflag:s29], $0x2000  }
0x113: {  	[sflag:s29] =	ssyncset.done $0x0  }
0x114: {  	s14 =	sadd.s32 $0x3780, s13;
	[sflag:s29] =	ssyncadd.s32 $0xFFFFE000  }
0x115: {  	[spmem:s2] =	stream.indirect.scatter.add.f32 [tilespmem:s0], [sflag:$0x6], $0x40, s14, s30, $0xb8;
	[tilespmem:$0x18E00] =	vst v63  }
0x116: {  	_ =	swait.ge [sflag:s11], $0x2000  }
0x117: {  	[sflag:s11] =	ssyncset.done $0x0  }
0x118: {  	s14 =	sadd.s32 $0x280, s13;
	[sflag:s11] =	ssyncadd.s32 $0xFFFFE000  }
0x119: {  	[tilespmem:s0], [sflag:$0x2] =	stream.indirect.gather [hbm4b:s5+s30], $0x40, s14, s30, $0xb8;
	[tilespmem:$0x18E00] =	vst v63  }
0x11a: {  	_ =	swait.ge [sflag:s4], $0x2000  }
0x11b: {  	[sflag:s4] =	ssyncset.done $0x0  }
0x11c: {  	s14 =	sadd.s32 $0x3800, s13;
	[sflag:s4] =	ssyncadd.s32 $0xFFFFE000  }
0x11d: {  	[spmem:s2] =	stream.indirect.scatter.add.f32 [tilespmem:s8], [sflag:$0x6], $0x40, s14, s30, $0xb8;
	[tilespmem:$0x18E00] =	vst v63  }
0x11e: {  	_ =	swait.ge [sflag:s11], $0x2000  }
0x11f: {  	[sflag:s11] =	ssyncset.done $0x0  }
0x120: {  	s14 =	sadd.s32 $0x300, s13;
	[sflag:s11] =	ssyncadd.s32 $0xFFFFE000  }
0x121: {  	[tilespmem:s8], [sflag:$0x3] =	stream.indirect.gather [hbm4b:s5+s30], $0x40, s14, s30, $0xb8;
	[tilespmem:$0x18E00] =	vst v63  }
0x122: {  	_ =	swait.ge [sflag:s12], $0x2000  }
.Ltmp5:
0x123: {  	[sflag:s12] =	ssyncset.done $0x0;
	(pc) =	sbr.rel @!p1 .LBB2_3-.Ltmp5, $4  }
0x124: {  	s13 =	sadd.s32 $0x3880, s13;
	[sflag:s12] =	ssyncadd.s32 $0xFFFFE000  }
0x125: {  	[spmem:s2] =	stream.indirect.scatter.add.f32 [tilespmem:s9], [sflag:$0x5], $0x40, s13, s30, $0xb8;
	[tilespmem:$0x18E00] =	vst v63  }
0x126: {  	_ =	swait.ge [sflag:s28], $0x2000  }
0x127: {  	s14 =	smov.u32 s16;
	s13 =	sshra.s32 s15, $0x2;
	[sflag:s28] =	ssyncset.done $0x0  }
0x128: {  	s14 =	sadd.s32 $0x180, s13;
	[sflag:s28] =	ssyncadd.s32 $0xFFFFE000  }
0x129: {  	[tilespmem:s9], [sflag:$0x4] =	stream.indirect.gather [hbm4b:s5+s30], $0x40, s14, s30, $0xb8;
	[tilespmem:$0x18E00] =	vst v63  }
0x12a: {  	_ =	swait.ge [sflag:s10], $0x2000  }
0x12b: {  	[sflag:s10] =	ssyncset.done $0x0  }
0x12c: {  	s16 =	sadd.s32 $0x3700, s13;
	[sflag:s10] =	ssyncadd.s32 $0xFFFFE000  }
0x12d: {  	[spmem:s2] =	stream.indirect.scatter.add.f32 [tilespmem:s31], [sflag:$0x6], $0x40, s16, s30, $0xb8;
	[tilespmem:$0x18E00] =	vst v63  }
0x12e: {  	_ =	swait.ge [sflag:s11], $0x2000  }
0x12f: {  	[sflag:s11] =	ssyncset.done $0x0  }
0x130: {  	s17 =	sadd.s32 $0x200, s13;
	[sflag:s11] =	ssyncadd.s32 $0xFFFFE000  }
0x131: {  	[tilespmem:s31], [sflag:$0x1] =	stream.indirect.gather [hbm4b:s5+s30], $0x40, s17, s30, $0xb8;
	[tilespmem:$0x18E00] =	vst v63  }
0x132: {  	_ =	swait.ge [sflag:s29], $0x2000  }
0x133: {  	[sflag:s29] =	ssyncset.done $0x0  }
0x134: {  	s15 =	sadd.s32 $0x3780, s13;
	[sflag:s29] =	ssyncadd.s32 $0xFFFFE000  }
0x135: {  	[spmem:s2] =	stream.indirect.scatter.add.f32 [tilespmem:s0], [sflag:$0x6], $0x40, s15, s30, $0xb8;
	[tilespmem:$0x18E00] =	vst v63  }
0x136: {  	_ =	swait.ge [sflag:s11], $0x2000  }
0x137: {  	[sflag:s11] =	ssyncset.done $0x0  }
0x138: {  	s16 =	sadd.s32 $0x280, s13;
	[sflag:s11] =	ssyncadd.s32 $0xFFFFE000  }
0x139: {  	[tilespmem:s0], [sflag:$0x2] =	stream.indirect.gather [hbm4b:s5+s30], $0x40, s16, s30, $0xb8;
	[tilespmem:$0x18E00] =	vst v63  }
0x13a: {  	_ =	swait.ge [sflag:s4], $0x2000  }
0x13b: {  	[sflag:s4] =	ssyncset.done $0x0  }
0x13c: {  	s17 =	sadd.s32 $0x3800, s13;
	[sflag:s4] =	ssyncadd.s32 $0xFFFFE000  }
0x13d: {  	[spmem:s2] =	stream.indirect.scatter.add.f32 [tilespmem:s8], [sflag:$0x6], $0x40, s17, s30, $0xb8;
	[tilespmem:$0x18E00] =	vst v63  }
0x13e: {  	_ =	swait.ge [sflag:s11], $0x2000  }
0x13f: {  	[sflag:s11] =	ssyncset.done $0x0  }
0x140: {  	s15 =	sadd.s32 $0x300, s13;
	[sflag:s11] =	ssyncadd.s32 $0xFFFFE000  }
0x141: {  	[tilespmem:s8], [sflag:$0x3] =	stream.indirect.gather [hbm4b:s5+s30], $0x40, s15, s30, $0xb8;
	[tilespmem:$0x18E00] =	vst v63  }
0x142: {  	_ =	swait.ge [sflag:s12], $0x2000  }
0x143: {  	[sflag:s12] =	ssyncset.done $0x0  }
0x144: {  	s16 =	sadd.s32 $0x3880, s13;
	[sflag:s12] =	ssyncadd.s32 $0xFFFFE000  }
0x145: {  	[spmem:s2] =	stream.indirect.scatter.add.f32 [tilespmem:s9], [sflag:$0x5], $0x40, s16, s30, $0xb8;
	[tilespmem:$0x18E00] =	vst v63  }
0x146: {  	_ =	swait.ge [sflag:s28], $0x2000  }
0x147: {  	[sflag:s28] =	ssyncset.done $0x0  }
0x148: {  	s17 =	simm.s32 $0x3580;
	[sflag:s28] =	ssyncadd.s32 $0xFFFFE000  }
0x149: {  	[tilespmem:s9], [sflag:$0x4] =	stream.indirect.gather [hbm4b:s5+s30], $0x40, s17, s30, $0xb8;
	[tilespmem:$0x18E00] =	vst v63  }
0x14a: {  	_ =	swait.ge [sflag:s10], $0x2000  }
0x14b: {  	[sflag:s10] =	ssyncset.done $0x0  }
0x14c: {  	s14 =	simm.s32 $0x6B00;
	[sflag:s10] =	ssyncadd.s32 $0xFFFFE000  }
0x14d: {  	[spmem:s2] =	stream.indirect.scatter.add.f32 [tilespmem:s31], [sflag:$0x6], $0x40, s14, s30, $0xb8;
	[tilespmem:$0x18E00] =	vst v63  }
0x14e: {  	_ =	swait.ge [sflag:s11], $0x2000  }
0x14f: {  	[sflag:s11] =	ssyncset.done $0x0  }
0x150: {  	s15 =	simm.s32 $0x3600;
	[sflag:s11] =	ssyncadd.s32 $0xFFFFE000  }
0x151: {  	[tilespmem:s31], [sflag:$0x1] =	stream.indirect.gather [hbm4b:s5+s30], $0x40, s15, s30, $0xb8;
	[tilespmem:$0x18E00] =	vst v63  }
0x152: {  	_ =	swait.ge [sflag:s29], $0x2000  }
0x153: {  	[sflag:s29] =	ssyncset.done $0x0  }
0x154: {  	s16 =	simm.s32 $0x6B80;
	[sflag:s29] =	ssyncadd.s32 $0xFFFFE000  }
0x155: {  	[spmem:s2] =	stream.indirect.scatter.add.f32 [tilespmem:s0], [sflag:$0x6], $0x40, s16, s30, $0xb8;
	[tilespmem:$0x18E00] =	vst v63  }
0x156: {  	_ =	swait.ge [sflag:s11], $0x2000  }
0x157: {  	[sflag:s11] =	ssyncset.done $0x0  }
0x158: {  	s17 =	simm.s32 $0x3680;
	[sflag:s11] =	ssyncadd.s32 $0xFFFFE000  }
0x159: {  	[tilespmem:s0], [sflag:$0x2] =	stream.indirect.gather [hbm4b:s5+s30], $0x40, s17, s30, $0xb8;
	[tilespmem:$0x18E00] =	vst v63  }
0x15a: {  	_ =	swait.ge [sflag:s4], $0x2000  }
0x15b: {  	[sflag:s4] =	ssyncset.done $0x0  }
0x15c: {  	s14 =	simm.s32 $0x6C00;
	[sflag:s4] =	ssyncadd.s32 $0xFFFFE000  }
0x15d: {  	[spmem:s2] =	stream.indirect.scatter.add.f32 [tilespmem:s8], [sflag:$0x6], $0x40, s14, s30, $0xb8;
	[tilespmem:$0x18E00] =	vst v63  }
0x15e: {  	_ =	swait.ge [sflag:s11], $0x2000  }
0x15f: {  	[sflag:s11] =	ssyncset.done $0x0  }
0x160: {  	[sflag:s11] =	ssyncadd.s32 $0xFFFFE000  }
0x161: {  	_ =	swait.ge [sflag:s12], $0x2000  }
0x162: {  	[sflag:s12] =	ssyncset.done $0x0  }
0x163: {  	s15 =	simm.s32 $0x6C80;
	[sflag:s12] =	ssyncadd.s32 $0xFFFFE000  }
0x164: {  	[spmem:s2] =	stream.indirect.scatter.add.f32 [tilespmem:s9], [sflag:$0x5], $0x40, s15, s30, $0xb8;
	[tilespmem:$0x18E00] =	vst v63  }
0x165: {  	_ =	swait.ge [sflag:s28], $0x2000  }
0x166: {  	[sflag:s28] =	ssyncset.done $0x0  }
0x167: {  	[sflag:s28] =	ssyncadd.s32 $0xFFFFE000  }
0x168: {  	_ =	swait.ge [sflag:s10], $0x2000  }
0x169: {  	[sflag:s10] =	ssyncset.done $0x0  }
0x16a: {  	s16 =	simm.s32 $0x6D00;
	[sflag:s10] =	ssyncadd.s32 $0xFFFFE000  }
0x16b: {  	[spmem:s2] =	stream.indirect.scatter.add.f32 [tilespmem:s31], [sflag:$0x6], $0x40, s16, s30, $0xb8;
	[tilespmem:$0x18E00] =	vst v63  }
0x16c: {  	_ =	swait.ge [sflag:s11], $0x2000  }
0x16d: {  	[sflag:s11] =	ssyncset.done $0x0  }
.Ltmp6:
0x16e: {  	[sflag:s11] =	ssyncadd.s32 $0xFFFFE000;
	(pc) =	sbr.rel .LBB2_8-.Ltmp6, $4  }
0x16f: {  	_ =	swait.ge [sflag:s29], $0x2000  }
0x170: {  	[sflag:s29] =	ssyncset.done $0x0  }
0x171: {  	s17 =	simm.s32 $0x6D80;
	[sflag:s29] =	ssyncadd.s32 $0xFFFFE000  }
0x172: {  	[spmem:s2] =	stream.indirect.scatter.add.f32 [tilespmem:s0], [sflag:$0x6], $0x40, s17, s30, $0xb8;
	[tilespmem:$0x18E00] =	vst v63  }
.LBB2_9:
0x173: {  	_ =	sfence.sel $0x180000  }
0x174: {  	[bflag:$0x0] =	sbarrier.arrive $0xFFFF  }
0x175: {  	_ =	strace $0x9000004A  }
0x176: {  	s0 =	stileid.u32;
	[bflag:$0x2] =	sbarrier.arrive $0xFFFF  }
0x177: {  	p0 =	sne.s32 s0, $0x0;
	s0 =	rddreg [dreg:$0x3]  }
0x178: {  	s0 =	sadd.s32 @!p0 $0x100000, s0  }
0x179: {  	[sflag:s0] =	ssyncadd.tile.s32 @!p0 $0x1;
	_ =	shalt  }
.Lfunc_end2:
_tile_overlayer_lowered:
.L_overlay_start_2:
0x17a: {  	(tag) =	ssettag $0x2  }
0x17b: {  	s0 =	rddreg [dreg:$0x0];
	s2 =	stileid.u32  }
0x17c: {  	s1 =	rddreg [dreg:$0x1];
	p0 =	sne.s32 s2, $0x0  }
0x17d: {  	s3 =	rddreg [dreg:$0x2];
	[bflag:$0x3] =	sbarrier.arrive $0xFFFF;
	s2 =	simm.s32 @!p0 $0x1C05  }
0x17e: {  	[timem:s3], [sflag:s2] =	dma.local @!p0 [hbm:s0], s1  }
0x17f: {  	s0 =	simm.s32 @!p0 $0x5  }
0x180: {  	_ =	swait.ge @!p0 [sflag:s0], s1  }
0x181: {  	s1 =	ssub.s32 @!p0 $0x0, s1;
	[sflag:s0] =	ssyncset.done @!p0 $0x0  }
0x182: {  	[sflag:s0] =	ssyncadd.s32 @!p0 s1  }
0x183: {  	[bflag:$0x3] =	sbarrier.arrive $0xFFFF  }
0x184: {  	_ =	shalt  }

// kernel: kernel.15.cloned.1.call-start
scs
__scs_entry_jumppad:
0x0: {  	(pc) =	sbr.rel $0x88, $3  }
0x1: {  	(tag) =	ssettag $0x0;
	lr =	simm.s32 $0x1  }
0x2: {  	[smem:$0x3F9B] =	sst lr;
	_ =	strace $0xD0000000  }
0x3: {  	_ = 	snop  }
0x4: {  	_ = 	snop  }
0x5: {  	_ = 	snop  }
0x6: {  	_ = 	snop  }
0x7: {  	_ = 	snop  }
__scs_overlays_trampoline_lowered:
0x8: {  	[smem:$0x3FAA] =	sst s0  }
0x9: {  	[smem:$0x3FAB] =	sst s1  }
0xa: {  	[smem:$0x3FAC] =	sst s2  }
0xb: {  	[smem:$0x3FAD] =	sst s3  }
0xc: {  	[smem:$0x3FAE] =	sst s4  }
0xd: {  	[smem:$0x3FAF] =	sst s5  }
0xe: {  	[smem:$0x3FB0] =	sst s6  }
0xf: {  	[smem:$0x3FB1] =	sst s7  }
0x10: {  	[smem:$0x3FB2] =	sst s8  }
0x11: {  	[smem:$0x3FB3] =	sst s9;
	s0 =	simm.s32 @!p0 $0x0  }
0x12: {  	s1 =	sld [smem:$0x3F99];
	s0 =	simm.s32 @p0 $0x1  }
0x13: {  	[smem:$0x3FB4] =	sst s0;
	s0 =	simm.s32 @!p1 $0x0  }
0x14: {  	s2 =	sld [smem:$0x3F98];
	s0 =	simm.s32 @p1 $0x1  }
0x15: {  	[smem:$0x3FB5] =	sst s0;
	s0 =	simm.s32 @!p2 $0x0  }
0x16: {  	s3 =	sld [smem:$0x3FDB];
	s0 =	simm.s32 @p2 $0x1  }
0x17: {  	s4 =	simm.s32 $0x1BF5;
	[smem:$0x3FB7] =	sst s0  }
0x18: {  	s0 =	sld [smem:$0x3F9A];
	_ =	swait.ge [sflag:s4], $0x0  }
0x19: {  	s7 =	sld [smem:$0x3F9B]  }
0x1a: {  	s8 =	sadd.s32 $0xFFFFE003, lr  }
0x1b: {  	s9 =	sadd.s32 $0xFFFFFEF7, lr;
	s5 =	simm.s32 $0xFFFFFFFF;
	p2 =	slt.u32 s8, $0xFFFFF086  }
0x1c: {  	p1 =	slt.u32 s9, $0xF7A;
	s5 =	simm.s32 @!p2 $0x0  }
0x1d: {  	s5 =	simm.s32 @p1 $0x1;
	p0 =	seq.s32 s7, s2  }
0x1e: {  	s7 =	smul.u32 @!p0 $0xF7A, s2;
	p2 =	seq.s32 @!p0 s5, $0x0  }
0x1f: {  	s9 =	smul.u32 $0xF7A, s1;
	s8 =	simm.s32 @!p0 $0x1BF5;
	p2 =	por !p2, p0  }
0x20: {  	[sflag:s8] =	ssyncset.s32 @!p0 $0xFFFFF086;
	s6 =	sadd.s32 @!p0 s3, s7;
	s7 =	simm.s32 @!p0 $0x108  }
0x21: {  	s3 =	sadd.s32 s3, s9;
	s6 =	sadd.s32 @!p0 $0x88, s6;
	s7 =	simm.s32 @p2 $0x1082  }
0x22: {  	[simem:s7], [sflag:s8] =	dma.local @!p0 [hbm:s6], $0xF7A  }
0x23: {  	s9 =	sor.u32 $0xD0000000, s2;
	s6 =	simm.s32 $0x108;
	_ =	swait.ge @!p0 [sflag:s8], $0x0  }
0x24: {  	s3 =	sadd.s32 $0x88, s3;
	s6 =	simm.s32 @!p1 $0x1082;
	[sflag:s4] =	ssyncset.s32 $0xFFFFF086  }
0x25: {  	[simem:s6], [sflag:s4] =	dma.local [hbm:s3], $0xF7A  }
0x26: {  	[smem:$0x3F9B] =	sst s1;
	(tag) =	ssettag s2;
	_ =	strace s9  }
0x27: {  	s1 =	sld [smem:$0x3FAB]  }
0x28: {  	s2 =	sld [smem:$0x3FAC]  }
0x29: {  	s4 =	sld [smem:$0x3FAE]  }
0x2a: {  	p0 =	seq.s32 s5, $0x0;
	s5 =	sld [smem:$0x3FAF]  }
0x2b: {  	s6 =	sld [smem:$0x3FB0]  }
0x2c: {  	s7 =	sld [smem:$0x3FB1]  }
0x2d: {  	s3 =	simm.s32 $0x108;
	s8 =	sld [smem:$0x3FB2]  }
0x2e: {  	s3 =	simm.s32 @!p0 $0x1082;
	s9 =	sld [smem:$0x3FB3]  }
0x2f: {  	lr =	sadd.s32 s0, s3;
	s0 =	sld [smem:$0x3FAA]  }
0x30: {  	s3 =	sld [smem:$0x3FAD]  }
0x31: {  	[smem:$0x3FB6] =	sst s10  }
0x32: {  	s10 =	sld [smem:$0x3FB4];
	_ =	sdelay $0x3  }
0x33: {  	p0 =	seq.s32 s10, $0x1;
	s10 =	sld [smem:$0x3FB6];
	_ =	sdelay $0x3  }
0x34: {  	[smem:$0x3FB6] =	sst s10  }
0x35: {  	s10 =	sld [smem:$0x3FB5];
	_ =	sdelay $0x3  }
0x36: {  	p1 =	seq.s32 s10, $0x1;
	s10 =	sld [smem:$0x3FB6];
	_ =	sdelay $0x3  }
0x37: {  	[smem:$0x3FB6] =	sst s10  }
0x38: {  	s10 =	sld [smem:$0x3FB7]  }
0x39: {  	_ = 	snop;
	(pc) =	sbr.ind lr, $3  }
0x3a: {  	_ = 	snop  }
0x3b: {  	_ = 	snop  }
0x3c: {  	p2 =	seq.s32 s10, $0x1;
	s10 =	sld [smem:$0x3FB6]  }
0x3d: {  	_ =	shalt  }
0x3e: {  	_ =	shalt  }
0x3f: {  	_ =	shalt  }
0x40: {  	_ =	shalt  }
0x41: {  	_ =	shalt  }
0x42: {  	_ =	shalt  }
0x43: {  	_ =	shalt  }
0x44: {  	_ =	shalt  }
0x45: {  	_ =	shalt  }
0x46: {  	_ =	shalt  }
0x47: {  	_ =	shalt  }
0x48: {  	_ =	shalt  }
0x49: {  	_ =	shalt  }
0x4a: {  	_ =	shalt  }
0x4b: {  	_ =	shalt  }
0x4c: {  	_ =	shalt  }
0x4d: {  	_ =	shalt  }
0x4e: {  	_ =	shalt  }
0x4f: {  	_ =	shalt  }
0x50: {  	_ =	shalt  }
0x51: {  	_ =	shalt  }
0x52: {  	_ =	shalt  }
0x53: {  	_ =	shalt  }
0x54: {  	_ =	shalt  }
0x55: {  	_ =	shalt  }
0x56: {  	_ =	shalt  }
0x57: {  	_ =	shalt  }
0x58: {  	_ =	shalt  }
0x59: {  	_ =	shalt  }
0x5a: {  	_ =	shalt  }
0x5b: {  	_ =	shalt  }
0x5c: {  	_ =	shalt  }
0x5d: {  	_ =	shalt  }
0x5e: {  	_ =	shalt  }
0x5f: {  	_ =	shalt  }
0x60: {  	_ =	shalt  }
0x61: {  	_ =	shalt  }
0x62: {  	_ =	shalt  }
0x63: {  	_ =	shalt  }
0x64: {  	_ =	shalt  }
0x65: {  	_ =	shalt  }
0x66: {  	_ =	shalt  }
0x67: {  	_ =	shalt  }
0x68: {  	_ =	shalt  }
0x69: {  	_ =	shalt  }
0x6a: {  	_ =	shalt  }
0x6b: {  	_ =	shalt  }
0x6c: {  	_ =	shalt  }
0x6d: {  	_ =	shalt  }
0x6e: {  	_ =	shalt  }
0x6f: {  	_ =	shalt  }
0x70: {  	_ =	shalt  }
0x71: {  	_ =	shalt  }
0x72: {  	_ =	shalt  }
0x73: {  	_ =	shalt  }
0x74: {  	_ =	shalt  }
0x75: {  	_ =	shalt  }
0x76: {  	_ =	shalt  }
0x77: {  	_ =	shalt  }
0x78: {  	_ =	shalt  }
0x79: {  	_ =	shalt  }
0x7a: {  	_ =	shalt  }
0x7b: {  	_ =	shalt  }
0x7c: {  	_ =	shalt  }
0x7d: {  	_ =	shalt  }
0x7e: {  	_ =	shalt  }
0x7f: {  	_ =	shalt  }
0x80: {  	_ =	shalt  }
0x81: {  	_ =	shalt  }
0x82: {  	_ =	shalt  }
0x83: {  	_ =	shalt  }
0x84: {  	_ =	shalt  }
0x85: {  	_ =	shalt  }
0x86: {  	_ =	shalt  }
0x87: {  	_ =	shalt  }
.Lfunc_end0:
.L_simem_size_0:
called_computation.2_lowered:
.L_overlay_start_0:
0x88: {  	s2 =	sld [smem:$0x3FD9]  }
0x89: {  	s3 =	sld [smem:$0x3FFE];
	_ =	sdelay $0x1  }
0x8a: {  	s1 =	srdreg.scid  }
0x8b: {  	s0 =	sand.u32 $0x1, s1  }
0x8c: {  	s17 =	sshll.u32 s0, $0xA;
	s2 =	sadd.s32 s3, s2  }
0x8d: {  	s2 =	sadd.s32 s2, s17  }
0x8e: {  	[smem:$0x3FC2] =	sst s2  }
0x8f: {  	_ = 	snop  }
0x90: {  	s2 =	sld [smem:$0x3FD0];
	(tm) =	ssettm $0x1  }
0x91: {  	s18 =	sld [smem:$0x3FFB];
	_ =	sdelay $0x3  }
0x92: {  	_ =	strace s18  }
0x93: {  	s3 =	sld [smem:$0x3FFC];
	_ =	sdelay $0x3  }
0x94: {  	_ =	strace s3  }
0x95: {  	s3 =	sld [smem:$0x3FFD];
	_ =	sdelay $0x3  }
0x96: {  	_ =	strace s3  }
0x97: {  	_ =	strace $0x8FFFFFFF  }
0x98: {  	s19 =	sld [smem:$0x3FDB];
	_ =	sdelay $0x1  }
0x99: {  	s4 =	simm.s32 $_scs_section_size  }
0x9a: {  	s5 =	simm.s32 $_size__tile_overlayer_lowered;
	s6 =	simm.s32 $_tile_overlayer_lowered  }
0x9b: {  	s22 =	simm.s32 $0x1BFF;
	s21 =	sshll.u32 s6, $0x1;
	s3 =	sadd.s32 s4, s19  }
0x9c: {  	s7 =	simm.s32 $0x0;
	s20 =	sshll.u32 s5, $0x1;
	s5 =	sadd.s32 s21, s3  }
0x9d: {  	[timem:s7], [sflag:s22] =	dma.local [hbm:s5], s20  }
0x9e: {  	_ =	swait.ge [sflag:s22], s20  }
0x9f: {  	s4 =	ssub.s32 $0x0, s20;
	[sflag:s22] =	ssyncset.done $0x0  }
0xa0: {  	[sflag:s22] =	ssyncadd.s32 s4;
	_ =	sdelay $0x1  }
0xa1: {  	s23 =	simm.s32 $0x1B8B  }
0xa2: {  	_ =	swait.ge [sflag:s23], $0x1  }
0xa3: {  	[sflag:s23] =	ssyncset.done $0x0  }
0xa4: {  	s25 =	simm.s32 $0x1B8E;
	s24 =	sld [smem:$0x3FFE];
	[sflag:s23] =	ssyncadd.s32 $0xFFFFFFFF  }
0xa5: {  	s26 =	simm.s32 $execute0_lowered;
	[smem:$0x3FD2] =	sst s25  }
0xa6: {  	s5 =	sshll.u32 s26, $0x1;
	_ =	strace $0x8000004C;
	[dreg:$0x1] =	wrdreg $0xFFFFFFFF  }
0xa7: {  	s28 =	simm.s32 $_size_execute0_lowered;
	s3 =	sadd.s32 s3, s5;
	[dreg:$0x0] =	wrdreg $0x0  }
0xa8: {  	s5 =	sshll.u32 s28, $0x1;
	[dreg:$0x2] =	wrdreg s3  }
0xa9: {  	[dreg:$0x3] =	wrdreg s5  }
0xaa: {  	[dreg:$0x4] =	wrdreg $0xC0  }
0xab: {  	_ =	task [dreg:s7], $0x5FFFF  }
0xac: {  	[dreg:$0x1] =	wrdreg $0xFFFFFFFF  }
0xad: {  	[dreg:$0x0] =	wrdreg $0x60  }
0xae: {  	[dreg:$0x2] =	wrdreg s24  }
0xaf: {  	[dreg:$0x3] =	wrdreg s2  }
0xb0: {  	[dreg:$0x4] =	wrdreg $0x68000  }
0xb1: {  	[dreg:$0x5] =	wrdreg $0x9  }
0xb2: {  	_ =	task.clear_ibuf [dreg:s7], $0x6FFFF;
	_ =	strace $0x9000004C  }
0xb3: {  	s29 =	simm.s32 $0x9;
	_ =	strace $0x8000004E  }
0xb4: {  	_ =	swait.ge [sflag:s29], $0x1  }
0xb5: {  	[sflag:s29] =	ssyncadd.s32 $0xFFFFFFFF  }
0xb6: {  	_ =	strace $0x9000004E  }
0xb7: {  	_ =	sfence  }
0xb8: {  	s30 =	sld [smem:$0x0];
	_ =	sdelay $0x2  }
0xb9: {  	s31 =	sshll.u32 s1, $0xD;
	s1 =	sshrl.u32 s1, $0x2  }
0xba: {  	s3 =	sand.u32 $0x4000, s31;
	s1 =	sadd.s32 s1, s30  }
0xbb: {  	s0 =	sor.u32 s3, s0;
	s1 =	sshll.u32 s1, $0x11  }
0xbc: {  	s0 =	sor.u32 s1, s0  }
0xbd: {  	s0 =	sadd.s32 $0x8F2B, s0  }
0xbe: {  	[sflag:s0] =	ssyncadd.remote.s32 $0x1  }
0xbf: {  	_ =	sfence.sel $0xFFFF  }
0xc0: {  	[dreg:$0x0] =	wrdreg $0xFFFFFFFF;
	(pc) =	sbr.abs _section_cstart, $3  }
0xc1: {  	[dreg:$0x1] =	wrdreg $0xFFFFFFFF  }
0xc2: {  	_ =	task.clear_ibuf [dreg:s7], $0x2FFFF;
	_ =	strace $0x9FFFFFFF  }
0xc3: {  	(tm) =	ssettm $0x7FFFFFFF  }
tec
execute0_lowered:
.L_overlay_start_1:
0x0: {  	(tag) =	ssettag $0x1  }
0x1: {  	s0 =	rddreg [dreg:$0x0]  }
0x2: {  	s1 =	rddreg [dreg:$0x1]  }
0x3: {  	s2 =	rddreg [dreg:$0x2];
	s3 =	simm.s32 $0x0;
	s4 =	srdreg.scid  }
0x4: {  	s14 =	stileid.u32;
	s28 =	simm.s32 $0x5;
	s30 =	simm.s32 $0x80  }
0x5: {  	s31 =	simm.s32 $0x5800;
	s29 =	simm.s32 $0x2;
	[smem:$0x7FF] =	sst s3  }
0x6: {  	s5 =	sadd.s32 $0xB600, s0;
	s8 =	sadd.s32 $0x10600, s0;
	s7 =	smul.u32 $0x5000, s14  }
0x7: {  	s4 =	sand.u32 $0x1, s4;
	s9 =	sadd.s32 $0x1800, s0;
	s11 =	smul.u32 $0x580, s14  }
0x8: {  	s0 =	sadd.s32 $0x1A400, s0;
	s12 =	smul.u32 $0x2280, s14;
	s25 =	sshll.u32 s14, $0x6  }
0x9: {  	s14 =	smul.u32 $0x1400, s14;
	_ =	strace $0x8000004D;
	s6 =	ssub.s32 $0x2, s4  }
0xa: {  	s13 =	smul.u32 $0x14000, s4;
	p0 =	seq.s32 s4, $0x1;
	s10 =	sshrl.u32 s6, $0x1  }
0xb: {  	s24 =	sshrl.u32 s7, $0x2;
	s7 =	sor.u32 $0x1C05, s25;
	s12 =	sshrl.u32 s12, $0x3  }
0xc: {  	s26 =	sadd.s32 s8, s11;
	s11 =	sadd.s32 s9, s11;
	s17 =	sadd.s32 $0x400, s14  }
0xd: {  	s22 =	sadd.s32 $0x800, s14;
	s23 =	sadd.s32 $0xC00, s14;
	s10 =	ssub.s32 s6, s10  }
0xe: {  	s6 =	sadd.s32 s24, s2;
	[dreg:$0x4] =	wrdreg s26;
	s12 =	sadd.s32 $0x5800, s12  }
0xf: {  	[dreg:$0x5] =	wrdreg s11;
	s15 =	sadd.s32 s13, s14;
	s19 =	sadd.s32 s13, s17  }
0x10: {  	s24 =	sadd.s32 s13, s22;
	s11 =	sadd.s32 s23, s2;
	s8 =	sadd.s32 s8, s12  }
0x11: {  	s4 =	sadd.s32 s9, s12;
	s16 =	sshrl.u32 s15, $0x3;
	s18 =	smax.u32 s10, $0x1  }
0x12: {  	s20 =	sadd.s32 $0x400, s6;
	s21 =	sadd.s32 $0x800, s6;
	s15 =	sadd.s32 s13, s23  }
0x13: {  	s12 =	sshrl.u32 s24, $0x3;
	s9 =	simm.s32 $0x6400;
	[dreg:$0x6] =	wrdreg s8  }
0x14: {  	s10 =	simm.s32 $0x1;
	[dreg:$0x7] =	wrdreg s4;
	s4 =	sadd.s32 s0, s16  }
0x15: {  	[dreg:$0x9] =	wrdreg s18;
	s16 =	sadd.s32 $0x1000, s14;
	s15 =	sshrl.u32 s15, $0x3  }
0x16: {  	s12 =	sadd.s32 s0, s12;
	s8 =	sadd.s32 s17, s2;
	s18 =	sshrl.u32 s20, $0x3  }
0x17: {  	[dreg:$0x8] =	wrdreg s4;
	s4 =	sshrl.u32 s19, $0x3;
	s13 =	sadd.s32 s13, s16  }
0x18: {  	[dreg:$0xb] =	wrdreg s12;
	s25 =	sadd.s32 s0, s15;
	s15 =	sadd.s32 s14, s2  }
0x19: {  	s17 =	sadd.s32 s16, s2;
	s19 =	sshrl.u32 s21, $0x3;
	s23 =	sshrl.u32 s8, $0x3  }
0x1a: {  	s8 =	simm.s32 $0x6000;
	s12 =	simm.s32 $0x4;
	s4 =	sadd.s32 s0, s4  }
0x1b: {  	[dreg:$0xc] =	wrdreg s25;
	s26 =	sshrl.u32 s13, $0x3;
	s13 =	sadd.s32 $0xC00, s6  }
.Ltmp0:
0x1c: {  	s25 =	sshrl.u32 s11, $0x3;
	s11 =	simm.s32 $0x6;
	(pc) =	sbr.rel .LBB2_1-.Ltmp0, $4  }
0x1d: {  	[dreg:$0xa] =	wrdreg s4;
	s0 =	sadd.s32 s0, s26;
	s4 =	sadd.s32 s22, s2  }
0x1e: {  	s26 =	sadd.s32 $0x1000, s6;
	s20 =	sshrl.u32 s13, $0x3;
	s22 =	sshrl.u32 s15, $0x3  }
0x1f: {  	[dreg:$0xd] =	wrdreg s0;
	s21 =	sshrl.u32 s26, $0x3;
	s24 =	sshrl.u32 s4, $0x3  }
0x20: {  	s26 =	sshrl.u32 s17, $0x3;
	s0 =	simm.s32 $0x5C00;
	s4 =	simm.s32 $0x3  }
.LBB2_7:
0x21: {  	s14 =	sadd.s32 $0x180, s13;
	[sflag:s28] =	ssyncadd.s32 $0xFFFFFC00  }
0x22: {  	[tilespmem:s9], [sflag:$0x4] =	stream.indirect.gather [hbm4b:s5+s30], $0x8, s14, s30, $0xb8;
	[tilespmem:$0x7C00] =	vst v63  }
0x23: {  	_ =	swait.ge [sflag:s10], $0x400  }
0x24: {  	[sflag:s10] =	ssyncset.done $0x0  }
0x25: {  	s17 =	sadd.s32 $0x2C00, s13;
	[sflag:s10] =	ssyncadd.s32 $0xFFFFFC00  }
0x26: {  	[spmem:s2] =	stream.indirect.scatter.add.f32 [tilespmem:s31], [sflag:$0x6], $0x8, s17, s30, $0xb8;
	[tilespmem:$0x7C00] =	vst v63  }
0x27: {  	_ =	swait.ge [sflag:s11], $0x400  }
0x28: {  	[sflag:s11] =	ssyncset.done $0x0  }
0x29: {  	s15 =	sadd.s32 $0x200, s13;
	[sflag:s11] =	ssyncadd.s32 $0xFFFFFC00  }
0x2a: {  	[tilespmem:s31], [sflag:$0x1] =	stream.indirect.gather [hbm4b:s5+s30], $0x8, s15, s30, $0xb8;
	[tilespmem:$0x7C00] =	vst v63  }
0x2b: {  	_ =	swait.ge [sflag:s29], $0x400  }
0x2c: {  	[sflag:s29] =	ssyncset.done $0x0  }
0x2d: {  	s16 =	sadd.s32 $0x2C80, s13;
	[sflag:s29] =	ssyncadd.s32 $0xFFFFFC00  }
0x2e: {  	[spmem:s2] =	stream.indirect.scatter.add.f32 [tilespmem:s0], [sflag:$0x6], $0x8, s16, s30, $0xb8;
	[tilespmem:$0x7C00] =	vst v63  }
0x2f: {  	_ =	swait.ge [sflag:s11], $0x400  }
0x30: {  	[sflag:s11] =	ssyncset.done $0x0  }
0x31: {  	s17 =	sadd.s32 $0x280, s13;
	[sflag:s11] =	ssyncadd.s32 $0xFFFFFC00  }
0x32: {  	[tilespmem:s0], [sflag:$0x2] =	stream.indirect.gather [hbm4b:s5+s30], $0x8, s17, s30, $0xb8;
	[tilespmem:$0x7C00] =	vst v63  }
0x33: {  	_ =	swait.ge [sflag:s4], $0x400  }
0x34: {  	[sflag:s4] =	ssyncset.done $0x0  }
0x35: {  	s15 =	sadd.s32 $0x2D00, s13;
	[sflag:s4] =	ssyncadd.s32 $0xFFFFFC00  }
0x36: {  	[spmem:s2] =	stream.indirect.scatter.add.f32 [tilespmem:s8], [sflag:$0x6], $0x8, s15, s30, $0xb8;
	[tilespmem:$0x7C00] =	vst v63  }
0x37: {  	_ =	swait.ge [sflag:s11], $0x400  }
0x38: {  	[sflag:s11] =	ssyncset.done $0x0  }
0x39: {  	s16 =	sadd.s32 $0x300, s13;
	[sflag:s11] =	ssyncadd.s32 $0xFFFFFC00  }
0x3a: {  	[tilespmem:s8], [sflag:$0x3] =	stream.indirect.gather [hbm4b:s5+s30], $0x8, s16, s30, $0xb8;
	[tilespmem:$0x7C00] =	vst v63  }
0x3b: {  	_ =	swait.ge [sflag:s12], $0x400  }
0x3c: {  	[sflag:s12] =	ssyncset.done $0x0  }
0x3d: {  	s17 =	sadd.s32 $0x2D80, s13;
	[sflag:s12] =	ssyncadd.s32 $0xFFFFFC00  }
0x3e: {  	[spmem:s2] =	stream.indirect.scatter.add.f32 [tilespmem:s9], [sflag:$0x5], $0x8, s17, s30, $0xb8;
	[tilespmem:$0x7C00] =	vst v63  }
0x3f: {  	_ =	swait.ge [sflag:s28], $0x400  }
0x40: {  	[sflag:s28] =	ssyncset.done $0x0  }
0x41: {  	s14 =	simm.s32 $0x2180;
	[sflag:s28] =	ssyncadd.s32 $0xFFFFFC00  }
0x42: {  	[tilespmem:s9], [sflag:$0x4] =	stream.indirect.gather [hbm4b:s5+s30], $0x8, s14, s30, $0xb8;
	[tilespmem:$0x7C00] =	vst v63  }
0x43: {  	_ =	swait.ge [sflag:s10], $0x400  }
0x44: {  	[sflag:s10] =	ssyncset.done $0x0  }
0x45: {  	s13 =	simm.s32 $0x6;
	s15 =	simm.s32 $0x4C00;
	[sflag:s10] =	ssyncadd.s32 $0xFFFFFC00  }
0x46: {  	[spmem:s2] =	stream.indirect.scatter.add.f32 [tilespmem:s31], [sflag:$0x6], $0x8, s15, s30, $0xb8;
	[tilespmem:$0x7C00] =	vst v63  }
0x47: {  	_ =	swait.ge [sflag:s13], $0x400  }
0x48: {  	[sflag:s13] =	ssyncset.done $0x0  }
0x49: {  	s16 =	simm.s32 $0x2200;
	[sflag:s13] =	ssyncadd.s32 $0xFFFFFC00  }
0x4a: {  	[tilespmem:s31], [sflag:$0x1] =	stream.indirect.gather [hbm4b:s5+s30], $0x8, s16, s30, $0xb8;
	[tilespmem:$0x7C00] =	vst v63  }
0x4b: {  	_ =	swait.ge [sflag:s29], $0x400  }
0x4c: {  	[sflag:s29] =	ssyncset.done $0x0  }
0x4d: {  	s17 =	simm.s32 $0x4C80;
	[sflag:s29] =	ssyncadd.s32 $0xFFFFFC00  }
0x4e: {  	[spmem:s2] =	stream.indirect.scatter.add.f32 [tilespmem:s0], [sflag:$0x6], $0x8, s17, s30, $0xb8;
	[tilespmem:$0x7C00] =	vst v63  }
0x4f: {  	_ =	swait.ge [sflag:s13], $0x400  }
0x50: {  	[sflag:s13] =	ssyncset.done $0x0  }
0x51: {  	[sflag:s13] =	ssyncadd.s32 $0xFFFFFC00  }
0x52: {  	_ =	swait.ge [sflag:s4], $0x400  }
0x53: {  	[sflag:s4] =	ssyncset.done $0x0  }
0x54: {  	s15 =	simm.s32 $0x4D00;
	[sflag:s4] =	ssyncadd.s32 $0xFFFFFC00  }
0x55: {  	[spmem:s2] =	stream.indirect.scatter.add.f32 [tilespmem:s8], [sflag:$0x6], $0x8, s15, s30, $0xb8;
	[tilespmem:$0x7C00] =	vst v63  }
0x56: {  	_ =	swait.ge [sflag:s13], $0x400  }
0x57: {  	[sflag:s13] =	ssyncset.done $0x0  }
0x58: {  	[sflag:s13] =	ssyncadd.s32 $0xFFFFFC00  }
0x59: {  	_ =	swait.ge [sflag:s12], $0x400  }
0x5a: {  	[sflag:s12] =	ssyncset.done $0x0  }
0x5b: {  	s16 =	simm.s32 $0x4D80;
	[sflag:s12] =	ssyncadd.s32 $0xFFFFFC00  }
0x5c: {  	[spmem:s2] =	stream.indirect.scatter.add.f32 [tilespmem:s9], [sflag:$0x5], $0x8, s16, s30, $0xb8;
	[tilespmem:$0x7C00] =	vst v63  }
0x5d: {  	_ =	swait.ge [sflag:s28], $0x400  }
0x5e: {  	[sflag:s28] =	ssyncset.done $0x0  }
0x5f: {  	[sflag:s28] =	ssyncadd.s32 $0xFFFFFC00  }
0x60: {  	_ =	swait.ge [sflag:s10], $0x400  }
0x61: {  	[sflag:s10] =	ssyncset.done $0x0  }
0x62: {  	s17 =	simm.s32 $0x4E00;
	[sflag:s10] =	ssyncadd.s32 $0xFFFFFC00  }
0x63: {  	[spmem:s2] =	stream.indirect.scatter.add.f32 [tilespmem:s31], [sflag:$0x6], $0x8, s17, s30, $0xb8;
	[tilespmem:$0x7C00] =	vst v63  }
.LBB2_8:
0x64: {  	_ =	swait.ge [sflag:s13], $0x400  }
0x65: {  	[sflag:s13] =	ssyncset.done $0x0  }
0x66: {  	[sflag:s13] =	ssyncadd.s32 $0xFFFFFC00  }
0x67: {  	[bflag:$0x0] =	sbarrier.arrive $0xFFFF  }
0x68: {  	s16 =	rddreg [dreg:$0x8]  }
0x69: {  	[hbm:s16], [sflag:s7] =	dma.local [spmem:s22], $0x80  }
0x6a: {  	_ =	swait.ge [sflag:s28], $0x80  }
0x6b: {  	[sflag:s28] =	ssyncset.done $0x0  }
0x6c: {  	s17 =	rddreg [dreg:$0xa];
	[sflag:s28] =	ssyncadd.s32 $0xFFFFFF80  }
0x6d: {  	[hbm:s17], [sflag:s7] =	dma.local [spmem:s23], $0x80  }
0x6e: {  	_ =	swait.ge [sflag:s28], $0x80  }
0x6f: {  	[sflag:s28] =	ssyncset.done $0x0  }
0x70: {  	s14 =	rddreg [dreg:$0xb];
	[sflag:s28] =	ssyncadd.s32 $0xFFFFFF80  }
0x71: {  	[hbm:s14], [sflag:s7] =	dma.local [spmem:s24], $0x80  }
0x72: {  	_ =	swait.ge [sflag:s28], $0x80  }
0x73: {  	[sflag:s28] =	ssyncset.done $0x0  }
0x74: {  	s15 =	rddreg [dreg:$0xc];
	[sflag:s28] =	ssyncadd.s32 $0xFFFFFF80  }
0x75: {  	[hbm:s15], [sflag:s7] =	dma.local [spmem:s25], $0x80  }
0x76: {  	_ =	swait.ge [sflag:s28], $0x80  }
0x77: {  	[sflag:s28] =	ssyncset.done $0x0  }
0x78: {  	s16 =	rddreg [dreg:$0xd];
	[sflag:s28] =	ssyncadd.s32 $0xFFFFFF80  }
0x79: {  	[hbm:s16], [sflag:s7] =	dma.local [spmem:s26], $0x80  }
0x7a: {  	_ =	swait.ge [sflag:s28], $0x80  }
0x7b: {  	s3 =	sadd.s32 $0x1, s3;
	s17 =	rddreg [dreg:$0x9]  }
0x7c: {  	p1 =	sne.s32 s3, s17  }
.Ltmp1:
0x7d: {  	_ = 	snop;
	(pc) =	sbr.rel @!p1 .LBB2_9-.Ltmp1, $3  }
0x7e: {  	_ =	sdelay $0x1  }
0x7f: {  	[sflag:s28] =	ssyncset.done $0x0  }
0x80: {  	[sflag:s28] =	ssyncadd.s32 $0xFFFFFF80  }
.LBB2_1:
0x81: {  	s13 =	sshrl.u32 s6, $0x3  }
0x82: {  	[spmem:s13], [sflag:s7] =	dma.local [hbm:s1], $0x80  }
0x83: {  	_ =	swait.ge [sflag:s28], $0x80  }
0x84: {  	[sflag:s28] =	ssyncset.done $0x0  }
0x85: {  	[sflag:s28] =	ssyncadd.s32 $0xFFFFFF80  }
0x86: {  	[spmem:s18], [sflag:s7] =	dma.local [hbm:s1], $0x80  }
0x87: {  	_ =	swait.ge [sflag:s28], $0x80  }
0x88: {  	[sflag:s28] =	ssyncset.done $0x0  }
0x89: {  	[sflag:s28] =	ssyncadd.s32 $0xFFFFFF80  }
0x8a: {  	[spmem:s19], [sflag:s7] =	dma.local [hbm:s1], $0x80  }
0x8b: {  	_ =	swait.ge [sflag:s28], $0x80  }
0x8c: {  	[sflag:s28] =	ssyncset.done $0x0  }
0x8d: {  	[sflag:s28] =	ssyncadd.s32 $0xFFFFFF80  }
0x8e: {  	[spmem:s20], [sflag:s7] =	dma.local [hbm:s1], $0x80  }
0x8f: {  	_ =	swait.ge [sflag:s28], $0x80  }
0x90: {  	[sflag:s28] =	ssyncset.done $0x0  }
.Ltmp2:
0x91: {  	[sflag:s28] =	ssyncadd.s32 $0xFFFFFF80;
	(pc) =	sbr.rel @!p0 .LBB2_2-.Ltmp2, $4  }
0x92: {  	[spmem:s21], [sflag:s7] =	dma.local [hbm:s1], $0x80  }
0x93: {  	_ =	swait.ge [sflag:s28], $0x80  }
0x94: {  	[sflag:s28] =	ssyncset.done $0x0  }
0x95: {  	s13 =	simm.s32 $0x0;
	[sflag:s28] =	ssyncadd.s32 $0xFFFFFF80  }
0x96: {  	s14 =	rddreg [dreg:$0x6]  }
0x97: {  	[tilespmem:s13], [sflag:$0x5] =	stream.linear.gather [hbm4b:s14+s13], $0x2280, $0x38;
	[tilespmem:$0x7C00] =	vst v63  }
0x98: {  	_ =	swait.ge [sflag:s28], $0x2280  }
0x99: {  	[sflag:s28] =	ssyncset.done $0x0  }
0x9a: {  	s15 =	simm.s32 $0x2C00;
	s16 =	rddreg [dreg:$0x7];
	[sflag:s28] =	ssyncadd.s32 $0xFFFFDD80  }
0x9b: {  	[tilespmem:s15], [sflag:$0x5] =	stream.linear.gather [hbm4b:s16+s13], $0x2280, $0x38;
	[tilespmem:$0x7C00] =	vst v63  }
0x9c: {  	_ =	swait.ge [sflag:s28], $0x2280  }
0x9d: {  	[sflag:s28] =	ssyncset.done $0x0  }
0x9e: {  	[sflag:s28] =	ssyncadd.s32 $0xFFFFDD80  }
0x9f: {  	[bflag:$0x0] =	sbarrier.arrive $0xFFFF  }
0xa0: {  	[tilespmem:s31], [sflag:$0x1] =	stream.indirect.gather [hbm4b:s5+s30], $0x8, s13, s30, $0xb8;
	[tilespmem:$0x7C00] =	vst v63  }
0xa1: {  	_ = 	snop  }
0xa2: {  	[tilespmem:s0], [sflag:$0x2] =	stream.indirect.gather [hbm4b:s5+s30], $0x8, s30, s30, $0xb8;
	[tilespmem:$0x7C00] =	vst v63  }
0xa3: {  	s17 =	simm.s32 $0x100  }
0xa4: {  	[tilespmem:s8], [sflag:$0x3] =	stream.indirect.gather [hbm4b:s5+s30], $0x8, s17, s30, $0xb8;
	[tilespmem:$0x7C00] =	vst v63  }
0xa5: {  	s14 =	simm.s32 $0x180  }
0xa6: {  	[tilespmem:s9], [sflag:$0x4] =	stream.indirect.gather [hbm4b:s5+s30], $0x8, s14, s30, $0xb8;
	[tilespmem:$0x7C00] =	vst v63  }
0xa7: {  	_ =	swait.ge [sflag:s10], $0x400  }
0xa8: {  	[sflag:s10] =	ssyncset.done $0x0  }
0xa9: {  	s15 =	simm.s32 $0x2C00;
	[sflag:s10] =	ssyncadd.s32 $0xFFFFFC00  }
0xaa: {  	[spmem:s2] =	stream.indirect.scatter.add.f32 [tilespmem:s31], [sflag:$0x6], $0x8, s15, s30, $0xb8;
	[tilespmem:$0x7C00] =	vst v63  }
0xab: {  	_ =	swait.ge [sflag:s11], $0x400  }
0xac: {  	[sflag:s11] =	ssyncset.done $0x0  }
0xad: {  	s16 =	simm.s32 $0x200;
	[sflag:s11] =	ssyncadd.s32 $0xFFFFFC00  }
0xae: {  	[tilespmem:s31], [sflag:$0x1] =	stream.indirect.gather [hbm4b:s5+s30], $0x8, s16, s30, $0xb8;
	[tilespmem:$0x7C00] =	vst v63  }
0xaf: {  	_ =	swait.ge [sflag:s29], $0x400  }
0xb0: {  	[sflag:s29] =	ssyncset.done $0x0  }
0xb1: {  	s17 =	simm.s32 $0x2C80;
	[sflag:s29] =	ssyncadd.s32 $0xFFFFFC00  }
0xb2: {  	[spmem:s2] =	stream.indirect.scatter.add.f32 [tilespmem:s0], [sflag:$0x6], $0x8, s17, s30, $0xb8;
	[tilespmem:$0x7C00] =	vst v63  }
0xb3: {  	_ =	swait.ge [sflag:s11], $0x400  }
0xb4: {  	[sflag:s11] =	ssyncset.done $0x0  }
0xb5: {  	s14 =	simm.s32 $0x280;
	[sflag:s11] =	ssyncadd.s32 $0xFFFFFC00  }
0xb6: {  	[tilespmem:s0], [sflag:$0x2] =	stream.indirect.gather [hbm4b:s5+s30], $0x8, s14, s30, $0xb8;
	[tilespmem:$0x7C00] =	vst v63  }
0xb7: {  	_ =	swait.ge [sflag:s4], $0x400  }
0xb8: {  	[sflag:s4] =	ssyncset.done $0x0  }
0xb9: {  	s15 =	simm.s32 $0x2D00;
	[sflag:s4] =	ssyncadd.s32 $0xFFFFFC00  }
0xba: {  	[spmem:s2] =	stream.indirect.scatter.add.f32 [tilespmem:s8], [sflag:$0x6], $0x8, s15, s30, $0xb8;
	[tilespmem:$0x7C00] =	vst v63  }
0xbb: {  	_ =	swait.ge [sflag:s11], $0x400  }
0xbc: {  	[sflag:s11] =	ssyncset.done $0x0  }
0xbd: {  	s16 =	simm.s32 $0x300;
	[sflag:s11] =	ssyncadd.s32 $0xFFFFFC00  }
0xbe: {  	[tilespmem:s8], [sflag:$0x3] =	stream.indirect.gather [hbm4b:s5+s30], $0x8, s16, s30, $0xb8;
	[tilespmem:$0x7C00] =	vst v63  }
0xbf: {  	_ =	swait.ge [sflag:s12], $0x400  }
0xc0: {  	[sflag:s12] =	ssyncset.done $0x0  }
0xc1: {  	s17 =	simm.s32 $0x2D80;
	[sflag:s12] =	ssyncadd.s32 $0xFFFFFC00  }
0xc2: {  	[spmem:s2] =	stream.indirect.scatter.add.f32 [tilespmem:s9], [sflag:$0x5], $0x8, s17, s30, $0xb8;
	[tilespmem:$0x7C00] =	vst v63  }
0xc3: {  	_ =	swait.ge [sflag:s28], $0x400  }
0xc4: {  	s13 =	simm.s32 $0x200;
	s16 =	simm.s32 $0x1000;
	[sflag:s28] =	ssyncset.done $0x0  }
.LBB2_6:
0xc5: {  	s17 =	sadd.s32 $0x180, s13  }
0xc6: {  	[sflag:s28] =	ssyncadd.s32 $0xFFFFFC00;
	s15 =	smov.u32 s16;
	s14 =	sadd.s32 $0x800, s16  }
0xc7: {  	[tilespmem:s9], [sflag:$0x4] =	stream.indirect.gather [hbm4b:s5+s30], $0x8, s17, s30, $0xb8;
	[tilespmem:$0x7C00] =	vst v63  }
0xc8: {  	p1 =	sne.s32 s16, $0x7800;
	_ =	swait.ge [sflag:s10], $0x400  }
0xc9: {  	[sflag:s10] =	ssyncset.done $0x0  }
0xca: {  	s16 =	sadd.s32 $0x2C00, s13;
	[sflag:s10] =	ssyncadd.s32 $0xFFFFFC00  }
0xcb: {  	[spmem:s2] =	stream.indirect.scatter.add.f32 [tilespmem:s31], [sflag:$0x6], $0x8, s16, s30, $0xb8;
	[tilespmem:$0x7C00] =	vst v63  }
0xcc: {  	_ =	swait.ge [sflag:s11], $0x400  }
0xcd: {  	[sflag:s11] =	ssyncset.done $0x0  }
0xce: {  	s16 =	sadd.s32 $0x200, s13;
	[sflag:s11] =	ssyncadd.s32 $0xFFFFFC00  }
0xcf: {  	[tilespmem:s31], [sflag:$0x1] =	stream.indirect.gather [hbm4b:s5+s30], $0x8, s16, s30, $0xb8;
	[tilespmem:$0x7C00] =	vst v63  }
0xd0: {  	_ =	swait.ge [sflag:s29], $0x400  }
0xd1: {  	[sflag:s29] =	ssyncset.done $0x0  }
0xd2: {  	s16 =	sadd.s32 $0x2C80, s13;
	[sflag:s29] =	ssyncadd.s32 $0xFFFFFC00  }
0xd3: {  	[spmem:s2] =	stream.indirect.scatter.add.f32 [tilespmem:s0], [sflag:$0x6], $0x8, s16, s30, $0xb8;
	[tilespmem:$0x7C00] =	vst v63  }
0xd4: {  	_ =	swait.ge [sflag:s11], $0x400  }
0xd5: {  	[sflag:s11] =	ssyncset.done $0x0  }
0xd6: {  	s16 =	sadd.s32 $0x280, s13;
	[sflag:s11] =	ssyncadd.s32 $0xFFFFFC00  }
0xd7: {  	[tilespmem:s0], [sflag:$0x2] =	stream.indirect.gather [hbm4b:s5+s30], $0x8, s16, s30, $0xb8;
	[tilespmem:$0x7C00] =	vst v63  }
0xd8: {  	_ =	swait.ge [sflag:s4], $0x400  }
0xd9: {  	[sflag:s4] =	ssyncset.done $0x0  }
0xda: {  	s16 =	sadd.s32 $0x2D00, s13;
	[sflag:s4] =	ssyncadd.s32 $0xFFFFFC00  }
0xdb: {  	[spmem:s2] =	stream.indirect.scatter.add.f32 [tilespmem:s8], [sflag:$0x6], $0x8, s16, s30, $0xb8;
	[tilespmem:$0x7C00] =	vst v63  }
0xdc: {  	_ =	swait.ge [sflag:s11], $0x400  }
0xdd: {  	[sflag:s11] =	ssyncset.done $0x0  }
0xde: {  	s16 =	sadd.s32 $0x300, s13;
	[sflag:s11] =	ssyncadd.s32 $0xFFFFFC00  }
0xdf: {  	[tilespmem:s8], [sflag:$0x3] =	stream.indirect.gather [hbm4b:s5+s30], $0x8, s16, s30, $0xb8;
	[tilespmem:$0x7C00] =	vst v63  }
0xe0: {  	_ =	swait.ge [sflag:s12], $0x400  }
.Ltmp3:
0xe1: {  	[sflag:s12] =	ssyncset.done $0x0;
	(pc) =	sbr.rel @p1 .LBB2_6-.Ltmp3, $4  }
0xe2: {  	s13 =	sadd.s32 $0x2D80, s13;
	[sflag:s12] =	ssyncadd.s32 $0xFFFFFC00  }
0xe3: {  	[spmem:s2] =	stream.indirect.scatter.add.f32 [tilespmem:s9], [sflag:$0x5], $0x8, s13, s30, $0xb8;
	[tilespmem:$0x7C00] =	vst v63  }
0xe4: {  	_ =	swait.ge [sflag:s28], $0x400  }
0xe5: {  	s16 =	smov.u32 s14;
	s13 =	sshra.s32 s15, $0x2;
	[sflag:s28] =	ssyncset.done $0x0  }
.Ltmp4:
0xe6: {  	_ = 	snop;
	(pc) =	sbr.rel .LBB2_7-.Ltmp4, $1  }
0xe7: {  	_ =	sdelay $0x3  }
.LBB2_2:
0xe8: {  	s14 =	rddreg [dreg:$0x4]  }
0xe9: {  	[tilespmem:s13], [sflag:$0x5] =	stream.linear.gather [hbm4b:s14+s13], $0x2C00, $0x38;
	[tilespmem:$0x7C00] =	vst v63  }
0xea: {  	_ =	swait.ge [sflag:s28], $0x2C00  }
0xeb: {  	[sflag:s28] =	ssyncset.done $0x0  }
0xec: {  	s15 =	simm.s32 $0x2C00;
	s16 =	rddreg [dreg:$0x5];
	[sflag:s28] =	ssyncadd.s32 $0xFFFFD400  }
0xed: {  	[tilespmem:s15], [sflag:$0x5] =	stream.linear.gather [hbm4b:s16+s13], $0x2C00, $0x38;
	[tilespmem:$0x7C00] =	vst v63  }
0xee: {  	_ =	swait.ge [sflag:s28], $0x2C00  }
0xef: {  	[sflag:s28] =	ssyncset.done $0x0  }
0xf0: {  	[sflag:s28] =	ssyncadd.s32 $0xFFFFD400  }
0xf1: {  	[bflag:$0x0] =	sbarrier.arrive $0xFFFF  }
0xf2: {  	[tilespmem:s31], [sflag:$0x1] =	stream.indirect.gather [hbm4b:s5+s30], $0x8, s13, s30, $0xb8;
	[tilespmem:$0x7C00] =	vst v63  }
0xf3: {  	_ = 	snop  }
0xf4: {  	[tilespmem:s0], [sflag:$0x2] =	stream.indirect.gather [hbm4b:s5+s30], $0x8, s30, s30, $0xb8;
	[tilespmem:$0x7C00] =	vst v63  }
0xf5: {  	s17 =	simm.s32 $0x100  }
0xf6: {  	[tilespmem:s8], [sflag:$0x3] =	stream.indirect.gather [hbm4b:s5+s30], $0x8, s17, s30, $0xb8;
	[tilespmem:$0x7C00] =	vst v63  }
0xf7: {  	s14 =	simm.s32 $0x180  }
0xf8: {  	[tilespmem:s9], [sflag:$0x4] =	stream.indirect.gather [hbm4b:s5+s30], $0x8, s14, s30, $0xb8;
	[tilespmem:$0x7C00] =	vst v63  }
0xf9: {  	_ =	swait.ge [sflag:s10], $0x400  }
0xfa: {  	[sflag:s10] =	ssyncset.done $0x0  }
0xfb: {  	s15 =	simm.s32 $0x2C00;
	[sflag:s10] =	ssyncadd.s32 $0xFFFFFC00  }
0xfc: {  	[spmem:s2] =	stream.indirect.scatter.add.f32 [tilespmem:s31], [sflag:$0x6], $0x8, s15, s30, $0xb8;
	[tilespmem:$0x7C00] =	vst v63  }
0xfd: {  	_ =	swait.ge [sflag:s11], $0x400  }
0xfe: {  	[sflag:s11] =	ssyncset.done $0x0  }
0xff: {  	s16 =	simm.s32 $0x200;
	[sflag:s11] =	ssyncadd.s32 $0xFFFFFC00  }
0x100: {  	[tilespmem:s31], [sflag:$0x1] =	stream.indirect.gather [hbm4b:s5+s30], $0x8, s16, s30, $0xb8;
	[tilespmem:$0x7C00] =	vst v63  }
0x101: {  	_ =	swait.ge [sflag:s29], $0x400  }
0x102: {  	[sflag:s29] =	ssyncset.done $0x0  }
0x103: {  	s17 =	simm.s32 $0x2C80;
	[sflag:s29] =	ssyncadd.s32 $0xFFFFFC00  }
0x104: {  	[spmem:s2] =	stream.indirect.scatter.add.f32 [tilespmem:s0], [sflag:$0x6], $0x8, s17, s30, $0xb8;
	[tilespmem:$0x7C00] =	vst v63  }
0x105: {  	_ =	swait.ge [sflag:s11], $0x400  }
0x106: {  	[sflag:s11] =	ssyncset.done $0x0  }
0x107: {  	s14 =	simm.s32 $0x280;
	[sflag:s11] =	ssyncadd.s32 $0xFFFFFC00  }
0x108: {  	[tilespmem:s0], [sflag:$0x2] =	stream.indirect.gather [hbm4b:s5+s30], $0x8, s14, s30, $0xb8;
	[tilespmem:$0x7C00] =	vst v63  }
0x109: {  	_ =	swait.ge [sflag:s4], $0x400  }
0x10a: {  	[sflag:s4] =	ssyncset.done $0x0  }
0x10b: {  	s15 =	simm.s32 $0x2D00;
	[sflag:s4] =	ssyncadd.s32 $0xFFFFFC00  }
0x10c: {  	[spmem:s2] =	stream.indirect.scatter.add.f32 [tilespmem:s8], [sflag:$0x6], $0x8, s15, s30, $0xb8;
	[tilespmem:$0x7C00] =	vst v63  }
0x10d: {  	_ =	swait.ge [sflag:s11], $0x400  }
0x10e: {  	[sflag:s11] =	ssyncset.done $0x0  }
0x10f: {  	s16 =	simm.s32 $0x300;
	[sflag:s11] =	ssyncadd.s32 $0xFFFFFC00  }
0x110: {  	[tilespmem:s8], [sflag:$0x3] =	stream.indirect.gather [hbm4b:s5+s30], $0x8, s16, s30, $0xb8;
	[tilespmem:$0x7C00] =	vst v63  }
0x111: {  	_ =	swait.ge [sflag:s12], $0x400  }
0x112: {  	[sflag:s12] =	ssyncset.done $0x0  }
0x113: {  	s17 =	simm.s32 $0x2D80;
	[sflag:s12] =	ssyncadd.s32 $0xFFFFFC00  }
0x114: {  	[spmem:s2] =	stream.indirect.scatter.add.f32 [tilespmem:s9], [sflag:$0x5], $0x8, s17, s30, $0xb8;
	[tilespmem:$0x7C00] =	vst v63  }
0x115: {  	_ =	swait.ge [sflag:s28], $0x400  }
0x116: {  	s13 =	simm.s32 $0x200;
	s14 =	simm.s32 $0x1000;
	[sflag:s28] =	ssyncset.done $0x0  }
.LBB2_3:
0x117: {  	s17 =	sadd.s32 $0x180, s13  }
0x118: {  	[sflag:s28] =	ssyncadd.s32 $0xFFFFFC00;
	s15 =	smov.u32 s14;
	s16 =	sadd.s32 $0x800, s14  }
0x119: {  	[tilespmem:s9], [sflag:$0x4] =	stream.indirect.gather [hbm4b:s5+s30], $0x8, s17, s30, $0xb8;
	[tilespmem:$0x7C00] =	vst v63  }
0x11a: {  	p1 =	seq.s32 s14, $0xA000;
	_ =	swait.ge [sflag:s10], $0x400  }
0x11b: {  	[sflag:s10] =	ssyncset.done $0x0  }
0x11c: {  	s14 =	sadd.s32 $0x2C00, s13;
	[sflag:s10] =	ssyncadd.s32 $0xFFFFFC00  }
0x11d: {  	[spmem:s2] =	stream.indirect.scatter.add.f32 [tilespmem:s31], [sflag:$0x6], $0x8, s14, s30, $0xb8;
	[tilespmem:$0x7C00] =	vst v63  }
0x11e: {  	_ =	swait.ge [sflag:s11], $0x400  }
0x11f: {  	[sflag:s11] =	ssyncset.done $0x0  }
0x120: {  	s14 =	sadd.s32 $0x200, s13;
	[sflag:s11] =	ssyncadd.s32 $0xFFFFFC00  }
0x121: {  	[tilespmem:s31], [sflag:$0x1] =	stream.indirect.gather [hbm4b:s5+s30], $0x8, s14, s30, $0xb8;
	[tilespmem:$0x7C00] =	vst v63  }
0x122: {  	_ =	swait.ge [sflag:s29], $0x400  }
0x123: {  	[sflag:s29] =	ssyncset.done $0x0  }
0x124: {  	s14 =	sadd.s32 $0x2C80, s13;
	[sflag:s29] =	ssyncadd.s32 $0xFFFFFC00  }
0x125: {  	[spmem:s2] =	stream.indirect.scatter.add.f32 [tilespmem:s0], [sflag:$0x6], $0x8, s14, s30, $0xb8;
	[tilespmem:$0x7C00] =	vst v63  }
0x126: {  	_ =	swait.ge [sflag:s11], $0x400  }
0x127: {  	[sflag:s11] =	ssyncset.done $0x0  }
0x128: {  	s14 =	sadd.s32 $0x280, s13;
	[sflag:s11] =	ssyncadd.s32 $0xFFFFFC00  }
0x129: {  	[tilespmem:s0], [sflag:$0x2] =	stream.indirect.gather [hbm4b:s5+s30], $0x8, s14, s30, $0xb8;
	[tilespmem:$0x7C00] =	vst v63  }
0x12a: {  	_ =	swait.ge [sflag:s4], $0x400  }
0x12b: {  	[sflag:s4] =	ssyncset.done $0x0  }
0x12c: {  	s14 =	sadd.s32 $0x2D00, s13;
	[sflag:s4] =	ssyncadd.s32 $0xFFFFFC00  }
0x12d: {  	[spmem:s2] =	stream.indirect.scatter.add.f32 [tilespmem:s8], [sflag:$0x6], $0x8, s14, s30, $0xb8;
	[tilespmem:$0x7C00] =	vst v63  }
0x12e: {  	_ =	swait.ge [sflag:s11], $0x400  }
0x12f: {  	[sflag:s11] =	ssyncset.done $0x0  }
0x130: {  	s14 =	sadd.s32 $0x300, s13;
	[sflag:s11] =	ssyncadd.s32 $0xFFFFFC00  }
0x131: {  	[tilespmem:s8], [sflag:$0x3] =	stream.indirect.gather [hbm4b:s5+s30], $0x8, s14, s30, $0xb8;
	[tilespmem:$0x7C00] =	vst v63  }
0x132: {  	_ =	swait.ge [sflag:s12], $0x400  }
.Ltmp5:
0x133: {  	[sflag:s12] =	ssyncset.done $0x0;
	(pc) =	sbr.rel @!p1 .LBB2_3-.Ltmp5, $4  }
0x134: {  	s13 =	sadd.s32 $0x2D80, s13;
	[sflag:s12] =	ssyncadd.s32 $0xFFFFFC00  }
0x135: {  	[spmem:s2] =	stream.indirect.scatter.add.f32 [tilespmem:s9], [sflag:$0x5], $0x8, s13, s30, $0xb8;
	[tilespmem:$0x7C00] =	vst v63  }
0x136: {  	_ =	swait.ge [sflag:s28], $0x400  }
0x137: {  	s14 =	smov.u32 s16;
	s13 =	sshra.s32 s15, $0x2;
	[sflag:s28] =	ssyncset.done $0x0  }
0x138: {  	s14 =	sadd.s32 $0x180, s13;
	[sflag:s28] =	ssyncadd.s32 $0xFFFFFC00  }
0x139: {  	[tilespmem:s9], [sflag:$0x4] =	stream.indirect.gather [hbm4b:s5+s30], $0x8, s14, s30, $0xb8;
	[tilespmem:$0x7C00] =	vst v63  }
0x13a: {  	_ =	swait.ge [sflag:s10], $0x400  }
0x13b: {  	[sflag:s10] =	ssyncset.done $0x0  }
0x13c: {  	s16 =	sadd.s32 $0x2C00, s13;
	[sflag:s10] =	ssyncadd.s32 $0xFFFFFC00  }
0x13d: {  	[spmem:s2] =	stream.indirect.scatter.add.f32 [tilespmem:s31], [sflag:$0x6], $0x8, s16, s30, $0xb8;
	[tilespmem:$0x7C00] =	vst v63  }
0x13e: {  	_ =	swait.ge [sflag:s11], $0x400  }
0x13f: {  	[sflag:s11] =	ssyncset.done $0x0  }
0x140: {  	s17 =	sadd.s32 $0x200, s13;
	[sflag:s11] =	ssyncadd.s32 $0xFFFFFC00  }
0x141: {  	[tilespmem:s31], [sflag:$0x1] =	stream.indirect.gather [hbm4b:s5+s30], $0x8, s17, s30, $0xb8;
	[tilespmem:$0x7C00] =	vst v63  }
0x142: {  	_ =	swait.ge [sflag:s29], $0x400  }
0x143: {  	[sflag:s29] =	ssyncset.done $0x0  }
0x144: {  	s15 =	sadd.s32 $0x2C80, s13;
	[sflag:s29] =	ssyncadd.s32 $0xFFFFFC00  }
0x145: {  	[spmem:s2] =	stream.indirect.scatter.add.f32 [tilespmem:s0], [sflag:$0x6], $0x8, s15, s30, $0xb8;
	[tilespmem:$0x7C00] =	vst v63  }
0x146: {  	_ =	swait.ge [sflag:s11], $0x400  }
0x147: {  	[sflag:s11] =	ssyncset.done $0x0  }
0x148: {  	s16 =	sadd.s32 $0x280, s13;
	[sflag:s11] =	ssyncadd.s32 $0xFFFFFC00  }
0x149: {  	[tilespmem:s0], [sflag:$0x2] =	stream.indirect.gather [hbm4b:s5+s30], $0x8, s16, s30, $0xb8;
	[tilespmem:$0x7C00] =	vst v63  }
0x14a: {  	_ =	swait.ge [sflag:s4], $0x400  }
0x14b: {  	[sflag:s4] =	ssyncset.done $0x0  }
0x14c: {  	s17 =	sadd.s32 $0x2D00, s13;
	[sflag:s4] =	ssyncadd.s32 $0xFFFFFC00  }
0x14d: {  	[spmem:s2] =	stream.indirect.scatter.add.f32 [tilespmem:s8], [sflag:$0x6], $0x8, s17, s30, $0xb8;
	[tilespmem:$0x7C00] =	vst v63  }
0x14e: {  	_ =	swait.ge [sflag:s11], $0x400  }
0x14f: {  	[sflag:s11] =	ssyncset.done $0x0  }
0x150: {  	s15 =	sadd.s32 $0x300, s13;
	[sflag:s11] =	ssyncadd.s32 $0xFFFFFC00  }
0x151: {  	[tilespmem:s8], [sflag:$0x3] =	stream.indirect.gather [hbm4b:s5+s30], $0x8, s15, s30, $0xb8;
	[tilespmem:$0x7C00] =	vst v63  }
0x152: {  	_ =	swait.ge [sflag:s12], $0x400  }
0x153: {  	[sflag:s12] =	ssyncset.done $0x0  }
0x154: {  	s16 =	sadd.s32 $0x2D80, s13;
	[sflag:s12] =	ssyncadd.s32 $0xFFFFFC00  }
0x155: {  	[spmem:s2] =	stream.indirect.scatter.add.f32 [tilespmem:s9], [sflag:$0x5], $0x8, s16, s30, $0xb8;
	[tilespmem:$0x7C00] =	vst v63  }
0x156: {  	_ =	swait.ge [sflag:s28], $0x400  }
0x157: {  	[sflag:s28] =	ssyncset.done $0x0  }
0x158: {  	s17 =	simm.s32 $0x2B80;
	[sflag:s28] =	ssyncadd.s32 $0xFFFFFC00  }
0x159: {  	[tilespmem:s9], [sflag:$0x4] =	stream.indirect.gather [hbm4b:s5+s30], $0x8, s17, s30, $0xb8;
	[tilespmem:$0x7C00] =	vst v63  }
0x15a: {  	_ =	swait.ge [sflag:s10], $0x400  }
0x15b: {  	[sflag:s10] =	ssyncset.done $0x0  }
0x15c: {  	s14 =	simm.s32 $0x5600;
	[sflag:s10] =	ssyncadd.s32 $0xFFFFFC00  }
0x15d: {  	[spmem:s2] =	stream.indirect.scatter.add.f32 [tilespmem:s31], [sflag:$0x6], $0x8, s14, s30, $0xb8;
	[tilespmem:$0x7C00] =	vst v63  }
0x15e: {  	_ =	swait.ge [sflag:s11], $0x400  }
0x15f: {  	[sflag:s11] =	ssyncset.done $0x0  }
0x160: {  	[sflag:s11] =	ssyncadd.s32 $0xFFFFFC00  }
0x161: {  	_ =	swait.ge [sflag:s29], $0x400  }
0x162: {  	[sflag:s29] =	ssyncset.done $0x0  }
0x163: {  	s15 =	simm.s32 $0x5680;
	[sflag:s29] =	ssyncadd.s32 $0xFFFFFC00  }
0x164: {  	[spmem:s2] =	stream.indirect.scatter.add.f32 [tilespmem:s0], [sflag:$0x6], $0x8, s15, s30, $0xb8;
	[tilespmem:$0x7C00] =	vst v63  }
0x165: {  	_ =	swait.ge [sflag:s11], $0x400  }
0x166: {  	[sflag:s11] =	ssyncset.done $0x0  }
0x167: {  	[sflag:s11] =	ssyncadd.s32 $0xFFFFFC00  }
0x168: {  	_ =	swait.ge [sflag:s4], $0x400  }
0x169: {  	[sflag:s4] =	ssyncset.done $0x0  }
0x16a: {  	s16 =	simm.s32 $0x5700;
	[sflag:s4] =	ssyncadd.s32 $0xFFFFFC00  }
0x16b: {  	[spmem:s2] =	stream.indirect.scatter.add.f32 [tilespmem:s8], [sflag:$0x6], $0x8, s16, s30, $0xb8;
	[tilespmem:$0x7C00] =	vst v63  }
0x16c: {  	_ =	swait.ge [sflag:s11], $0x400  }
0x16d: {  	[sflag:s11] =	ssyncset.done $0x0  }
.Ltmp6:
0x16e: {  	[sflag:s11] =	ssyncadd.s32 $0xFFFFFC00;
	(pc) =	sbr.rel .LBB2_8-.Ltmp6, $4  }
0x16f: {  	_ =	swait.ge [sflag:s12], $0x400  }
0x170: {  	[sflag:s12] =	ssyncset.done $0x0  }
0x171: {  	s13 =	simm.s32 $0x5;
	s17 =	simm.s32 $0x5780;
	[sflag:s12] =	ssyncadd.s32 $0xFFFFFC00  }
0x172: {  	[spmem:s2] =	stream.indirect.scatter.add.f32 [tilespmem:s9], [sflag:$0x5], $0x8, s17, s30, $0xb8;
	[tilespmem:$0x7C00] =	vst v63  }
.LBB2_9:
0x173: {  	_ =	sfence.sel $0x180000  }
0x174: {  	[bflag:$0x0] =	sbarrier.arrive $0xFFFF  }
0x175: {  	_ =	strace $0x9000004D  }
0x176: {  	s0 =	stileid.u32;
	[bflag:$0x2] =	sbarrier.arrive $0xFFFF  }
0x177: {  	p0 =	sne.s32 s0, $0x0;
	s0 =	rddreg [dreg:$0x3]  }
0x178: {  	s0 =	sadd.s32 @!p0 $0x100000, s0  }
0x179: {  	[sflag:s0] =	ssyncadd.tile.s32 @!p0 $0x1;
	_ =	shalt  }
.Lfunc_end2:
_tile_overlayer_lowered:
.L_overlay_start_2:
0x17a: {  	(tag) =	ssettag $0x2  }
0x17b: {  	s0 =	rddreg [dreg:$0x0];
	s2 =	stileid.u32  }
0x17c: {  	s1 =	rddreg [dreg:$0x1];
	p0 =	sne.s32 s2, $0x0  }
0x17d: {  	s3 =	rddreg [dreg:$0x2];
	[bflag:$0x3] =	sbarrier.arrive $0xFFFF;
	s2 =	simm.s32 @!p0 $0x1C05  }
0x17e: {  	[timem:s3], [sflag:s2] =	dma.local @!p0 [hbm:s0], s1  }
0x17f: {  	s0 =	simm.s32 @!p0 $0x5  }
0x180: {  	_ =	swait.ge @!p0 [sflag:s0], s1  }
0x181: {  	s1 =	ssub.s32 @!p0 $0x0, s1;
	[sflag:s0] =	ssyncset.done @!p0 $0x0  }
0x182: {  	[sflag:s0] =	ssyncadd.s32 @!p0 s1  }
0x183: {  	[bflag:$0x3] =	sbarrier.arrive $0xFFFF  }
0x184: {  	_ =	shalt  }

// kernel: kernel.9.cloned.1.call-start
scs
__scs_entry_jumppad:
0x0: {  	(pc) =	sbr.rel $0x88, $3  }
0x1: {  	(tag) =	ssettag $0x0;
	lr =	simm.s32 $0x1  }
0x2: {  	[smem:$0x3F9B] =	sst lr;
	_ =	strace $0xD0000000  }
0x3: {  	_ = 	snop  }
0x4: {  	_ = 	snop  }
0x5: {  	_ = 	snop  }
0x6: {  	_ = 	snop  }
0x7: {  	_ = 	snop  }
__scs_overlays_trampoline_lowered:
0x8: {  	[smem:$0x3FAA] =	sst s0  }
0x9: {  	[smem:$0x3FAB] =	sst s1  }
0xa: {  	[smem:$0x3FAC] =	sst s2  }
0xb: {  	[smem:$0x3FAD] =	sst s3  }
0xc: {  	[smem:$0x3FAE] =	sst s4  }
0xd: {  	[smem:$0x3FAF] =	sst s5  }
0xe: {  	[smem:$0x3FB0] =	sst s6  }
0xf: {  	[smem:$0x3FB1] =	sst s7  }
0x10: {  	[smem:$0x3FB2] =	sst s8  }
0x11: {  	[smem:$0x3FB3] =	sst s9;
	s0 =	simm.s32 @!p0 $0x0  }
0x12: {  	s1 =	sld [smem:$0x3F99];
	s0 =	simm.s32 @p0 $0x1  }
0x13: {  	[smem:$0x3FB4] =	sst s0;
	s0 =	simm.s32 @!p1 $0x0  }
0x14: {  	s2 =	sld [smem:$0x3F98];
	s0 =	simm.s32 @p1 $0x1  }
0x15: {  	[smem:$0x3FB5] =	sst s0;
	s0 =	simm.s32 @!p2 $0x0  }
0x16: {  	s3 =	sld [smem:$0x3FDB];
	s0 =	simm.s32 @p2 $0x1  }
0x17: {  	s4 =	simm.s32 $0x1BF5;
	[smem:$0x3FB7] =	sst s0  }
0x18: {  	s0 =	sld [smem:$0x3F9A];
	_ =	swait.ge [sflag:s4], $0x0  }
0x19: {  	s7 =	sld [smem:$0x3F9B]  }
0x1a: {  	s8 =	sadd.s32 $0xFFFFE003, lr  }
0x1b: {  	s9 =	sadd.s32 $0xFFFFFEF7, lr;
	s5 =	simm.s32 $0xFFFFFFFF;
	p2 =	slt.u32 s8, $0xFFFFF086  }
0x1c: {  	p1 =	slt.u32 s9, $0xF7A;
	s5 =	simm.s32 @!p2 $0x0  }
0x1d: {  	s5 =	simm.s32 @p1 $0x1;
	p0 =	seq.s32 s7, s2  }
0x1e: {  	s7 =	smul.u32 @!p0 $0xF7A, s2;
	p2 =	seq.s32 @!p0 s5, $0x0  }
0x1f: {  	s9 =	smul.u32 $0xF7A, s1;
	s8 =	simm.s32 @!p0 $0x1BF5;
	p2 =	por !p2, p0  }
0x20: {  	[sflag:s8] =	ssyncset.s32 @!p0 $0xFFFFF086;
	s6 =	sadd.s32 @!p0 s3, s7;
	s7 =	simm.s32 @!p0 $0x108  }
0x21: {  	s3 =	sadd.s32 s3, s9;
	s6 =	sadd.s32 @!p0 $0x88, s6;
	s7 =	simm.s32 @p2 $0x1082  }
0x22: {  	[simem:s7], [sflag:s8] =	dma.local @!p0 [hbm:s6], $0xF7A  }
0x23: {  	s9 =	sor.u32 $0xD0000000, s2;
	s6 =	simm.s32 $0x108;
	_ =	swait.ge @!p0 [sflag:s8], $0x0  }
0x24: {  	s3 =	sadd.s32 $0x88, s3;
	s6 =	simm.s32 @!p1 $0x1082;
	[sflag:s4] =	ssyncset.s32 $0xFFFFF086  }
0x25: {  	[simem:s6], [sflag:s4] =	dma.local [hbm:s3], $0xF7A  }
0x26: {  	[smem:$0x3F9B] =	sst s1;
	(tag) =	ssettag s2;
	_ =	strace s9  }
0x27: {  	s1 =	sld [smem:$0x3FAB]  }
0x28: {  	s2 =	sld [smem:$0x3FAC]  }
0x29: {  	s4 =	sld [smem:$0x3FAE]  }
0x2a: {  	p0 =	seq.s32 s5, $0x0;
	s5 =	sld [smem:$0x3FAF]  }
0x2b: {  	s6 =	sld [smem:$0x3FB0]  }
0x2c: {  	s7 =	sld [smem:$0x3FB1]  }
0x2d: {  	s3 =	simm.s32 $0x108;
	s8 =	sld [smem:$0x3FB2]  }
0x2e: {  	s3 =	simm.s32 @!p0 $0x1082;
	s9 =	sld [smem:$0x3FB3]  }
0x2f: {  	lr =	sadd.s32 s0, s3;
	s0 =	sld [smem:$0x3FAA]  }
0x30: {  	s3 =	sld [smem:$0x3FAD]  }
0x31: {  	[smem:$0x3FB6] =	sst s10  }
0x32: {  	s10 =	sld [smem:$0x3FB4];
	_ =	sdelay $0x3  }
0x33: {  	p0 =	seq.s32 s10, $0x1;
	s10 =	sld [smem:$0x3FB6];
	_ =	sdelay $0x3  }
0x34: {  	[smem:$0x3FB6] =	sst s10  }
0x35: {  	s10 =	sld [smem:$0x3FB5];
	_ =	sdelay $0x3  }
0x36: {  	p1 =	seq.s32 s10, $0x1;
	s10 =	sld [smem:$0x3FB6];
	_ =	sdelay $0x3  }
0x37: {  	[smem:$0x3FB6] =	sst s10  }
0x38: {  	s10 =	sld [smem:$0x3FB7]  }
0x39: {  	_ = 	snop;
	(pc) =	sbr.ind lr, $3  }
0x3a: {  	_ = 	snop  }
0x3b: {  	_ = 	snop  }
0x3c: {  	p2 =	seq.s32 s10, $0x1;
	s10 =	sld [smem:$0x3FB6]  }
0x3d: {  	_ =	shalt  }
0x3e: {  	_ =	shalt  }
0x3f: {  	_ =	shalt  }
0x40: {  	_ =	shalt  }
0x41: {  	_ =	shalt  }
0x42: {  	_ =	shalt  }
0x43: {  	_ =	shalt  }
0x44: {  	_ =	shalt  }
0x45: {  	_ =	shalt  }
0x46: {  	_ =	shalt  }
0x47: {  	_ =	shalt  }
0x48: {  	_ =	shalt  }
0x49: {  	_ =	shalt  }
0x4a: {  	_ =	shalt  }
0x4b: {  	_ =	shalt  }
0x4c: {  	_ =	shalt  }
0x4d: {  	_ =	shalt  }
0x4e: {  	_ =	shalt  }
0x4f: {  	_ =	shalt  }
0x50: {  	_ =	shalt  }
0x51: {  	_ =	shalt  }
0x52: {  	_ =	shalt  }
0x53: {  	_ =	shalt  }
0x54: {  	_ =	shalt  }
0x55: {  	_ =	shalt  }
0x56: {  	_ =	shalt  }
0x57: {  	_ =	shalt  }
0x58: {  	_ =	shalt  }
0x59: {  	_ =	shalt  }
0x5a: {  	_ =	shalt  }
0x5b: {  	_ =	shalt  }
0x5c: {  	_ =	shalt  }
0x5d: {  	_ =	shalt  }
0x5e: {  	_ =	shalt  }
0x5f: {  	_ =	shalt  }
0x60: {  	_ =	shalt  }
0x61: {  	_ =	shalt  }
0x62: {  	_ =	shalt  }
0x63: {  	_ =	shalt  }
0x64: {  	_ =	shalt  }
0x65: {  	_ =	shalt  }
0x66: {  	_ =	shalt  }
0x67: {  	_ =	shalt  }
0x68: {  	_ =	shalt  }
0x69: {  	_ =	shalt  }
0x6a: {  	_ =	shalt  }
0x6b: {  	_ =	shalt  }
0x6c: {  	_ =	shalt  }
0x6d: {  	_ =	shalt  }
0x6e: {  	_ =	shalt  }
0x6f: {  	_ =	shalt  }
0x70: {  	_ =	shalt  }
0x71: {  	_ =	shalt  }
0x72: {  	_ =	shalt  }
0x73: {  	_ =	shalt  }
0x74: {  	_ =	shalt  }
0x75: {  	_ =	shalt  }
0x76: {  	_ =	shalt  }
0x77: {  	_ =	shalt  }
0x78: {  	_ =	shalt  }
0x79: {  	_ =	shalt  }
0x7a: {  	_ =	shalt  }
0x7b: {  	_ =	shalt  }
0x7c: {  	_ =	shalt  }
0x7d: {  	_ =	shalt  }
0x7e: {  	_ =	shalt  }
0x7f: {  	_ =	shalt  }
0x80: {  	_ =	shalt  }
0x81: {  	_ =	shalt  }
0x82: {  	_ =	shalt  }
0x83: {  	_ =	shalt  }
0x84: {  	_ =	shalt  }
0x85: {  	_ =	shalt  }
0x86: {  	_ =	shalt  }
0x87: {  	_ =	shalt  }
.Lfunc_end0:
.L_simem_size_0:
called_computation_lowered:
.L_overlay_start_0:
0x88: {  	s2 =	sld [smem:$0x3FD9]  }
0x89: {  	s3 =	sld [smem:$0x3FFE];
	_ =	sdelay $0x1  }
0x8a: {  	s1 =	srdreg.scid  }
0x8b: {  	s0 =	sand.u32 $0x1, s1  }
0x8c: {  	s17 =	sshll.u32 s0, $0xA;
	s2 =	sadd.s32 s3, s2  }
0x8d: {  	s2 =	sadd.s32 s2, s17  }
0x8e: {  	[smem:$0x3FC2] =	sst s2  }
0x8f: {  	_ = 	snop  }
0x90: {  	s2 =	sld [smem:$0x3FD0];
	(tm) =	ssettm $0x1  }
0x91: {  	s18 =	sld [smem:$0x3FFB];
	_ =	sdelay $0x3  }
0x92: {  	_ =	strace s18  }
0x93: {  	s3 =	sld [smem:$0x3FFC];
	_ =	sdelay $0x3  }
0x94: {  	_ =	strace s3  }
0x95: {  	s3 =	sld [smem:$0x3FFD];
	_ =	sdelay $0x3  }
0x96: {  	_ =	strace s3  }
0x97: {  	_ =	strace $0x8FFFFFFF  }
0x98: {  	s19 =	sld [smem:$0x3FDB];
	_ =	sdelay $0x1  }
0x99: {  	s4 =	simm.s32 $_scs_section_size  }
0x9a: {  	s5 =	simm.s32 $_size__tile_overlayer_lowered;
	s6 =	simm.s32 $_tile_overlayer_lowered  }
0x9b: {  	s22 =	simm.s32 $0x1BFF;
	s21 =	sshll.u32 s6, $0x1;
	s3 =	sadd.s32 s4, s19  }
0x9c: {  	s7 =	simm.s32 $0x0;
	s20 =	sshll.u32 s5, $0x1;
	s5 =	sadd.s32 s21, s3  }
0x9d: {  	[timem:s7], [sflag:s22] =	dma.local [hbm:s5], s20  }
0x9e: {  	_ =	swait.ge [sflag:s22], s20  }
0x9f: {  	s4 =	ssub.s32 $0x0, s20;
	[sflag:s22] =	ssyncset.done $0x0  }
0xa0: {  	[sflag:s22] =	ssyncadd.s32 s4;
	_ =	sdelay $0x1  }
0xa1: {  	s23 =	simm.s32 $0x1B8B  }
0xa2: {  	_ =	swait.ge [sflag:s23], $0x1  }
0xa3: {  	[sflag:s23] =	ssyncset.done $0x0  }
0xa4: {  	s25 =	simm.s32 $0x1B8E;
	s24 =	sld [smem:$0x3FFE];
	[sflag:s23] =	ssyncadd.s32 $0xFFFFFFFF  }
0xa5: {  	s26 =	simm.s32 $execute0_lowered;
	[smem:$0x3FD2] =	sst s25  }
0xa6: {  	s5 =	sshll.u32 s26, $0x1;
	_ =	strace $0x80000046;
	[dreg:$0x1] =	wrdreg $0xFFFFFFFF  }
0xa7: {  	s28 =	simm.s32 $_size_execute0_lowered;
	s3 =	sadd.s32 s3, s5;
	[dreg:$0x0] =	wrdreg $0x0  }
0xa8: {  	s5 =	sshll.u32 s28, $0x1;
	[dreg:$0x2] =	wrdreg s3  }
0xa9: {  	[dreg:$0x3] =	wrdreg s5  }
0xaa: {  	[dreg:$0x4] =	wrdreg $0xC0  }
0xab: {  	_ =	task [dreg:s7], $0x5FFFF  }
0xac: {  	[dreg:$0x1] =	wrdreg $0xFFFFFFFF  }
0xad: {  	[dreg:$0x0] =	wrdreg $0x60  }
0xae: {  	[dreg:$0x2] =	wrdreg s24  }
0xaf: {  	[dreg:$0x3] =	wrdreg s2  }
0xb0: {  	[dreg:$0x4] =	wrdreg $0x2B800  }
0xb1: {  	[dreg:$0x5] =	wrdreg $0x9  }
0xb2: {  	_ =	task.clear_ibuf [dreg:s7], $0x6FFFF;
	_ =	strace $0x90000046  }
0xb3: {  	s29 =	simm.s32 $0x9;
	_ =	strace $0x80000048  }
0xb4: {  	_ =	swait.ge [sflag:s29], $0x1  }
0xb5: {  	[sflag:s29] =	ssyncadd.s32 $0xFFFFFFFF  }
0xb6: {  	_ =	strace $0x90000048  }
0xb7: {  	_ =	sfence  }
0xb8: {  	s30 =	sld [smem:$0x0];
	_ =	sdelay $0x2  }
0xb9: {  	s31 =	sshll.u32 s1, $0xD;
	s1 =	sshrl.u32 s1, $0x2  }
0xba: {  	s3 =	sand.u32 $0x4000, s31;
	s1 =	sadd.s32 s1, s30  }
0xbb: {  	s0 =	sor.u32 s3, s0;
	s1 =	sshll.u32 s1, $0x11  }
0xbc: {  	s0 =	sor.u32 s1, s0  }
0xbd: {  	s0 =	sadd.s32 $0x8F2B, s0  }
0xbe: {  	[sflag:s0] =	ssyncadd.remote.s32 $0x1  }
0xbf: {  	_ =	sfence.sel $0xFFFF  }
0xc0: {  	[dreg:$0x0] =	wrdreg $0xFFFFFFFF;
	(pc) =	sbr.abs _section_cstart, $3  }
0xc1: {  	[dreg:$0x1] =	wrdreg $0xFFFFFFFF  }
0xc2: {  	_ =	task.clear_ibuf [dreg:s7], $0x2FFFF;
	_ =	strace $0x9FFFFFFF  }
0xc3: {  	(tm) =	ssettm $0x7FFFFFFF  }
tec
execute0_lowered:
.L_overlay_start_1:
0x0: {  	(tag) =	ssettag $0x1  }
0x1: {  	s6 =	rddreg [dreg:$0x0]  }
0x2: {  	s2 =	rddreg [dreg:$0x1]  }
0x3: {  	s3 =	rddreg [dreg:$0x2]  }
0x4: {  	s0 =	rddreg [dreg:$0x3];
	s5 =	srdreg.scid  }
0x5: {  	s1 =	stileid.u32;
	s4 =	simm.s32 $0x0;
	s14 =	simm.s32 $0x80  }
0x6: {  	s15 =	simm.s32 $0x0;
	s7 =	sand.u32 $0x1, s5;
	s8 =	smul.u32 $0x1400, s1  }
0x7: {  	[smem:$0x7FF] =	sst s4;
	s10 =	sadd.s32 $0x1800, s6;
	s13 =	smul.u32 $0x2700, s1  }
0x8: {  	s5 =	sadd.s32 $0x1600, s6;
	s30 =	sshll.u32 s1, $0x6;
	s31 =	smul.u32 $0x4F0, s1  }
0x9: {  	s9 =	smul.u32 $0x14000, s7;
	_ =	strace $0x80000047;
	s11 =	ssub.s32 $0x2, s7  }
0xa: {  	p0 =	seq.s32 s7, $0x1;
	s12 =	sshrl.u32 s11, $0x1;
	s29 =	sadd.s32 s8, s3  }
.Ltmp0:
0xb: {  	s13 =	sshrl.u32 s13, $0x3;
	s7 =	sadd.s32 s10, s31;
	(pc) =	sbr.rel .LBB2_1-.Ltmp0, $4  }
0xc: {  	s9 =	sadd.s32 s8, s9;
	s11 =	ssub.s32 s11, s12;
	s13 =	sadd.s32 s10, s13  }
0xd: {  	s12 =	simm.s32 $0x1;
	s9 =	sshrl.u32 s9, $0x3;
	s8 =	sadd.s32 $0x4F00, s13  }
0xe: {  	s10 =	smax.u32 s11, $0x1;
	s11 =	sshrl.u32 s29, $0x3;
	s9 =	sadd.s32 s9, s6  }
0xf: {  	s13 =	simm.s32 $0x2780;
	s6 =	sor.u32 $0x1C01, s30;
	s9 =	sadd.s32 $0xB600, s9  }
.LBB2_7:
0x10: {  	[sflag:s12] =	ssyncadd.s32 $0xFFFFFF80  }
.LBB2_8:
0x11: {  	s15 =	sadd.s32 $0x1, s15  }
0x12: {  	p1 =	sne.s32 s15, s10  }
.Ltmp1:
0x13: {  	[bflag:$0x0] =	sbarrier.arrive $0xFFFF;
	(pc) =	sbr.rel @!p1 .LBB2_9-.Ltmp1, $4  }
0x14: {  	[hbm:s9], [sflag:s6] =	dma.local [spmem:s11], $0x280  }
0x15: {  	_ =	swait.ge [sflag:s12], $0x280  }
0x16: {  	[sflag:s12] =	ssyncset.done $0x0  }
0x17: {  	[sflag:s12] =	ssyncadd.s32 $0xFFFFFD80  }
.LBB2_1:
0x18: {  	[spmem:s11], [sflag:s6] =	dma.local [hbm:s2], $0x280  }
0x19: {  	_ =	swait.ge [sflag:s12], $0x280  }
0x1a: {  	[sflag:s12] =	ssyncset.done $0x0  }
.Ltmp2:
0x1b: {  	[sflag:s12] =	ssyncadd.s32 $0xFFFFFD80;
	(pc) =	sbr.rel @!p0 .LBB2_2-.Ltmp2, $4  }
0x1c: {  	[tilespmem:s13], [sflag:$0x1] =	stream.linear.gather [hbm4b:s5+s4], $0x400, $0x38;
	[tilespmem:$0x2E00] =	vst v63  }
0x1d: {  	_ =	swait.ge [sflag:s12], $0x400  }
0x1e: {  	[sflag:s12] =	ssyncset.done $0x0  }
0x1f: {  	s16 =	simm.s32 $0x0;
	[sflag:s12] =	ssyncadd.s32 $0xFFFFFC00  }
0x20: {  	[tilespmem:s16], [sflag:$0x1] =	stream.linear.gather [hbm4b:s8+s16], $0x2700, $0x38;
	[tilespmem:$0x2E00] =	vst v63  }
0x21: {  	_ =	swait.ge [sflag:s12], $0x2700  }
0x22: {  	[sflag:s12] =	ssyncset.done $0x0  }
0x23: {  	[sflag:s12] =	ssyncadd.s32 $0xFFFFD900  }
0x24: {  	s31 =	simm.s32 $0x0;
	[bflag:$0x0] =	sbarrier.arrive $0xFFFF  }
0x25: {  	[spmem:s3] =	stream.indirect.scatter.add.f32 [tilespmem:s13], [sflag:$0x1], $0x1, s31, s14, $0xb8;
	[tilespmem:$0x2E00] =	vst v63  }
0x26: {  	_ =	swait.ge [sflag:s12], $0x80  }
0x27: {  	s16 =	simm.s32 $0x200;
	[sflag:s12] =	ssyncset.done $0x0  }
.LBB2_6:
0x28: {  	s17 =	sshra.s32 s16, $0x2;
	[sflag:s12] =	ssyncadd.s32 $0xFFFFFF80;
	p1 =	sne.s32 s16, $0x9A00  }
0x29: {  	[spmem:s3] =	stream.indirect.scatter.add.f32 [tilespmem:s13], [sflag:$0x1], $0x1, s17, s14, $0xb8;
	[tilespmem:$0x2E00] =	vst v63  }
.Ltmp3:
0x2a: {  	_ = 	snop;
	(pc) =	sbr.rel @p1 .LBB2_6-.Ltmp3, $4  }
0x2b: {  	_ = 	snop  }
0x2c: {  	s16 =	sadd.s32 $0x200, s16  }
0x2d: {  	_ =	swait.ge [sflag:s12], $0x80  }
0x2e: {  	[sflag:s12] =	ssyncset.done $0x0  }
.Ltmp4:
0x2f: {  	_ = 	snop;
	(pc) =	sbr.rel .LBB2_7-.Ltmp4, $1  }
0x30: {  	_ =	sdelay $0x3  }
.LBB2_2:
0x31: {  	[tilespmem:s16], [sflag:$0x1] =	stream.linear.gather [hbm4b:s7+s16], $0x2780, $0x38;
	[tilespmem:$0x2E00] =	vst v63  }
0x32: {  	_ =	swait.ge [sflag:s12], $0x2780  }
0x33: {  	[sflag:s12] =	ssyncset.done $0x0  }
0x34: {  	[sflag:s12] =	ssyncadd.s32 $0xFFFFD880  }
0x35: {  	s31 =	simm.s32 $0x0;
	[bflag:$0x0] =	sbarrier.arrive $0xFFFF  }
0x36: {  	[spmem:s3] =	stream.indirect.scatter.add.f32 [tilespmem:s13], [sflag:$0x1], $0x1, s31, s14, $0xb8;
	[tilespmem:$0x2E00] =	vst v63  }
0x37: {  	_ =	swait.ge [sflag:s12], $0x80  }
0x38: {  	s16 =	simm.s32 $0x200;
	[sflag:s12] =	ssyncset.done $0x0  }
.LBB2_3:
0x39: {  	s17 =	sshra.s32 s16, $0x2;
	[sflag:s12] =	ssyncadd.s32 $0xFFFFFF80;
	p1 =	seq.s32 s16, $0x9C00  }
0x3a: {  	[spmem:s3] =	stream.indirect.scatter.add.f32 [tilespmem:s13], [sflag:$0x1], $0x1, s17, s14, $0xb8;
	[tilespmem:$0x2E00] =	vst v63  }
.Ltmp5:
0x3b: {  	_ = 	snop;
	(pc) =	sbr.rel @!p1 .LBB2_3-.Ltmp5, $4  }
0x3c: {  	_ = 	snop  }
0x3d: {  	s16 =	sadd.s32 $0x200, s16  }
0x3e: {  	_ =	swait.ge [sflag:s12], $0x80  }
0x3f: {  	[sflag:s12] =	ssyncset.done $0x0  }
.Ltmp6:
0x40: {  	(pc) =	sbr.rel .LBB2_8-.Ltmp6, $2  }
0x41: {  	_ =	sdelay $0x2  }
0x42: {  	[sflag:s12] =	ssyncadd.s32 $0xFFFFFF80  }
.LBB2_9:
0x43: {  	_ =	sfence.sel $0x180000  }
0x44: {  	[bflag:$0x0] =	sbarrier.arrive $0xFFFF  }
0x45: {  	p0 =	sne.s32 s1, $0x0;
	_ =	strace $0x90000047  }
0x46: {  	s0 =	sadd.s32 @!p0 $0x100000, s0;
	[bflag:$0x2] =	sbarrier.arrive $0xFFFF  }
0x47: {  	[sflag:s0] =	ssyncadd.tile.s32 @!p0 $0x1;
	_ =	shalt  }
.Lfunc_end2:
_tile_overlayer_lowered:
.L_overlay_start_2:
0x48: {  	(tag) =	ssettag $0x2  }
0x49: {  	s0 =	rddreg [dreg:$0x0];
	s2 =	stileid.u32  }
0x4a: {  	s1 =	rddreg [dreg:$0x1];
	p0 =	sne.s32 s2, $0x0  }
0x4b: {  	s3 =	rddreg [dreg:$0x2];
	[bflag:$0x3] =	sbarrier.arrive $0xFFFF;
	s2 =	simm.s32 @!p0 $0x1C01  }
0x4c: {  	[timem:s3], [sflag:s2] =	dma.local @!p0 [hbm:s0], s1  }
0x4d: {  	s0 =	simm.s32 @!p0 $0x1  }
0x4e: {  	_ =	swait.ge @!p0 [sflag:s0], s1  }
0x4f: {  	s1 =	ssub.s32 @!p0 $0x0, s1;
	[sflag:s0] =	ssyncset.done @!p0 $0x0  }
0x50: {  	[sflag:s0] =	ssyncadd.s32 @!p0 s1  }
0x51: {  	[bflag:$0x3] =	sbarrier.arrive $0xFFFF  }
0x52: {  	_ =	shalt  }

</sc_bundles>
